<compile_context>
chip_gen: v7x
topology: tpu7x:2x2x1
jax: 0.10.2.dev20260603
libtpu: 0.0.44.dev20260713+nightly
codegen_flags: <defaults>
</compile_context>

<pallas_src>
import functools

import jax
import jax.numpy as jnp
from jax import lax
from jax.experimental import pallas as pl
from jax.experimental.pallas import tpu as pltpu
from jax.experimental.pallas import tpu_sc as plsc

NN = 10000
EE = 320000
NC, NS = 2, 16
NW = NC * NS
C = 100
CS = 104
RPW = EE // NW // C
EPW = EE // NW
SL = 632
SLMAX = NN - SL

BN = 2000


def _make_agg(F):
    mesh = plsc.VectorSubcoreMesh(core_axis_name="c", subcore_axis_name="s",
                                  num_cores=NC, num_subcores=NS)

    @functools.partial(
        pl.kernel,
        mesh=mesh,
        out_type=(
            jax.ShapeDtypeStruct((NN, F), jnp.float32),
            jax.ShapeDtypeStruct((NN, F), jnp.float32),
        ),
        scratch_types=[
            pltpu.VMEM((RPW * CS,), jnp.int32),
            pltpu.VMEM((RPW, C), jnp.int32),
            pltpu.VMEM((C, F), jnp.float32),
            pltpu.VMEM((C, F), jnp.float32),
            pltpu.VMEM_SHARED((NN, F), jnp.float32),
            pltpu.SemaphoreType.DMA,
            pltpu.SemaphoreType.DMA,
        ],
    )
    def agg(g_hbm, z_hbm, src_hbm, dst_hbm, out0, out1, src_v, dst_v,
            rows0, rows1, acc_sh, sem0, sem1):
        c = lax.axis_index("c")
        s = lax.axis_index("s")
        row0 = jnp.minimum(s * SL, SLMAX)

        @pl.when(c == 0)
        def _():
            pltpu.sync_copy(g_hbm.at[pl.ds(row0, SL)],
                            acc_sh.at[pl.ds(row0, SL)])

        @pl.when(c == 1)
        def _():
            pltpu.sync_copy(z_hbm.at[pl.ds(row0, SL)],
                            acc_sh.at[pl.ds(row0, SL)])

        plsc.subcore_barrier()

        w = c * NS + s
        pltpu.sync_copy(src_hbm.at[w], src_v)
        pltpu.sync_copy(dst_hbm.at[w], dst_v)

        def sidx(j):
            return src_v.at[pl.ds(j * CS, C)]

        pltpu.async_copy(g_hbm.at[sidx(0)], rows0, sem0)

        def body(t, carry):
            j0 = 2 * t
            j1 = 2 * t + 1
            pltpu.make_async_copy(g_hbm.at[sidx(j0)], rows0, sem0).wait()
            pltpu.async_copy(g_hbm.at[sidx(j1)], rows1, sem1)
            pltpu.sync_copy(rows0, acc_sh.at[dst_v.at[j0]], add=True)

            @pl.when(j0 + 2 < RPW)
            def _():
                pltpu.async_copy(g_hbm.at[sidx(j0 + 2)], rows0, sem0)

            pltpu.make_async_copy(g_hbm.at[sidx(j1)], rows1, sem1).wait()
            pltpu.sync_copy(rows1, acc_sh.at[dst_v.at[j1]], add=True)
            return carry

        lax.fori_loop(0, RPW // 2, body, 0)

        if RPW % 2:
            pltpu.make_async_copy(g_hbm.at[sidx(RPW - 1)], rows0, sem0).wait()
            pltpu.sync_copy(rows0, acc_sh.at[dst_v.at[RPW - 1]], add=True)

        plsc.subcore_barrier()

        @pl.when(c == 0)
        def _():
            pltpu.sync_copy(acc_sh.at[pl.ds(row0, SL)],
                            out0.at[pl.ds(row0, SL)])

        @pl.when(c == 1)
        def _():
            pltpu.sync_copy(acc_sh.at[pl.ds(row0, SL)],
                            out1.at[pl.ds(row0, SL)])

    return agg


_get_agg = functools.lru_cache(maxsize=None)(_make_agg)


def _lrelu(x):
    return jnp.where(x > 0, x, 0.1 * x)


def _prep_body(p0_ref, p1_ref, x_ref, dis_ref, g1_ref):
    deg = p0_ref[:, :1] + p1_ref[:, :1]
    dis = lax.rsqrt(deg)
    dis_ref[...] = dis
    g1_ref[...] = x_ref[...] * dis


def _mid1_body(p0_ref, p1_ref, dis_ref, w1_ref, b1_ref, w2_ref, g2_ref):
    dis = dis_ref[...]
    u = (p0_ref[...] + p1_ref[...]) * dis
    h1 = _lrelu(jnp.dot(u, w1_ref[...], preferred_element_type=jnp.float32)
                + b1_ref[...])
    g2_ref[...] = jnp.dot(h1, w2_ref[...],
                          preferred_element_type=jnp.float32) * dis


def _mid_body(p0_ref, p1_ref, dis_ref, b_ref, w_ref, g_ref):
    dis = dis_ref[...]
    u = (p0_ref[...] + p1_ref[...]) * dis + b_ref[...]
    h = _lrelu(u)
    g_ref[...] = jnp.dot(h, w_ref[...],
                         preferred_element_type=jnp.float32) * dis


def _fin_body(p0_ref, p1_ref, dis_ref, b4_ref, wl_ref, bl_ref, out_ref):
    u = (p0_ref[...] + p1_ref[...]) * dis_ref[...] + b4_ref[...]
    h = _lrelu(u)[:, :32]
    logits = jnp.dot(h, wl_ref[...],
                     preferred_element_type=jnp.float32) + bl_ref[...]
    m = jnp.max(logits, axis=1, keepdims=True)
    e = jnp.exp(logits - m)
    out_ref[...] = e / jnp.sum(e, axis=1, keepdims=True)


def _row_spec(f):
    return pl.BlockSpec((BN, f), lambda i: (i, 0))


def _full_spec(shape):
    return pl.BlockSpec(shape, lambda i: tuple(0 for _ in shape))


_GRID = NN // BN


def _tc_call(body, in_specs, out_specs, out_shape, *args):
    return pl.pallas_call(
        body,
        grid=(_GRID,),
        in_specs=in_specs,
        out_specs=out_specs,
        out_shape=out_shape,
    )(*args)


def kernel(x, edge_index, W1, b1, W2, b2, W3, b3, W4, b4, Wl, bl):
    f32 = jnp.float32
    src2 = jnp.pad(edge_index[0].reshape(NW, RPW, C),
                   ((0, 0), (0, 0), (0, CS - C))).reshape(NW, RPW * CS)
    dst2 = edge_index[1].reshape(NW, RPW, C)

    ones128 = jnp.ones((NN, 128), f32)
    z128 = jnp.zeros((NN, 128), f32)

    W3p = jnp.pad(W3, ((0, 0), (0, 72)))
    b3p = jnp.pad(b3, (0, 72)).reshape(1, 128)
    W4p = jnp.pad(W4, ((0, 72), (0, 96)))
    b4p = jnp.pad(b4, (0, 96)).reshape(1, 128)
    b1r = b1.reshape(1, 256)
    b2r = b2.reshape(1, 128)
    blr = bl.reshape(1, 16)

    agg = _get_agg(128)

    d0, d1 = agg(ones128, z128, src2, dst2)

    dis, g1 = _tc_call(
        _prep_body,
        [_row_spec(128), _row_spec(128), _row_spec(128)],
        (_row_spec(1), _row_spec(128)),
        (jax.ShapeDtypeStruct((NN, 1), f32),
         jax.ShapeDtypeStruct((NN, 128), f32)),
        d0, d1, x)

    a0, a1 = agg(g1, z128, src2, dst2)
    g2 = _tc_call(
        _mid1_body,
        [_row_spec(128), _row_spec(128), _row_spec(1),
         _full_spec((128, 256)), _full_spec((1, 256)), _full_spec((256, 128))],
        _row_spec(128),
        jax.ShapeDtypeStruct((NN, 128), f32),
        a0, a1, dis, W1, b1r, W2)

    a0, a1 = agg(g2, z128, src2, dst2)
    g3 = _tc_call(
        _mid_body,
        [_row_spec(128), _row_spec(128), _row_spec(1),
         _full_spec((1, 128)), _full_spec((128, 128))],
        _row_spec(128),
        jax.ShapeDtypeStruct((NN, 128), f32),
        a0, a1, dis, b2r, W3p)

    a0, a1 = agg(g3, z128, src2, dst2)
    g4 = _tc_call(
        _mid_body,
        [_row_spec(128), _row_spec(128), _row_spec(1),
         _full_spec((1, 128)), _full_spec((128, 128))],
        _row_spec(128),
        jax.ShapeDtypeStruct((NN, 128), f32),
        a0, a1, dis, b3p, W4p)

    a0, a1 = agg(g4, z128, src2, dst2)
    out = _tc_call(
        _fin_body,
        [_row_spec(128), _row_spec(128), _row_spec(1),
         _full_spec((1, 128)), _full_spec((32, 16)), _full_spec((1, 16))],
        _row_spec(16),
        jax.ShapeDtypeStruct((NN, 16), f32),
        a0, a1, dis, b4p, Wl, blr)

    return out

# --- scband reference (transcript-rebuilt; emitter-appended) ---
"""Pipeline reference for scband-gcn-13683765805591 (READ-ONLY COPY).

The authoritative reference and input builder live on the scoring server;
editing this copy changes nothing except your own understanding.
"""

import jax, jax.numpy as jnp
import numpy as np

N = 10000
E = 320000
D_IN = 128
DIMS = [(128, 256), (256, 128), (128, 56), (56, 32)]
OUT = 16


def _glorot(key, fan_in, fan_out):
    s = jnp.sqrt(2.0 / (fan_in + fan_out))
    return jax.random.normal(key, (fan_in, fan_out), dtype=jnp.float32) * s


def setup_inputs(seed: int = 0) -> dict:
    key = jax.random.key(seed)
    ks = jax.random.split(key, 16)
    x = jax.random.normal(ks[0], (N, D_IN), dtype=jnp.float32)
    edge_index = jax.random.randint(ks[1], (2, E), 0, N, dtype=jnp.int32)
    inp = {"x": x, "edge_index": edge_index}
    for i, (fi, fo) in enumerate(DIMS):
        inp[f"W{i+1}"] = _glorot(ks[2 + 2 * i], fi, fo)
        inp[f"b{i+1}"] = jnp.zeros((fo,), dtype=jnp.float32)
    inp["Wl"] = _glorot(ks[12], 32, OUT)
    inp["bl"] = jnp.zeros((OUT,), dtype=jnp.float32)
    return inp


def _gcn_conv(x, edge_index, W, b):
    h = x @ W
    loop = jnp.arange(N, dtype=edge_index.dtype)
    src = jnp.concatenate([edge_index[0], loop])
    dst = jnp.concatenate([edge_index[1], loop])
    deg = jnp.zeros((N,), h.dtype).at[dst].add(1.0)
    dis = jnp.where(deg > 0, jax.lax.rsqrt(jnp.maximum(deg, 1e-12)), 0.0)
    norm = dis[src] * dis[dst]
    msg = h[src] * norm[:, None]
    out = jnp.zeros((N, W.shape[1]), h.dtype).at[dst].add(msg)
    return out + b


def reference(x, edge_index, W1, b1, W2, b2, W3, b3, W4, b4, Wl, bl):
    h = jax.nn.leaky_relu(_gcn_conv(x, edge_index, W1, b1), 0.1)
    h = jax.nn.leaky_relu(_gcn_conv(h, edge_index, W2, b2), 0.1)
    h = jax.nn.leaky_relu(_gcn_conv(h, edge_index, W3, b3), 0.1)
    h = jax.nn.leaky_relu(_gcn_conv(h, edge_index, W4, b4), 0.1)
    logits = h @ Wl + bl
    return jax.nn.softmax(logits, axis=-1)

if __name__ == "__main__":
    import jax
    _d = setup_inputs()
    print(jax.jit(kernel)(*tuple(_d.values())))

</pallas_src>

<mosaic_0001>
#map = affine_map<(d0, d1) -> (0, 0)>
#map1 = affine_map<(d0, d1) -> (0, 0, 0)>
module attributes {stable_mosaic.version = 14 : i64} {
  func.func @agg(%arg0: i32, %arg1: i32, %arg2: memref<10000x128xf32, #tpu.memory_space<hbm>>, %arg3: memref<10000x128xf32, #tpu.memory_space<hbm>>, %arg4: memref<32x10400xi32, #tpu.memory_space<hbm>>, %arg5: memref<32x100x100xi32, #tpu.memory_space<hbm>>, %arg6: memref<10000x128xf32, #tpu.memory_space<hbm>>, %arg7: memref<10000x128xf32, #tpu.memory_space<hbm>>, %arg8: memref<10400xi32, #tpu.memory_space<vmem>>, %arg9: memref<100x100xi32, #tpu.memory_space<vmem>>, %arg10: memref<100x128xf32, #tpu.memory_space<vmem>>, %arg11: memref<100x128xf32, #tpu.memory_space<vmem>>, %arg12: memref<10000x128xf32, #tpu.memory_space<vmem_shared>>, %arg13: memref<!tpu.dma_semaphore, #tpu.memory_space<semaphore_mem>>, %arg14: memref<!tpu.dma_semaphore, #tpu.memory_space<semaphore_mem>>) attributes {dimension_semantics = [#tpu.dimension_semantics<core_parallel>, #tpu.dimension_semantics<subcore_parallel>], iteration_bounds = array<i64: 2, 16>, scalar_prefetch = 0 : i64, scratch_operands = 7 : i64, tpu.core_type = #tpu.core_type<sc_vector_subcore>, window_params = [{transform_indices = #map}, {transform_indices = #map}, {transform_indices = #map}, {transform_indices = #map1}, {transform_indices = #map}, {transform_indices = #map}]} {
    %mul3A = arith.constant 632 : i32
    %mul3A_0 = arith.muli %arg1, %mul3A : i32
    %min3A = arith.constant 9368 : i32
    %min3A_1 = arith.minsi %mul3A_0, %min3A : i32
    %eq3A = arith.constant 0 : i32
    %eq3A_2 = arith.cmpi eq, %arg0, %eq3A : i32
    %convert_element_type3A = arith.extui %eq3A_2 : i1 to i32
    %cond3A = arith.constant 0 : i32
    %cond3A_3 = arith.cmpi ne, %convert_element_type3A, %cond3A : i32
    scf.if %cond3A_3 {
      "tpu.region"() ({
        %run_scoped3A = tpu.sem_alloc : memref<!tpu.dma_semaphore, #tpu.memory_space<semaphore_mem>>
        %dma_start3A_31 = arith.constant 0 : i32
        %dma_start3A_32 = tpu.memref_slice %arg12[%min3A_1, %dma_start3A_31] : memref<10000x128xf32, #tpu.memory_space<vmem_shared>> -> memref<632x128xf32, #tpu.memory_space<vmem_shared>>
        %dma_start3A_33 = arith.constant 0 : i32
        %dma_start3A_34 = tpu.memref_slice %arg2[%min3A_1, %dma_start3A_33] : memref<10000x128xf32, #tpu.memory_space<hbm>> -> memref<632x128xf32, #tpu.memory_space<hbm>>
        tpu.enqueue_dma source(%dma_start3A_34 : memref<632x128xf32, #tpu.memory_space<hbm>>) target(%dma_start3A_32 : memref<632x128xf32, #tpu.memory_space<vmem_shared>>) target_semaphore(%run_scoped3A : memref<!tpu.dma_semaphore, #tpu.memory_space<semaphore_mem>>)
        %dma_wait3A = arith.constant 0 : i32
        %dma_wait3A_35 = tpu.memref_slice %arg12[%min3A_1, %dma_wait3A] : memref<10000x128xf32, #tpu.memory_space<vmem_shared>> -> memref<632x128xf32, #tpu.memory_space<vmem_shared>>
        %dma_wait3A_36 = arith.constant 0 : i32
        %dma_wait3A_37 = tpu.memref_slice %arg2[%min3A_1, %dma_wait3A_36] : memref<10000x128xf32, #tpu.memory_space<hbm>> -> memref<632x128xf32, #tpu.memory_space<hbm>>
        tpu.wait_dma2 semaphore(%run_scoped3A : memref<!tpu.dma_semaphore, #tpu.memory_space<semaphore_mem>>) src(%dma_wait3A_37 : memref<632x128xf32, #tpu.memory_space<hbm>>) dst(%dma_wait3A_35 : memref<632x128xf32, #tpu.memory_space<vmem_shared>>)
        tpu.yield
      }) : () -> ()
    } else {
    }
    %eq3A_4 = arith.constant 1 : i32
    %eq3A_5 = arith.cmpi eq, %arg0, %eq3A_4 : i32
    %convert_element_type3A_6 = arith.extui %eq3A_5 : i1 to i32
    %cond3A_7 = arith.constant 0 : i32
    %cond3A_8 = arith.cmpi ne, %convert_element_type3A_6, %cond3A_7 : i32
    scf.if %cond3A_8 {
      "tpu.region"() ({
        %run_scoped3A = tpu.sem_alloc : memref<!tpu.dma_semaphore, #tpu.memory_space<semaphore_mem>>
        %dma_start3A_31 = arith.constant 0 : i32
        %dma_start3A_32 = tpu.memref_slice %arg12[%min3A_1, %dma_start3A_31] : memref<10000x128xf32, #tpu.memory_space<vmem_shared>> -> memref<632x128xf32, #tpu.memory_space<vmem_shared>>
        %dma_start3A_33 = arith.constant 0 : i32
        %dma_start3A_34 = tpu.memref_slice %arg3[%min3A_1, %dma_start3A_33] : memref<10000x128xf32, #tpu.memory_space<hbm>> -> memref<632x128xf32, #tpu.memory_space<hbm>>
        tpu.enqueue_dma source(%dma_start3A_34 : memref<632x128xf32, #tpu.memory_space<hbm>>) target(%dma_start3A_32 : memref<632x128xf32, #tpu.memory_space<vmem_shared>>) target_semaphore(%run_scoped3A : memref<!tpu.dma_semaphore, #tpu.memory_space<semaphore_mem>>)
        %dma_wait3A = arith.constant 0 : i32
        %dma_wait3A_35 = tpu.memref_slice %arg12[%min3A_1, %dma_wait3A] : memref<10000x128xf32, #tpu.memory_space<vmem_shared>> -> memref<632x128xf32, #tpu.memory_space<vmem_shared>>
        %dma_wait3A_36 = arith.constant 0 : i32
        %dma_wait3A_37 = tpu.memref_slice %arg3[%min3A_1, %dma_wait3A_36] : memref<10000x128xf32, #tpu.memory_space<hbm>> -> memref<632x128xf32, #tpu.memory_space<hbm>>
        tpu.wait_dma2 semaphore(%run_scoped3A : memref<!tpu.dma_semaphore, #tpu.memory_space<semaphore_mem>>) src(%dma_wait3A_37 : memref<632x128xf32, #tpu.memory_space<hbm>>) dst(%dma_wait3A_35 : memref<632x128xf32, #tpu.memory_space<vmem_shared>>)
        tpu.yield
      }) : () -> ()
    } else {
    }
    %barrier3A = arith.constant 0 : index
    tpu.barrier barrier_id(%barrier3A)
    %mul3A_9 = arith.constant 16 : i32
    %mul3A_10 = arith.muli %arg0, %mul3A_9 : i32
    %add3A = arith.addi %mul3A_10, %arg1 : i32
    "tpu.region"() ({
      %run_scoped3A = tpu.sem_alloc : memref<!tpu.dma_semaphore, #tpu.memory_space<semaphore_mem>>
      %dma_start3A_31 = arith.constant 0 : i32
      %dma_start3A_32 = tpu.memref_slice %arg4[%add3A, %dma_start3A_31] : memref<32x10400xi32, #tpu.memory_space<hbm>> -> memref<1x10400xi32, #tpu.memory_space<hbm>>
      %dma_start3A_33 = tpu.memref_squeeze %dma_start3A_32 : memref<1x10400xi32, #tpu.memory_space<hbm>> -> memref<10400xi32, #tpu.memory_space<hbm>>
      %dma_start3A_34 = arith.constant 0 : i32
      %dma_start3A_35 = tpu.memref_slice %arg4[%add3A, %dma_start3A_34] : memref<32x10400xi32, #tpu.memory_space<hbm>> -> memref<1x10400xi32, #tpu.memory_space<hbm>>
      %dma_start3A_36 = tpu.memref_squeeze %dma_start3A_35 : memref<1x10400xi32, #tpu.memory_space<hbm>> -> memref<10400xi32, #tpu.memory_space<hbm>>
      tpu.enqueue_dma source(%dma_start3A_36 : memref<10400xi32, #tpu.memory_space<hbm>>) target(%arg8 : memref<10400xi32, #tpu.memory_space<vmem>>) target_semaphore(%run_scoped3A : memref<!tpu.dma_semaphore, #tpu.memory_space<semaphore_mem>>)
      %dma_wait3A = arith.constant 0 : i32
      %dma_wait3A_37 = tpu.memref_slice %arg4[%add3A, %dma_wait3A] : memref<32x10400xi32, #tpu.memory_space<hbm>> -> memref<1x10400xi32, #tpu.memory_space<hbm>>
      %dma_wait3A_38 = tpu.memref_squeeze %dma_wait3A_37 : memref<1x10400xi32, #tpu.memory_space<hbm>> -> memref<10400xi32, #tpu.memory_space<hbm>>
      %dma_wait3A_39 = arith.constant 0 : i32
      %dma_wait3A_40 = tpu.memref_slice %arg4[%add3A, %dma_wait3A_39] : memref<32x10400xi32, #tpu.memory_space<hbm>> -> memref<1x10400xi32, #tpu.memory_space<hbm>>
      %dma_wait3A_41 = tpu.memref_squeeze %dma_wait3A_40 : memref<1x10400xi32, #tpu.memory_space<hbm>> -> memref<10400xi32, #tpu.memory_space<hbm>>
      tpu.wait_dma2 semaphore(%run_scoped3A : memref<!tpu.dma_semaphore, #tpu.memory_space<semaphore_mem>>) src(%dma_wait3A_41 : memref<10400xi32, #tpu.memory_space<hbm>>) dst(%arg8 : memref<10400xi32, #tpu.memory_space<vmem>>)
      tpu.yield
    }) : () -> ()
    "tpu.region"() ({
      %run_scoped3A = tpu.sem_alloc : memref<!tpu.dma_semaphore, #tpu.memory_space<semaphore_mem>>
      %dma_start3A_31 = arith.constant 0 : i32
      %dma_start3A_32 = arith.constant 0 : i32
      %dma_start3A_33 = tpu.memref_slice %arg5[%add3A, %dma_start3A_31, %dma_start3A_32] : memref<32x100x100xi32, #tpu.memory_space<hbm>> -> memref<1x100x100xi32, #tpu.memory_space<hbm>>
      %dma_start3A_34 = tpu.memref_squeeze %dma_start3A_33 : memref<1x100x100xi32, #tpu.memory_space<hbm>> -> memref<100x100xi32, #tpu.memory_space<hbm>>
      %dma_start3A_35 = arith.constant 0 : i32
      %dma_start3A_36 = arith.constant 0 : i32
      %dma_start3A_37 = tpu.memref_slice %arg5[%add3A, %dma_start3A_35, %dma_start3A_36] : memref<32x100x100xi32, #tpu.memory_space<hbm>> -> memref<1x100x100xi32, #tpu.memory_space<hbm>>
      %dma_start3A_38 = tpu.memref_squeeze %dma_start3A_37 : memref<1x100x100xi32, #tpu.memory_space<hbm>> -> memref<100x100xi32, #tpu.memory_space<hbm>>
      tpu.enqueue_dma source(%dma_start3A_38 : memref<100x100xi32, #tpu.memory_space<hbm>>) target(%arg9 : memref<100x100xi32, #tpu.memory_space<vmem>>) target_semaphore(%run_scoped3A : memref<!tpu.dma_semaphore, #tpu.memory_space<semaphore_mem>>)
      %dma_wait3A = arith.constant 0 : i32
      %dma_wait3A_39 = arith.constant 0 : i32
      %dma_wait3A_40 = tpu.memref_slice %arg5[%add3A, %dma_wait3A, %dma_wait3A_39] : memref<32x100x100xi32, #tpu.memory_space<hbm>> -> memref<1x100x100xi32, #tpu.memory_space<hbm>>
      %dma_wait3A_41 = tpu.memref_squeeze %dma_wait3A_40 : memref<1x100x100xi32, #tpu.memory_space<hbm>> -> memref<100x100xi32, #tpu.memory_space<hbm>>
      %dma_wait3A_42 = arith.constant 0 : i32
      %dma_wait3A_43 = arith.constant 0 : i32
      %dma_wait3A_44 = tpu.memref_slice %arg5[%add3A, %dma_wait3A_42, %dma_wait3A_43] : memref<32x100x100xi32, #tpu.memory_space<hbm>> -> memref<1x100x100xi32, #tpu.memory_space<hbm>>
      %dma_wait3A_45 = tpu.memref_squeeze %dma_wait3A_44 : memref<1x100x100xi32, #tpu.memory_space<hbm>> -> memref<100x100xi32, #tpu.memory_space<hbm>>
      tpu.wait_dma2 semaphore(%run_scoped3A : memref<!tpu.dma_semaphore, #tpu.memory_space<semaphore_mem>>) src(%dma_wait3A_45 : memref<100x100xi32, #tpu.memory_space<hbm>>) dst(%arg9 : memref<100x100xi32, #tpu.memory_space<vmem>>)
      tpu.yield
    }) : () -> ()
    %dma_start3A = arith.constant 0 : i32
    %dma_start3A_11 = tpu.memref_slice %arg8[%dma_start3A] : memref<10400xi32, #tpu.memory_space<vmem>> -> memref<100xi32, #tpu.memory_space<vmem>>
    %dma_start3A_12 = arith.constant 0 : i32
    %dma_start3A_13 = arith.constant 0 : i32
    %dma_start3A_14 = tpu.memref_slice %arg2[%dma_start3A_12, %dma_start3A_13] : memref<10000x128xf32, #tpu.memory_space<hbm>> -> memref<10000x128xf32, #tpu.memory_space<hbm>>
    tpu.enqueue_indirect_dma source(%dma_start3A_14 : memref<10000x128xf32, #tpu.memory_space<hbm>>) target(%arg10 : memref<100x128xf32, #tpu.memory_space<vmem>>) offsets(%dma_start3A_11 : memref<100xi32, #tpu.memory_space<vmem>>) semaphore(%arg13 : memref<!tpu.dma_semaphore, #tpu.memory_space<semaphore_mem>>)
    %scan3A = arith.constant 0 : i32
    %scan3A_15 = arith.constant 0 : i32
    %scan3A_16 = arith.constant 50 : i32
    %scan3A_17 = arith.addi %scan3A_15, %scan3A_16 : i32
    %scan3A_18 = arith.constant 1 : i32
    scf.for %scan3A_31 = %scan3A_15 to %scan3A_17 step %scan3A_18  : i32 {
      %mul3A_32 = arith.constant 2 : i32
      %mul3A_33 = arith.muli %mul3A_32, %scan3A_31 : i32
      %mul3A_34 = arith.constant 2 : i32
      %mul3A_35 = arith.muli %mul3A_34, %scan3A_31 : i32
      %add3A_36 = arith.constant 1 : i32
      %add3A_37 = arith.addi %mul3A_35, %add3A_36 : i32
      %mul3A_38 = arith.constant 104 : i32
      %mul3A_39 = arith.muli %mul3A_33, %mul3A_38 : i32
      %dma_wait3A = tpu.memref_slice %arg8[%mul3A_39] : memref<10400xi32, #tpu.memory_space<vmem>> -> memref<100xi32, #tpu.memory_space<vmem>>
      %dma_wait3A_40 = arith.constant 0 : i32
      %dma_wait3A_41 = arith.constant 0 : i32
      %dma_wait3A_42 = tpu.memref_slice %arg2[%dma_wait3A_40, %dma_wait3A_41] : memref<10000x128xf32, #tpu.memory_space<hbm>> -> memref<10000x128xf32, #tpu.memory_space<hbm>>
      tpu.wait_indirect_dma semaphore(%arg13 : memref<!tpu.dma_semaphore, #tpu.memory_space<semaphore_mem>>) src(%dma_wait3A_42 : memref<10000x128xf32, #tpu.memory_space<hbm>>) dst(%arg10 : memref<100x128xf32, #tpu.memory_space<vmem>>)
      %mul3A_43 = arith.constant 104 : i32
      %mul3A_44 = arith.muli %add3A_37, %mul3A_43 : i32
      %dma_start3A_45 = tpu.memref_slice %arg8[%mul3A_44] : memref<10400xi32, #tpu.memory_space<vmem>> -> memref<100xi32, #tpu.memory_space<vmem>>
      %dma_start3A_46 = arith.constant 0 : i32
      %dma_start3A_47 = arith.constant 0 : i32
      %dma_start3A_48 = tpu.memref_slice %arg2[%dma_start3A_46, %dma_start3A_47] : memref<10000x128xf32, #tpu.memory_space<hbm>> -> memref<10000x128xf32, #tpu.memory_space<hbm>>
      tpu.enqueue_indirect_dma source(%dma_start3A_48 : memref<10000x128xf32, #tpu.memory_space<hbm>>) target(%arg11 : memref<100x128xf32, #tpu.memory_space<vmem>>) offsets(%dma_start3A_45 : memref<100xi32, #tpu.memory_space<vmem>>) semaphore(%arg14 : memref<!tpu.dma_semaphore, #tpu.memory_space<semaphore_mem>>)
      "tpu.region"() ({
        %run_scoped3A = tpu.sem_alloc : memref<!tpu.dma_semaphore, #tpu.memory_space<semaphore_mem>>
        %dma_start3A_61 = arith.constant 0 : i32
        %dma_start3A_62 = tpu.memref_slice %arg9[%mul3A_33, %dma_start3A_61] : memref<100x100xi32, #tpu.memory_space<vmem>> -> memref<1x100xi32, #tpu.memory_space<vmem>>
        %dma_start3A_63 = tpu.memref_squeeze %dma_start3A_62 : memref<1x100xi32, #tpu.memory_space<vmem>> -> memref<100xi32, #tpu.memory_space<vmem>>
        %dma_start3A_64 = arith.constant 0 : i32
        %dma_start3A_65 = arith.constant 0 : i32
        %dma_start3A_66 = tpu.memref_slice %arg12[%dma_start3A_64, %dma_start3A_65] : memref<10000x128xf32, #tpu.memory_space<vmem_shared>> -> memref<10000x128xf32, #tpu.memory_space<vmem_shared>>
        tpu.enqueue_indirect_dma source(%arg10 : memref<100x128xf32, #tpu.memory_space<vmem>>) target(%dma_start3A_66 : memref<10000x128xf32, #tpu.memory_space<vmem_shared>>) offsets(%dma_start3A_63 : memref<100xi32, #tpu.memory_space<vmem>>) semaphore(%run_scoped3A : memref<!tpu.dma_semaphore, #tpu.memory_space<semaphore_mem>>) {add = true}
        %dma_wait3A_67 = arith.constant 0 : i32
        %dma_wait3A_68 = tpu.memref_slice %arg9[%mul3A_33, %dma_wait3A_67] : memref<100x100xi32, #tpu.memory_space<vmem>> -> memref<1x100xi32, #tpu.memory_space<vmem>>
        %dma_wait3A_69 = tpu.memref_squeeze %dma_wait3A_68 : memref<1x100xi32, #tpu.memory_space<vmem>> -> memref<100xi32, #tpu.memory_space<vmem>>
        %dma_wait3A_70 = arith.constant 0 : i32
        %dma_wait3A_71 = arith.constant 0 : i32
        %dma_wait3A_72 = tpu.memref_slice %arg12[%dma_wait3A_70, %dma_wait3A_71] : memref<10000x128xf32, #tpu.memory_space<vmem_shared>> -> memref<10000x128xf32, #tpu.memory_space<vmem_shared>>
        tpu.wait_indirect_dma semaphore(%run_scoped3A : memref<!tpu.dma_semaphore, #tpu.memory_space<semaphore_mem>>) src(%arg10 : memref<100x128xf32, #tpu.memory_space<vmem>>) dst(%dma_wait3A_72 : memref<10000x128xf32, #tpu.memory_space<vmem_shared>>)
        tpu.yield
      }) : () -> ()
      %add3A_49 = arith.constant 2 : i32
      %add3A_50 = arith.addi %mul3A_33, %add3A_49 : i32
      %lt3A = arith.constant 100 : i32
      %lt3A_51 = arith.cmpi slt, %add3A_50, %lt3A : i32
      %convert_element_type3A_52 = arith.extui %lt3A_51 : i1 to i32
      %cond3A_53 = arith.constant 0 : i32
      %cond3A_54 = arith.cmpi ne, %convert_element_type3A_52, %cond3A_53 : i32
      scf.if %cond3A_54 {
        %add3A_61 = arith.constant 2 : i32
        %add3A_62 = arith.addi %mul3A_33, %add3A_61 : i32
        %mul3A_63 = arith.constant 104 : i32
        %mul3A_64 = arith.muli %add3A_62, %mul3A_63 : i32
        %dma_start3A_65 = tpu.memref_slice %arg8[%mul3A_64] : memref<10400xi32, #tpu.memory_space<vmem>> -> memref<100xi32, #tpu.memory_space<vmem>>
        %dma_start3A_66 = arith.constant 0 : i32
        %dma_start3A_67 = arith.constant 0 : i32
        %dma_start3A_68 = tpu.memref_slice %arg2[%dma_start3A_66, %dma_start3A_67] : memref<10000x128xf32, #tpu.memory_space<hbm>> -> memref<10000x128xf32, #tpu.memory_space<hbm>>
        tpu.enqueue_indirect_dma source(%dma_start3A_68 : memref<10000x128xf32, #tpu.memory_space<hbm>>) target(%arg10 : memref<100x128xf32, #tpu.memory_space<vmem>>) offsets(%dma_start3A_65 : memref<100xi32, #tpu.memory_space<vmem>>) semaphore(%arg13 : memref<!tpu.dma_semaphore, #tpu.memory_space<semaphore_mem>>)
      } else {
      }
      %mul3A_55 = arith.constant 104 : i32
      %mul3A_56 = arith.muli %add3A_37, %mul3A_55 : i32
      %dma_wait3A_57 = tpu.memref_slice %arg8[%mul3A_56] : memref<10400xi32, #tpu.memory_space<vmem>> -> memref<100xi32, #tpu.memory_space<vmem>>
      %dma_wait3A_58 = arith.constant 0 : i32
      %dma_wait3A_59 = arith.constant 0 : i32
      %dma_wait3A_60 = tpu.memref_slice %arg2[%dma_wait3A_58, %dma_wait3A_59] : memref<10000x128xf32, #tpu.memory_space<hbm>> -> memref<10000x128xf32, #tpu.memory_space<hbm>>
      tpu.wait_indirect_dma semaphore(%arg14 : memref<!tpu.dma_semaphore, #tpu.memory_space<semaphore_mem>>) src(%dma_wait3A_60 : memref<10000x128xf32, #tpu.memory_space<hbm>>) dst(%arg11 : memref<100x128xf32, #tpu.memory_space<vmem>>)
      "tpu.region"() ({
        %run_scoped3A = tpu.sem_alloc : memref<!tpu.dma_semaphore, #tpu.memory_space<semaphore_mem>>
        %dma_start3A_61 = arith.constant 0 : i32
        %dma_start3A_62 = tpu.memref_slice %arg9[%add3A_37, %dma_start3A_61] : memref<100x100xi32, #tpu.memory_space<vmem>> -> memref<1x100xi32, #tpu.memory_space<vmem>>
        %dma_start3A_63 = tpu.memref_squeeze %dma_start3A_62 : memref<1x100xi32, #tpu.memory_space<vmem>> -> memref<100xi32, #tpu.memory_space<vmem>>
        %dma_start3A_64 = arith.constant 0 : i32
        %dma_start3A_65 = arith.constant 0 : i32
        %dma_start3A_66 = tpu.memref_slice %arg12[%dma_start3A_64, %dma_start3A_65] : memref<10000x128xf32, #tpu.memory_space<vmem_shared>> -> memref<10000x128xf32, #tpu.memory_space<vmem_shared>>
        tpu.enqueue_indirect_dma source(%arg11 : memref<100x128xf32, #tpu.memory_space<vmem>>) target(%dma_start3A_66 : memref<10000x128xf32, #tpu.memory_space<vmem_shared>>) offsets(%dma_start3A_63 : memref<100xi32, #tpu.memory_space<vmem>>) semaphore(%run_scoped3A : memref<!tpu.dma_semaphore, #tpu.memory_space<semaphore_mem>>) {add = true}
        %dma_wait3A_67 = arith.constant 0 : i32
        %dma_wait3A_68 = tpu.memref_slice %arg9[%add3A_37, %dma_wait3A_67] : memref<100x100xi32, #tpu.memory_space<vmem>> -> memref<1x100xi32, #tpu.memory_space<vmem>>
        %dma_wait3A_69 = tpu.memref_squeeze %dma_wait3A_68 : memref<1x100xi32, #tpu.memory_space<vmem>> -> memref<100xi32, #tpu.memory_space<vmem>>
        %dma_wait3A_70 = arith.constant 0 : i32
        %dma_wait3A_71 = arith.constant 0 : i32
        %dma_wait3A_72 = tpu.memref_slice %arg12[%dma_wait3A_70, %dma_wait3A_71] : memref<10000x128xf32, #tpu.memory_space<vmem_shared>> -> memref<10000x128xf32, #tpu.memory_space<vmem_shared>>
        tpu.wait_indirect_dma semaphore(%run_scoped3A : memref<!tpu.dma_semaphore, #tpu.memory_space<semaphore_mem>>) src(%arg11 : memref<100x128xf32, #tpu.memory_space<vmem>>) dst(%dma_wait3A_72 : memref<10000x128xf32, #tpu.memory_space<vmem_shared>>)
        tpu.yield
      }) : () -> ()
    }
    %scan3A_19 = arith.constant 50 : i32
    %barrier3A_20 = arith.constant 0 : index
    tpu.barrier barrier_id(%barrier3A_20)
    %eq3A_21 = arith.constant 0 : i32
    %eq3A_22 = arith.cmpi eq, %arg0, %eq3A_21 : i32
    %convert_element_type3A_23 = arith.extui %eq3A_22 : i1 to i32
    %cond3A_24 = arith.constant 0 : i32
    %cond3A_25 = arith.cmpi ne, %convert_element_type3A_23, %cond3A_24 : i32
    scf.if %cond3A_25 {
      "tpu.region"() ({
        %run_scoped3A = tpu.sem_alloc : memref<!tpu.dma_semaphore, #tpu.memory_space<semaphore_mem>>
        %dma_start3A_31 = arith.constant 0 : i32
        %dma_start3A_32 = tpu.memref_slice %arg6[%min3A_1, %dma_start3A_31] : memref<10000x128xf32, #tpu.memory_space<hbm>> -> memref<632x128xf32, #tpu.memory_space<hbm>>
        %dma_start3A_33 = arith.constant 0 : i32
        %dma_start3A_34 = tpu.memref_slice %arg12[%min3A_1, %dma_start3A_33] : memref<10000x128xf32, #tpu.memory_space<vmem_shared>> -> memref<632x128xf32, #tpu.memory_space<vmem_shared>>
        tpu.enqueue_dma source(%dma_start3A_34 : memref<632x128xf32, #tpu.memory_space<vmem_shared>>) target(%dma_start3A_32 : memref<632x128xf32, #tpu.memory_space<hbm>>) target_semaphore(%run_scoped3A : memref<!tpu.dma_semaphore, #tpu.memory_space<semaphore_mem>>)
        %dma_wait3A = arith.constant 0 : i32
        %dma_wait3A_35 = tpu.memref_slice %arg6[%min3A_1, %dma_wait3A] : memref<10000x128xf32, #tpu.memory_space<hbm>> -> memref<632x128xf32, #tpu.memory_space<hbm>>
        %dma_wait3A_36 = arith.constant 0 : i32
        %dma_wait3A_37 = tpu.memref_slice %arg12[%min3A_1, %dma_wait3A_36] : memref<10000x128xf32, #tpu.memory_space<vmem_shared>> -> memref<632x128xf32, #tpu.memory_space<vmem_shared>>
        tpu.wait_dma2 semaphore(%run_scoped3A : memref<!tpu.dma_semaphore, #tpu.memory_space<semaphore_mem>>) src(%dma_wait3A_37 : memref<632x128xf32, #tpu.memory_space<vmem_shared>>) dst(%dma_wait3A_35 : memref<632x128xf32, #tpu.memory_space<hbm>>)
        tpu.yield
      }) : () -> ()
    } else {
    }
    %eq3A_26 = arith.constant 1 : i32
    %eq3A_27 = arith.cmpi eq, %arg0, %eq3A_26 : i32
    %convert_element_type3A_28 = arith.extui %eq3A_27 : i1 to i32
    %cond3A_29 = arith.constant 0 : i32
    %cond3A_30 = arith.cmpi ne, %convert_element_type3A_28, %cond3A_29 : i32
    scf.if %cond3A_30 {
      "tpu.region"() ({
        %run_scoped3A = tpu.sem_alloc : memref<!tpu.dma_semaphore, #tpu.memory_space<semaphore_mem>>
        %dma_start3A_31 = arith.constant 0 : i32
        %dma_start3A_32 = tpu.memref_slice %arg7[%min3A_1, %dma_start3A_31] : memref<10000x128xf32, #tpu.memory_space<hbm>> -> memref<632x128xf32, #tpu.memory_space<hbm>>
        %dma_start3A_33 = arith.constant 0 : i32
        %dma_start3A_34 = tpu.memref_slice %arg12[%min3A_1, %dma_start3A_33] : memref<10000x128xf32, #tpu.memory_space<vmem_shared>> -> memref<632x128xf32, #tpu.memory_space<vmem_shared>>
        tpu.enqueue_dma source(%dma_start3A_34 : memref<632x128xf32, #tpu.memory_space<vmem_shared>>) target(%dma_start3A_32 : memref<632x128xf32, #tpu.memory_space<hbm>>) target_semaphore(%run_scoped3A : memref<!tpu.dma_semaphore, #tpu.memory_space<semaphore_mem>>)
        %dma_wait3A = arith.constant 0 : i32
        %dma_wait3A_35 = tpu.memref_slice %arg7[%min3A_1, %dma_wait3A] : memref<10000x128xf32, #tpu.memory_space<hbm>> -> memref<632x128xf32, #tpu.memory_space<hbm>>
        %dma_wait3A_36 = arith.constant 0 : i32
        %dma_wait3A_37 = tpu.memref_slice %arg12[%min3A_1, %dma_wait3A_36] : memref<10000x128xf32, #tpu.memory_space<vmem_shared>> -> memref<632x128xf32, #tpu.memory_space<vmem_shared>>
        tpu.wait_dma2 semaphore(%run_scoped3A : memref<!tpu.dma_semaphore, #tpu.memory_space<semaphore_mem>>) src(%dma_wait3A_37 : memref<632x128xf32, #tpu.memory_space<vmem_shared>>) dst(%dma_wait3A_35 : memref<632x128xf32, #tpu.memory_space<hbm>>)
        tpu.yield
      }) : () -> ()
    } else {
    }
    return
  }
}

#map = affine_map<(d0, d1) -> (0, 0)>
#map1 = affine_map<(d0, d1) -> (0, 0, 0)>
module attributes {stable_mosaic.version = 14 : i64} {
  func.func @agg(%arg0: i32, %arg1: i32, %arg2: memref<10000x128xf32, #tpu.memory_space<hbm>>, %arg3: memref<10000x128xf32, #tpu.memory_space<hbm>>, %arg4: memref<32x10400xi32, #tpu.memory_space<hbm>>, %arg5: memref<32x100x100xi32, #tpu.memory_space<hbm>>, %arg6: memref<10000x128xf32, #tpu.memory_space<hbm>>, %arg7: memref<10000x128xf32, #tpu.memory_space<hbm>>, %arg8: memref<10400xi32, #tpu.memory_space<vmem>>, %arg9: memref<100x100xi32, #tpu.memory_space<vmem>>, %arg10: memref<100x128xf32, #tpu.memory_space<vmem>>, %arg11: memref<100x128xf32, #tpu.memory_space<vmem>>, %arg12: memref<10000x128xf32, #tpu.memory_space<vmem_shared>>, %arg13: memref<!tpu.dma_semaphore, #tpu.memory_space<semaphore_mem>>, %arg14: memref<!tpu.dma_semaphore, #tpu.memory_space<semaphore_mem>>) attributes {dimension_semantics = [#tpu.dimension_semantics<core_parallel>, #tpu.dimension_semantics<subcore_parallel>], iteration_bounds = array<i64: 2, 16>, scalar_prefetch = 0 : i64, scratch_operands = 7 : i64, tpu.core_type = #tpu.core_type<sc_vector_subcore>, window_params = [{transform_indices = #map}, {transform_indices = #map}, {transform_indices = #map}, {transform_indices = #map1}, {transform_indices = #map}, {transform_indices = #map}]} {
    %mul3A = arith.constant 632 : i32
    %mul3A_0 = arith.muli %arg1, %mul3A : i32
    %min3A = arith.constant 9368 : i32
    %min3A_1 = arith.minsi %mul3A_0, %min3A : i32
    %eq3A = arith.constant 0 : i32
    %eq3A_2 = arith.cmpi eq, %arg0, %eq3A : i32
    %convert_element_type3A = arith.extui %eq3A_2 : i1 to i32
    %cond3A = arith.constant 0 : i32
    %cond3A_3 = arith.cmpi ne, %convert_element_type3A, %cond3A : i32
    scf.if %cond3A_3 {
      "tpu.region"() ({
        %run_scoped3A = tpu.sem_alloc : memref<!tpu.dma_semaphore, #tpu.memory_space<semaphore_mem>>
        %dma_start3A_31 = arith.constant 0 : i32
        %dma_start3A_32 = tpu.memref_slice %arg12[%min3A_1, %dma_start3A_31] : memref<10000x128xf32, #tpu.memory_space<vmem_shared>> -> memref<632x128xf32, #tpu.memory_space<vmem_shared>>
        %dma_start3A_33 = arith.constant 0 : i32
        %dma_start3A_34 = tpu.memref_slice %arg2[%min3A_1, %dma_start3A_33] : memref<10000x128xf32, #tpu.memory_space<hbm>> -> memref<632x128xf32, #tpu.memory_space<hbm>>
        tpu.enqueue_dma source(%dma_start3A_34 : memref<632x128xf32, #tpu.memory_space<hbm>>) target(%dma_start3A_32 : memref<632x128xf32, #tpu.memory_space<vmem_shared>>) target_semaphore(%run_scoped3A : memref<!tpu.dma_semaphore, #tpu.memory_space<semaphore_mem>>)
        %dma_wait3A = arith.constant 0 : i32
        %dma_wait3A_35 = tpu.memref_slice %arg12[%min3A_1, %dma_wait3A] : memref<10000x128xf32, #tpu.memory_space<vmem_shared>> -> memref<632x128xf32, #tpu.memory_space<vmem_shared>>
        %dma_wait3A_36 = arith.constant 0 : i32
        %dma_wait3A_37 = tpu.memref_slice %arg2[%min3A_1, %dma_wait3A_36] : memref<10000x128xf32, #tpu.memory_space<hbm>> -> memref<632x128xf32, #tpu.memory_space<hbm>>
        tpu.wait_dma2 semaphore(%run_scoped3A : memref<!tpu.dma_semaphore, #tpu.memory_space<semaphore_mem>>) src(%dma_wait3A_37 : memref<632x128xf32, #tpu.memory_space<hbm>>) dst(%dma_wait3A_35 : memref<632x128xf32, #tpu.memory_space<vmem_shared>>)
        tpu.yield
      }) : () -> ()
    } else {
    }
    %eq3A_4 = arith.constant 1 : i32
    %eq3A_5 = arith.cmpi eq, %arg0, %eq3A_4 : i32
    %convert_element_type3A_6 = arith.extui %eq3A_5 : i1 to i32
    %cond3A_7 = arith.constant 0 : i32
    %cond3A_8 = arith.cmpi ne, %convert_element_type3A_6, %cond3A_7 : i32
    scf.if %cond3A_8 {
      "tpu.region"() ({
        %run_scoped3A = tpu.sem_alloc : memref<!tpu.dma_semaphore, #tpu.memory_space<semaphore_mem>>
        %dma_start3A_31 = arith.constant 0 : i32
        %dma_start3A_32 = tpu.memref_slice %arg12[%min3A_1, %dma_start3A_31] : memref<10000x128xf32, #tpu.memory_space<vmem_shared>> -> memref<632x128xf32, #tpu.memory_space<vmem_shared>>
        %dma_start3A_33 = arith.constant 0 : i32
        %dma_start3A_34 = tpu.memref_slice %arg3[%min3A_1, %dma_start3A_33] : memref<10000x128xf32, #tpu.memory_space<hbm>> -> memref<632x128xf32, #tpu.memory_space<hbm>>
        tpu.enqueue_dma source(%dma_start3A_34 : memref<632x128xf32, #tpu.memory_space<hbm>>) target(%dma_start3A_32 : memref<632x128xf32, #tpu.memory_space<vmem_shared>>) target_semaphore(%run_scoped3A : memref<!tpu.dma_semaphore, #tpu.memory_space<semaphore_mem>>)
        %dma_wait3A = arith.constant 0 : i32
        %dma_wait3A_35 = tpu.memref_slice %arg12[%min3A_1, %dma_wait3A] : memref<10000x128xf32, #tpu.memory_space<vmem_shared>> -> memref<632x128xf32, #tpu.memory_space<vmem_shared>>
        %dma_wait3A_36 = arith.constant 0 : i32
        %dma_wait3A_37 = tpu.memref_slice %arg3[%min3A_1, %dma_wait3A_36] : memref<10000x128xf32, #tpu.memory_space<hbm>> -> memref<632x128xf32, #tpu.memory_space<hbm>>
        tpu.wait_dma2 semaphore(%run_scoped3A : memref<!tpu.dma_semaphore, #tpu.memory_space<semaphore_mem>>) src(%dma_wait3A_37 : memref<632x128xf32, #tpu.memory_space<hbm>>) dst(%dma_wait3A_35 : memref<632x128xf32, #tpu.memory_space<vmem_shared>>)
        tpu.yield
      }) : () -> ()
    } else {
    }
    %barrier3A = arith.constant 0 : index
    tpu.barrier barrier_id(%barrier3A)
    %mul3A_9 = arith.constant 16 : i32
    %mul3A_10 = arith.muli %arg0, %mul3A_9 : i32
    %add3A = arith.addi %mul3A_10, %arg1 : i32
    "tpu.region"() ({
      %run_scoped3A = tpu.sem_alloc : memref<!tpu.dma_semaphore, #tpu.memory_space<semaphore_mem>>
      %dma_start3A_31 = arith.constant 0 : i32
      %dma_start3A_32 = tpu.memref_slice %arg4[%add3A, %dma_start3A_31] : memref<32x10400xi32, #tpu.memory_space<hbm>> -> memref<1x10400xi32, #tpu.memory_space<hbm>>
      %dma_start3A_33 = tpu.memref_squeeze %dma_start3A_32 : memref<1x10400xi32, #tpu.memory_space<hbm>> -> memref<10400xi32, #tpu.memory_space<hbm>>
      %dma_start3A_34 = arith.constant 0 : i32
      %dma_start3A_35 = tpu.memref_slice %arg4[%add3A, %dma_start3A_34] : memref<32x10400xi32, #tpu.memory_space<hbm>> -> memref<1x10400xi32, #tpu.memory_space<hbm>>
      %dma_start3A_36 = tpu.memref_squeeze %dma_start3A_35 : memref<1x10400xi32, #tpu.memory_space<hbm>> -> memref<10400xi32, #tpu.memory_space<hbm>>
      tpu.enqueue_dma source(%dma_start3A_36 : memref<10400xi32, #tpu.memory_space<hbm>>) target(%arg8 : memref<10400xi32, #tpu.memory_space<vmem>>) target_semaphore(%run_scoped3A : memref<!tpu.dma_semaphore, #tpu.memory_space<semaphore_mem>>)
      %dma_wait3A = arith.constant 0 : i32
      %dma_wait3A_37 = tpu.memref_slice %arg4[%add3A, %dma_wait3A] : memref<32x10400xi32, #tpu.memory_space<hbm>> -> memref<1x10400xi32, #tpu.memory_space<hbm>>
      %dma_wait3A_38 = tpu.memref_squeeze %dma_wait3A_37 : memref<1x10400xi32, #tpu.memory_space<hbm>> -> memref<10400xi32, #tpu.memory_space<hbm>>
      %dma_wait3A_39 = arith.constant 0 : i32
      %dma_wait3A_40 = tpu.memref_slice %arg4[%add3A, %dma_wait3A_39] : memref<32x10400xi32, #tpu.memory_space<hbm>> -> memref<1x10400xi32, #tpu.memory_space<hbm>>
      %dma_wait3A_41 = tpu.memref_squeeze %dma_wait3A_40 : memref<1x10400xi32, #tpu.memory_space<hbm>> -> memref<10400xi32, #tpu.memory_space<hbm>>
      tpu.wait_dma2 semaphore(%run_scoped3A : memref<!tpu.dma_semaphore, #tpu.memory_space<semaphore_mem>>) src(%dma_wait3A_41 : memref<10400xi32, #tpu.memory_space<hbm>>) dst(%arg8 : memref<10400xi32, #tpu.memory_space<vmem>>)
      tpu.yield
    }) : () -> ()
    "tpu.region"() ({
      %run_scoped3A = tpu.sem_alloc : memref<!tpu.dma_semaphore, #tpu.memory_space<semaphore_mem>>
      %dma_start3A_31 = arith.constant 0 : i32
      %dma_start3A_32 = arith.constant 0 : i32
      %dma_start3A_33 = tpu.memref_slice %arg5[%add3A, %dma_start3A_31, %dma_start3A_32] : memref<32x100x100xi32, #tpu.memory_space<hbm>> -> memref<1x100x100xi32, #tpu.memory_space<hbm>>
      %dma_start3A_34 = tpu.memref_squeeze %dma_start3A_33 : memref<1x100x100xi32, #tpu.memory_space<hbm>> -> memref<100x100xi32, #tpu.memory_space<hbm>>
      %dma_start3A_35 = arith.constant 0 : i32
      %dma_start3A_36 = arith.constant 0 : i32
      %dma_start3A_37 = tpu.memref_slice %arg5[%add3A, %dma_start3A_35, %dma_start3A_36] : memref<32x100x100xi32, #tpu.memory_space<hbm>> -> memref<1x100x100xi32, #tpu.memory_space<hbm>>
      %dma_start3A_38 = tpu.memref_squeeze %dma_start3A_37 : memref<1x100x100xi32, #tpu.memory_space<hbm>> -> memref<100x100xi32, #tpu.memory_space<hbm>>
      tpu.enqueue_dma source(%dma_start3A_38 : memref<100x100xi32, #tpu.memory_space<hbm>>) target(%arg9 : memref<100x100xi32, #tpu.memory_space<vmem>>) target_semaphore(%run_scoped3A : memref<!tpu.dma_semaphore, #tpu.memory_space<semaphore_mem>>)
      %dma_wait3A = arith.constant 0 : i32
      %dma_wait3A_39 = arith.constant 0 : i32
      %dma_wait3A_40 = tpu.memref_slice %arg5[%add3A, %dma_wait3A, %dma_wait3A_39] : memref<32x100x100xi32, #tpu.memory_space<hbm>> -> memref<1x100x100xi32, #tpu.memory_space<hbm>>
      %dma_wait3A_41 = tpu.memref_squeeze %dma_wait3A_40 : memref<1x100x100xi32, #tpu.memory_space<hbm>> -> memref<100x100xi32, #tpu.memory_space<hbm>>
      %dma_wait3A_42 = arith.constant 0 : i32
      %dma_wait3A_43 = arith.constant 0 : i32
      %dma_wait3A_44 = tpu.memref_slice %arg5[%add3A, %dma_wait3A_42, %dma_wait3A_43] : memref<32x100x100xi32, #tpu.memory_space<hbm>> -> memref<1x100x100xi32, #tpu.memory_space<hbm>>
      %dma_wait3A_45 = tpu.memref_squeeze %dma_wait3A_44 : memref<1x100x100xi32, #tpu.memory_space<hbm>> -> memref<100x100xi32, #tpu.memory_space<hbm>>
      tpu.wait_dma2 semaphore(%run_scoped3A : memref<!tpu.dma_semaphore, #tpu.memory_space<semaphore_mem>>) src(%dma_wait3A_45 : memref<100x100xi32, #tpu.memory_space<hbm>>) dst(%arg9 : memref<100x100xi32, #tpu.memory_space<vmem>>)
      tpu.yield
    }) : () -> ()
    %dma_start3A = arith.constant 0 : i32
    %dma_start3A_11 = tpu.memref_slice %arg8[%dma_start3A] : memref<10400xi32, #tpu.memory_space<vmem>> -> memref<100xi32, #tpu.memory_space<vmem>>
    %dma_start3A_12 = arith.constant 0 : i32
    %dma_start3A_13 = arith.constant 0 : i32
    %dma_start3A_14 = tpu.memref_slice %arg2[%dma_start3A_12, %dma_start3A_13] : memref<10000x128xf32, #tpu.memory_space<hbm>> -> memref<10000x128xf32, #tpu.memory_space<hbm>>
    tpu.enqueue_indirect_dma source(%dma_start3A_14 : memref<10000x128xf32, #tpu.memory_space<hbm>>) target(%arg10 : memref<100x128xf32, #tpu.memory_space<vmem>>) offsets(%dma_start3A_11 : memref<100xi32, #tpu.memory_space<vmem>>) semaphore(%arg13 : memref<!tpu.dma_semaphore, #tpu.memory_space<semaphore_mem>>)
    %scan3A = arith.constant 0 : i32
    %scan3A_15 = arith.constant 0 : i32
    %scan3A_16 = arith.constant 50 : i32
    %scan3A_17 = arith.addi %scan3A_15, %scan3A_16 : i32
    %scan3A_18 = arith.constant 1 : i32
    scf.for %scan3A_31 = %scan3A_15 to %scan3A_17 step %scan3A_18  : i32 {
      %mul3A_32 = arith.constant 2 : i32
      %mul3A_33 = arith.muli %mul3A_32, %scan3A_31 : i32
      %mul3A_34 = arith.constant 2 : i32
      %mul3A_35 = arith.muli %mul3A_34, %scan3A_31 : i32
      %add3A_36 = arith.constant 1 : i32
      %add3A_37 = arith.addi %mul3A_35, %add3A_36 : i32
      %mul3A_38 = arith.constant 104 : i32
      %mul3A_39 = arith.muli %mul3A_33, %mul3A_38 : i32
      %dma_wait3A = tpu.memref_slice %arg8[%mul3A_39] : memref<10400xi32, #tpu.memory_space<vmem>> -> memref<100xi32, #tpu.memory_space<vmem>>
      %dma_wait3A_40 = arith.constant 0 : i32
      %dma_wait3A_41 = arith.constant 0 : i32
      %dma_wait3A_42 = tpu.memref_slice %arg2[%dma_wait3A_40, %dma_wait3A_41] : memref<10000x128xf32, #tpu.memory_space<hbm>> -> memref<10000x128xf32, #tpu.memory_space<hbm>>
      tpu.wait_indirect_dma semaphore(%arg13 : memref<!tpu.dma_semaphore, #tpu.memory_space<semaphore_mem>>) src(%dma_wait3A_42 : memref<10000x128xf32, #tpu.memory_space<hbm>>) dst(%arg10 : memref<100x128xf32, #tpu.memory_space<vmem>>)
      %mul3A_43 = arith.constant 104 : i32
      %mul3A_44 = arith.muli %add3A_37, %mul3A_43 : i32
      %dma_start3A_45 = tpu.memref_slice %arg8[%mul3A_44] : memref<10400xi32, #tpu.memory_space<vmem>> -> memref<100xi32, #tpu.memory_space<vmem>>
      %dma_start3A_46 = arith.constant 0 : i32
      %dma_start3A_47 = arith.constant 0 : i32
      %dma_start3A_48 = tpu.memref_slice %arg2[%dma_start3A_46, %dma_start3A_47] : memref<10000x128xf32, #tpu.memory_space<hbm>> -> memref<10000x128xf32, #tpu.memory_space<hbm>>
      tpu.enqueue_indirect_dma source(%dma_start3A_48 : memref<10000x128xf32, #tpu.memory_space<hbm>>) target(%arg11 : memref<100x128xf32, #tpu.memory_space<vmem>>) offsets(%dma_start3A_45 : memref<100xi32, #tpu.memory_space<vmem>>) semaphore(%arg14 : memref<!tpu.dma_semaphore, #tpu.memory_space<semaphore_mem>>)
      "tpu.region"() ({
        %run_scoped3A = tpu.sem_alloc : memref<!tpu.dma_semaphore, #tpu.memory_space<semaphore_mem>>
        %dma_start3A_61 = arith.constant 0 : i32
        %dma_start3A_62 = tpu.memref_slice %arg9[%mul3A_33, %dma_start3A_61] : memref<100x100xi32, #tpu.memory_space<vmem>> -> memref<1x100xi32, #tpu.memory_space<vmem>>
        %dma_start3A_63 = tpu.memref_squeeze %dma_start3A_62 : memref<1x100xi32, #tpu.memory_space<vmem>> -> memref<100xi32, #tpu.memory_space<vmem>>
        %dma_start3A_64 = arith.constant 0 : i32
        %dma_start3A_65 = arith.constant 0 : i32
        %dma_start3A_66 = tpu.memref_slice %arg12[%dma_start3A_64, %dma_start3A_65] : memref<10000x128xf32, #tpu.memory_space<vmem_shared>> -> memref<10000x128xf32, #tpu.memory_space<vmem_shared>>
        tpu.enqueue_indirect_dma source(%arg10 : memref<100x128xf32, #tpu.memory_space<vmem>>) target(%dma_start3A_66 : memref<10000x128xf32, #tpu.memory_space<vmem_shared>>) offsets(%dma_start3A_63 : memref<100xi32, #tpu.memory_space<vmem>>) semaphore(%run_scoped3A : memref<!tpu.dma_semaphore, #tpu.memory_space<semaphore_mem>>) {add = true}
        %dma_wait3A_67 = arith.constant 0 : i32
        %dma_wait3A_68 = tpu.memref_slice %arg9[%mul3A_33, %dma_wait3A_67] : memref<100x100xi32, #tpu.memory_space<vmem>> -> memref<1x100xi32, #tpu.memory_space<vmem>>
        %dma_wait3A_69 = tpu.memref_squeeze %dma_wait3A_68 : memref<1x100xi32, #tpu.memory_space<vmem>> -> memref<100xi32, #tpu.memory_space<vmem>>
        %dma_wait3A_70 = arith.constant 0 : i32
        %dma_wait3A_71 = arith.constant 0 : i32
        %dma_wait3A_72 = tpu.memref_slice %arg12[%dma_wait3A_70, %dma_wait3A_71] : memref<10000x128xf32, #tpu.memory_space<vmem_shared>> -> memref<10000x128xf32, #tpu.memory_space<vmem_shared>>
        tpu.wait_indirect_dma semaphore(%run_scoped3A : memref<!tpu.dma_semaphore, #tpu.memory_space<semaphore_mem>>) src(%arg10 : memref<100x128xf32, #tpu.memory_space<vmem>>) dst(%dma_wait3A_72 : memref<10000x128xf32, #tpu.memory_space<vmem_shared>>)
        tpu.yield
      }) : () -> ()
      %add3A_49 = arith.constant 2 : i32
      %add3A_50 = arith.addi %mul3A_33, %add3A_49 : i32
      %lt3A = arith.constant 100 : i32
      %lt3A_51 = arith.cmpi slt, %add3A_50, %lt3A : i32
      %convert_element_type3A_52 = arith.extui %lt3A_51 : i1 to i32
      %cond3A_53 = arith.constant 0 : i32
      %cond3A_54 = arith.cmpi ne, %convert_element_type3A_52, %cond3A_53 : i32
      scf.if %cond3A_54 {
        %add3A_61 = arith.constant 2 : i32
        %add3A_62 = arith.addi %mul3A_33, %add3A_61 : i32
        %mul3A_63 = arith.constant 104 : i32
        %mul3A_64 = arith.muli %add3A_62, %mul3A_63 : i32
        %dma_start3A_65 = tpu.memref_slice %arg8[%mul3A_64] : memref<10400xi32, #tpu.memory_space<vmem>> -> memref<100xi32, #tpu.memory_space<vmem>>
        %dma_start3A_66 = arith.constant 0 : i32
        %dma_start3A_67 = arith.constant 0 : i32
        %dma_start3A_68 = tpu.memref_slice %arg2[%dma_start3A_66, %dma_start3A_67] : memref<10000x128xf32, #tpu.memory_space<hbm>> -> memref<10000x128xf32, #tpu.memory_space<hbm>>
        tpu.enqueue_indirect_dma source(%dma_start3A_68 : memref<10000x128xf32, #tpu.memory_space<hbm>>) target(%arg10 : memref<100x128xf32, #tpu.memory_space<vmem>>) offsets(%dma_start3A_65 : memref<100xi32, #tpu.memory_space<vmem>>) semaphore(%arg13 : memref<!tpu.dma_semaphore, #tpu.memory_space<semaphore_mem>>)
      } else {
      }
      %mul3A_55 = arith.constant 104 : i32
      %mul3A_56 = arith.muli %add3A_37, %mul3A_55 : i32
      %dma_wait3A_57 = tpu.memref_slice %arg8[%mul3A_56] : memref<10400xi32, #tpu.memory_space<vmem>> -> memref<100xi32, #tpu.memory_space<vmem>>
      %dma_wait3A_58 = arith.constant 0 : i32
      %dma_wait3A_59 = arith.constant 0 : i32
      %dma_wait3A_60 = tpu.memref_slice %arg2[%dma_wait3A_58, %dma_wait3A_59] : memref<10000x128xf32, #tpu.memory_space<hbm>> -> memref<10000x128xf32, #tpu.memory_space<hbm>>
      tpu.wait_indirect_dma semaphore(%arg14 : memref<!tpu.dma_semaphore, #tpu.memory_space<semaphore_mem>>) src(%dma_wait3A_60 : memref<10000x128xf32, #tpu.memory_space<hbm>>) dst(%arg11 : memref<100x128xf32, #tpu.memory_space<vmem>>)
      "tpu.region"() ({
        %run_scoped3A = tpu.sem_alloc : memref<!tpu.dma_semaphore, #tpu.memory_space<semaphore_mem>>
        %dma_start3A_61 = arith.constant 0 : i32
        %dma_start3A_62 = tpu.memref_slice %arg9[%add3A_37, %dma_start3A_61] : memref<100x100xi32, #tpu.memory_space<vmem>> -> memref<1x100xi32, #tpu.memory_space<vmem>>
        %dma_start3A_63 = tpu.memref_squeeze %dma_start3A_62 : memref<1x100xi32, #tpu.memory_space<vmem>> -> memref<100xi32, #tpu.memory_space<vmem>>
        %dma_start3A_64 = arith.constant 0 : i32
        %dma_start3A_65 = arith.constant 0 : i32
        %dma_start3A_66 = tpu.memref_slice %arg12[%dma_start3A_64, %dma_start3A_65] : memref<10000x128xf32, #tpu.memory_space<vmem_shared>> -> memref<10000x128xf32, #tpu.memory_space<vmem_shared>>
        tpu.enqueue_indirect_dma source(%arg11 : memref<100x128xf32, #tpu.memory_space<vmem>>) target(%dma_start3A_66 : memref<10000x128xf32, #tpu.memory_space<vmem_shared>>) offsets(%dma_start3A_63 : memref<100xi32, #tpu.memory_space<vmem>>) semaphore(%run_scoped3A : memref<!tpu.dma_semaphore, #tpu.memory_space<semaphore_mem>>) {add = true}
        %dma_wait3A_67 = arith.constant 0 : i32
        %dma_wait3A_68 = tpu.memref_slice %arg9[%add3A_37, %dma_wait3A_67] : memref<100x100xi32, #tpu.memory_space<vmem>> -> memref<1x100xi32, #tpu.memory_space<vmem>>
        %dma_wait3A_69 = tpu.memref_squeeze %dma_wait3A_68 : memref<1x100xi32, #tpu.memory_space<vmem>> -> memref<100xi32, #tpu.memory_space<vmem>>
        %dma_wait3A_70 = arith.constant 0 : i32
        %dma_wait3A_71 = arith.constant 0 : i32
        %dma_wait3A_72 = tpu.memref_slice %arg12[%dma_wait3A_70, %dma_wait3A_71] : memref<10000x128xf32, #tpu.memory_space<vmem_shared>> -> memref<10000x128xf32, #tpu.memory_space<vmem_shared>>
        tpu.wait_indirect_dma semaphore(%run_scoped3A : memref<!tpu.dma_semaphore, #tpu.memory_space<semaphore_mem>>) src(%arg11 : memref<100x128xf32, #tpu.memory_space<vmem>>) dst(%dma_wait3A_72 : memref<10000x128xf32, #tpu.memory_space<vmem_shared>>)
        tpu.yield
      }) : () -> ()
    }
    %scan3A_19 = arith.constant 50 : i32
    %barrier3A_20 = arith.constant 0 : index
    tpu.barrier barrier_id(%barrier3A_20)
    %eq3A_21 = arith.constant 0 : i32
    %eq3A_22 = arith.cmpi eq, %arg0, %eq3A_21 : i32
    %convert_element_type3A_23 = arith.extui %eq3A_22 : i1 to i32
    %cond3A_24 = arith.constant 0 : i32
    %cond3A_25 = arith.cmpi ne, %convert_element_type3A_23, %cond3A_24 : i32
    scf.if %cond3A_25 {
      "tpu.region"() ({
        %run_scoped3A = tpu.sem_alloc : memref<!tpu.dma_semaphore, #tpu.memory_space<semaphore_mem>>
        %dma_start3A_31 = arith.constant 0 : i32
        %dma_start3A_32 = tpu.memref_slice %arg6[%min3A_1, %dma_start3A_31] : memref<10000x128xf32, #tpu.memory_space<hbm>> -> memref<632x128xf32, #tpu.memory_space<hbm>>
        %dma_start3A_33 = arith.constant 0 : i32
        %dma_start3A_34 = tpu.memref_slice %arg12[%min3A_1, %dma_start3A_33] : memref<10000x128xf32, #tpu.memory_space<vmem_shared>> -> memref<632x128xf32, #tpu.memory_space<vmem_shared>>
        tpu.enqueue_dma source(%dma_start3A_34 : memref<632x128xf32, #tpu.memory_space<vmem_shared>>) target(%dma_start3A_32 : memref<632x128xf32, #tpu.memory_space<hbm>>) target_semaphore(%run_scoped3A : memref<!tpu.dma_semaphore, #tpu.memory_space<semaphore_mem>>)
        %dma_wait3A = arith.constant 0 : i32
        %dma_wait3A_35 = tpu.memref_slice %arg6[%min3A_1, %dma_wait3A] : memref<10000x128xf32, #tpu.memory_space<hbm>> -> memref<632x128xf32, #tpu.memory_space<hbm>>
        %dma_wait3A_36 = arith.constant 0 : i32
        %dma_wait3A_37 = tpu.memref_slice %arg12[%min3A_1, %dma_wait3A_36] : memref<10000x128xf32, #tpu.memory_space<vmem_shared>> -> memref<632x128xf32, #tpu.memory_space<vmem_shared>>
        tpu.wait_dma2 semaphore(%run_scoped3A : memref<!tpu.dma_semaphore, #tpu.memory_space<semaphore_mem>>) src(%dma_wait3A_37 : memref<632x128xf32, #tpu.memory_space<vmem_shared>>) dst(%dma_wait3A_35 : memref<632x128xf32, #tpu.memory_space<hbm>>)
        tpu.yield
      }) : () -> ()
    } else {
    }
    %eq3A_26 = arith.constant 1 : i32
    %eq3A_27 = arith.cmpi eq, %arg0, %eq3A_26 : i32
    %convert_element_type3A_28 = arith.extui %eq3A_27 : i1 to i32
    %cond3A_29 = arith.constant 0 : i32
    %cond3A_30 = arith.cmpi ne, %convert_element_type3A_28, %cond3A_29 : i32
    scf.if %cond3A_30 {
      "tpu.region"() ({
        %run_scoped3A = tpu.sem_alloc : memref<!tpu.dma_semaphore, #tpu.memory_space<semaphore_mem>>
        %dma_start3A_31 = arith.constant 0 : i32
        %dma_start3A_32 = tpu.memref_slice %arg7[%min3A_1, %dma_start3A_31] : memref<10000x128xf32, #tpu.memory_space<hbm>> -> memref<632x128xf32, #tpu.memory_space<hbm>>
        %dma_start3A_33 = arith.constant 0 : i32
        %dma_start3A_34 = tpu.memref_slice %arg12[%min3A_1, %dma_start3A_33] : memref<10000x128xf32, #tpu.memory_space<vmem_shared>> -> memref<632x128xf32, #tpu.memory_space<vmem_shared>>
        tpu.enqueue_dma source(%dma_start3A_34 : memref<632x128xf32, #tpu.memory_space<vmem_shared>>) target(%dma_start3A_32 : memref<632x128xf32, #tpu.memory_space<hbm>>) target_semaphore(%run_scoped3A : memref<!tpu.dma_semaphore, #tpu.memory_space<semaphore_mem>>)
        %dma_wait3A = arith.constant 0 : i32
        %dma_wait3A_35 = tpu.memref_slice %arg7[%min3A_1, %dma_wait3A] : memref<10000x128xf32, #tpu.memory_space<hbm>> -> memref<632x128xf32, #tpu.memory_space<hbm>>
        %dma_wait3A_36 = arith.constant 0 : i32
        %dma_wait3A_37 = tpu.memref_slice %arg12[%min3A_1, %dma_wait3A_36] : memref<10000x128xf32, #tpu.memory_space<vmem_shared>> -> memref<632x128xf32, #tpu.memory_space<vmem_shared>>
        tpu.wait_dma2 semaphore(%run_scoped3A : memref<!tpu.dma_semaphore, #tpu.memory_space<semaphore_mem>>) src(%dma_wait3A_37 : memref<632x128xf32, #tpu.memory_space<vmem_shared>>) dst(%dma_wait3A_35 : memref<632x128xf32, #tpu.memory_space<hbm>>)
        tpu.yield
      }) : () -> ()
    } else {
    }
    return
  }
}

#map = affine_map<(d0, d1) -> (0, 0)>
#map1 = affine_map<(d0, d1) -> (0, 0, 0)>
module attributes {stable_mosaic.version = 14 : i64} {
  func.func @agg(%arg0: i32, %arg1: i32, %arg2: memref<10000x128xf32, #tpu.memory_space<hbm>>, %arg3: memref<10000x128xf32, #tpu.memory_space<hbm>>, %arg4: memref<32x10400xi32, #tpu.memory_space<hbm>>, %arg5: memref<32x100x100xi32, #tpu.memory_space<hbm>>, %arg6: memref<10000x128xf32, #tpu.memory_space<hbm>>, %arg7: memref<10000x128xf32, #tpu.memory_space<hbm>>, %arg8: memref<10400xi32, #tpu.memory_space<vmem>>, %arg9: memref<100x100xi32, #tpu.memory_space<vmem>>, %arg10: memref<100x128xf32, #tpu.memory_space<vmem>>, %arg11: memref<100x128xf32, #tpu.memory_space<vmem>>, %arg12: memref<10000x128xf32, #tpu.memory_space<vmem_shared>>, %arg13: memref<!tpu.dma_semaphore, #tpu.memory_space<semaphore_mem>>, %arg14: memref<!tpu.dma_semaphore, #tpu.memory_space<semaphore_mem>>) attributes {dimension_semantics = [#tpu.dimension_semantics<core_parallel>, #tpu.dimension_semantics<subcore_parallel>], iteration_bounds = array<i64: 2, 16>, scalar_prefetch = 0 : i64, scratch_operands = 7 : i64, tpu.core_type = #tpu.core_type<sc_vector_subcore>, window_params = [{transform_indices = #map}, {transform_indices = #map}, {transform_indices = #map}, {transform_indices = #map1}, {transform_indices = #map}, {transform_indices = #map}]} {
    %mul3A = arith.constant 632 : i32
    %mul3A_0 = arith.muli %arg1, %mul3A : i32
    %min3A = arith.constant 9368 : i32
    %min3A_1 = arith.minsi %mul3A_0, %min3A : i32
    %eq3A = arith.constant 0 : i32
    %eq3A_2 = arith.cmpi eq, %arg0, %eq3A : i32
    %convert_element_type3A = arith.extui %eq3A_2 : i1 to i32
    %cond3A = arith.constant 0 : i32
    %cond3A_3 = arith.cmpi ne, %convert_element_type3A, %cond3A : i32
    scf.if %cond3A_3 {
      "tpu.region"() ({
        %run_scoped3A = tpu.sem_alloc : memref<!tpu.dma_semaphore, #tpu.memory_space<semaphore_mem>>
        %dma_start3A_31 = arith.constant 0 : i32
        %dma_start3A_32 = tpu.memref_slice %arg12[%min3A_1, %dma_start3A_31] : memref<10000x128xf32, #tpu.memory_space<vmem_shared>> -> memref<632x128xf32, #tpu.memory_space<vmem_shared>>
        %dma_start3A_33 = arith.constant 0 : i32
        %dma_start3A_34 = tpu.memref_slice %arg2[%min3A_1, %dma_start3A_33] : memref<10000x128xf32, #tpu.memory_space<hbm>> -> memref<632x128xf32, #tpu.memory_space<hbm>>
        tpu.enqueue_dma source(%dma_start3A_34 : memref<632x128xf32, #tpu.memory_space<hbm>>) target(%dma_start3A_32 : memref<632x128xf32, #tpu.memory_space<vmem_shared>>) target_semaphore(%run_scoped3A : memref<!tpu.dma_semaphore, #tpu.memory_space<semaphore_mem>>)
        %dma_wait3A = arith.constant 0 : i32
        %dma_wait3A_35 = tpu.memref_slice %arg12[%min3A_1, %dma_wait3A] : memref<10000x128xf32, #tpu.memory_space<vmem_shared>> -> memref<632x128xf32, #tpu.memory_space<vmem_shared>>
        %dma_wait3A_36 = arith.constant 0 : i32
        %dma_wait3A_37 = tpu.memref_slice %arg2[%min3A_1, %dma_wait3A_36] : memref<10000x128xf32, #tpu.memory_space<hbm>> -> memref<632x128xf32, #tpu.memory_space<hbm>>
        tpu.wait_dma2 semaphore(%run_scoped3A : memref<!tpu.dma_semaphore, #tpu.memory_space<semaphore_mem>>) src(%dma_wait3A_37 : memref<632x128xf32, #tpu.memory_space<hbm>>) dst(%dma_wait3A_35 : memref<632x128xf32, #tpu.memory_space<vmem_shared>>)
        tpu.yield
      }) : () -> ()
    } else {
    }
    %eq3A_4 = arith.constant 1 : i32
    %eq3A_5 = arith.cmpi eq, %arg0, %eq3A_4 : i32
    %convert_element_type3A_6 = arith.extui %eq3A_5 : i1 to i32
    %cond3A_7 = arith.constant 0 : i32
    %cond3A_8 = arith.cmpi ne, %convert_element_type3A_6, %cond3A_7 : i32
    scf.if %cond3A_8 {
      "tpu.region"() ({
        %run_scoped3A = tpu.sem_alloc : memref<!tpu.dma_semaphore, #tpu.memory_space<semaphore_mem>>
        %dma_start3A_31 = arith.constant 0 : i32
        %dma_start3A_32 = tpu.memref_slice %arg12[%min3A_1, %dma_start3A_31] : memref<10000x128xf32, #tpu.memory_space<vmem_shared>> -> memref<632x128xf32, #tpu.memory_space<vmem_shared>>
        %dma_start3A_33 = arith.constant 0 : i32
        %dma_start3A_34 = tpu.memref_slice %arg3[%min3A_1, %dma_start3A_33] : memref<10000x128xf32, #tpu.memory_space<hbm>> -> memref<632x128xf32, #tpu.memory_space<hbm>>
        tpu.enqueue_dma source(%dma_start3A_34 : memref<632x128xf32, #tpu.memory_space<hbm>>) target(%dma_start3A_32 : memref<632x128xf32, #tpu.memory_space<vmem_shared>>) target_semaphore(%run_scoped3A : memref<!tpu.dma_semaphore, #tpu.memory_space<semaphore_mem>>)
        %dma_wait3A = arith.constant 0 : i32
        %dma_wait3A_35 = tpu.memref_slice %arg12[%min3A_1, %dma_wait3A] : memref<10000x128xf32, #tpu.memory_space<vmem_shared>> -> memref<632x128xf32, #tpu.memory_space<vmem_shared>>
        %dma_wait3A_36 = arith.constant 0 : i32
        %dma_wait3A_37 = tpu.memref_slice %arg3[%min3A_1, %dma_wait3A_36] : memref<10000x128xf32, #tpu.memory_space<hbm>> -> memref<632x128xf32, #tpu.memory_space<hbm>>
        tpu.wait_dma2 semaphore(%run_scoped3A : memref<!tpu.dma_semaphore, #tpu.memory_space<semaphore_mem>>) src(%dma_wait3A_37 : memref<632x128xf32, #tpu.memory_space<hbm>>) dst(%dma_wait3A_35 : memref<632x128xf32, #tpu.memory_space<vmem_shared>>)
        tpu.yield
      }) : () -> ()
    } else {
    }
    %barrier3A = arith.constant 0 : index
    tpu.barrier barrier_id(%barrier3A)
    %mul3A_9 = arith.constant 16 : i32
    %mul3A_10 = arith.muli %arg0, %mul3A_9 : i32
    %add3A = arith.addi %mul3A_10, %arg1 : i32
    "tpu.region"() ({
      %run_scoped3A = tpu.sem_alloc : memref<!tpu.dma_semaphore, #tpu.memory_space<semaphore_mem>>
      %dma_start3A_31 = arith.constant 0 : i32
      %dma_start3A_32 = tpu.memref_slice %arg4[%add3A, %dma_start3A_31] : memref<32x10400xi32, #tpu.memory_space<hbm>> -> memref<1x10400xi32, #tpu.memory_space<hbm>>
      %dma_start3A_33 = tpu.memref_squeeze %dma_start3A_32 : memref<1x10400xi32, #tpu.memory_space<hbm>> -> memref<10400xi32, #tpu.memory_space<hbm>>
      %dma_start3A_34 = arith.constant 0 : i32
      %dma_start3A_35 = tpu.memref_slice %arg4[%add3A, %dma_start3A_34] : memref<32x10400xi32, #tpu.memory_space<hbm>> -> memref<1x10400xi32, #tpu.memory_space<hbm>>
      %dma_start3A_36 = tpu.memref_squeeze %dma_start3A_35 : memref<1x10400xi32, #tpu.memory_space<hbm>> -> memref<10400xi32, #tpu.memory_space<hbm>>
      tpu.enqueue_dma source(%dma_start3A_36 : memref<10400xi32, #tpu.memory_space<hbm>>) target(%arg8 : memref<10400xi32, #tpu.memory_space<vmem>>) target_semaphore(%run_scoped3A : memref<!tpu.dma_semaphore, #tpu.memory_space<semaphore_mem>>)
      %dma_wait3A = arith.constant 0 : i32
      %dma_wait3A_37 = tpu.memref_slice %arg4[%add3A, %dma_wait3A] : memref<32x10400xi32, #tpu.memory_space<hbm>> -> memref<1x10400xi32, #tpu.memory_space<hbm>>
      %dma_wait3A_38 = tpu.memref_squeeze %dma_wait3A_37 : memref<1x10400xi32, #tpu.memory_space<hbm>> -> memref<10400xi32, #tpu.memory_space<hbm>>
      %dma_wait3A_39 = arith.constant 0 : i32
      %dma_wait3A_40 = tpu.memref_slice %arg4[%add3A, %dma_wait3A_39] : memref<32x10400xi32, #tpu.memory_space<hbm>> -> memref<1x10400xi32, #tpu.memory_space<hbm>>
      %dma_wait3A_41 = tpu.memref_squeeze %dma_wait3A_40 : memref<1x10400xi32, #tpu.memory_space<hbm>> -> memref<10400xi32, #tpu.memory_space<hbm>>
      tpu.wait_dma2 semaphore(%run_scoped3A : memref<!tpu.dma_semaphore, #tpu.memory_space<semaphore_mem>>) src(%dma_wait3A_41 : memref<10400xi32, #tpu.memory_space<hbm>>) dst(%arg8 : memref<10400xi32, #tpu.memory_space<vmem>>)
      tpu.yield
    }) : () -> ()
    "tpu.region"() ({
      %run_scoped3A = tpu.sem_alloc : memref<!tpu.dma_semaphore, #tpu.memory_space<semaphore_mem>>
      %dma_start3A_31 = arith.constant 0 : i32
      %dma_start3A_32 = arith.constant 0 : i32
      %dma_start3A_33 = tpu.memref_slice %arg5[%add3A, %dma_start3A_31, %dma_start3A_32] : memref<32x100x100xi32, #tpu.memory_space<hbm>> -> memref<1x100x100xi32, #tpu.memory_space<hbm>>
      %dma_start3A_34 = tpu.memref_squeeze %dma_start3A_33 : memref<1x100x100xi32, #tpu.memory_space<hbm>> -> memref<100x100xi32, #tpu.memory_space<hbm>>
      %dma_start3A_35 = arith.constant 0 : i32
      %dma_start3A_36 = arith.constant 0 : i32
      %dma_start3A_37 = tpu.memref_slice %arg5[%add3A, %dma_start3A_35, %dma_start3A_36] : memref<32x100x100xi32, #tpu.memory_space<hbm>> -> memref<1x100x100xi32, #tpu.memory_space<hbm>>
      %dma_start3A_38 = tpu.memref_squeeze %dma_start3A_37 : memref<1x100x100xi32, #tpu.memory_space<hbm>> -> memref<100x100xi32, #tpu.memory_space<hbm>>
      tpu.enqueue_dma source(%dma_start3A_38 : memref<100x100xi32, #tpu.memory_space<hbm>>) target(%arg9 : memref<100x100xi32, #tpu.memory_space<vmem>>) target_semaphore(%run_scoped3A : memref<!tpu.dma_semaphore, #tpu.memory_space<semaphore_mem>>)
      %dma_wait3A = arith.constant 0 : i32
      %dma_wait3A_39 = arith.constant 0 : i32
      %dma_wait3A_40 = tpu.memref_slice %arg5[%add3A, %dma_wait3A, %dma_wait3A_39] : memref<32x100x100xi32, #tpu.memory_space<hbm>> -> memref<1x100x100xi32, #tpu.memory_space<hbm>>
      %dma_wait3A_41 = tpu.memref_squeeze %dma_wait3A_40 : memref<1x100x100xi32, #tpu.memory_space<hbm>> -> memref<100x100xi32, #tpu.memory_space<hbm>>
      %dma_wait3A_42 = arith.constant 0 : i32
      %dma_wait3A_43 = arith.constant 0 : i32
      %dma_wait3A_44 = tpu.memref_slice %arg5[%add3A, %dma_wait3A_42, %dma_wait3A_43] : memref<32x100x100xi32, #tpu.memory_space<hbm>> -> memref<1x100x100xi32, #tpu.memory_space<hbm>>
      %dma_wait3A_45 = tpu.memref_squeeze %dma_wait3A_44 : memref<1x100x100xi32, #tpu.memory_space<hbm>> -> memref<100x100xi32, #tpu.memory_space<hbm>>
      tpu.wait_dma2 semaphore(%run_scoped3A : memref<!tpu.dma_semaphore, #tpu.memory_space<semaphore_mem>>) src(%dma_wait3A_45 : memref<100x100xi32, #tpu.memory_space<hbm>>) dst(%arg9 : memref<100x100xi32, #tpu.memory_space<vmem>>)
      tpu.yield
    }) : () -> ()
    %dma_start3A = arith.constant 0 : i32
    %dma_start3A_11 = tpu.memref_slice %arg8[%dma_start3A] : memref<10400xi32, #tpu.memory_space<vmem>> -> memref<100xi32, #tpu.memory_space<vmem>>
    %dma_start3A_12 = arith.constant 0 : i32
    %dma_start3A_13 = arith.constant 0 : i32
    %dma_start3A_14 = tpu.memref_slice %arg2[%dma_start3A_12, %dma_start3A_13] : memref<10000x128xf32, #tpu.memory_space<hbm>> -> memref<10000x128xf32, #tpu.memory_space<hbm>>
    tpu.enqueue_indirect_dma source(%dma_start3A_14 : memref<10000x128xf32, #tpu.memory_space<hbm>>) target(%arg10 : memref<100x128xf32, #tpu.memory_space<vmem>>) offsets(%dma_start3A_11 : memref<100xi32, #tpu.memory_space<vmem>>) semaphore(%arg13 : memref<!tpu.dma_semaphore, #tpu.memory_space<semaphore_mem>>)
    %scan3A = arith.constant 0 : i32
    %scan3A_15 = arith.constant 0 : i32
    %scan3A_16 = arith.constant 50 : i32
    %scan3A_17 = arith.addi %scan3A_15, %scan3A_16 : i32
    %scan3A_18 = arith.constant 1 : i32
    scf.for %scan3A_31 = %scan3A_15 to %scan3A_17 step %scan3A_18  : i32 {
      %mul3A_32 = arith.constant 2 : i32
      %mul3A_33 = arith.muli %mul3A_32, %scan3A_31 : i32
      %mul3A_34 = arith.constant 2 : i32
      %mul3A_35 = arith.muli %mul3A_34, %scan3A_31 : i32
      %add3A_36 = arith.constant 1 : i32
      %add3A_37 = arith.addi %mul3A_35, %add3A_36 : i32
      %mul3A_38 = arith.constant 104 : i32
      %mul3A_39 = arith.muli %mul3A_33, %mul3A_38 : i32
      %dma_wait3A = tpu.memref_slice %arg8[%mul3A_39] : memref<10400xi32, #tpu.memory_space<vmem>> -> memref<100xi32, #tpu.memory_space<vmem>>
      %dma_wait3A_40 = arith.constant 0 : i32
      %dma_wait3A_41 = arith.constant 0 : i32
      %dma_wait3A_42 = tpu.memref_slice %arg2[%dma_wait3A_40, %dma_wait3A_41] : memref<10000x128xf32, #tpu.memory_space<hbm>> -> memref<10000x128xf32, #tpu.memory_space<hbm>>
      tpu.wait_indirect_dma semaphore(%arg13 : memref<!tpu.dma_semaphore, #tpu.memory_space<semaphore_mem>>) src(%dma_wait3A_42 : memref<10000x128xf32, #tpu.memory_space<hbm>>) dst(%arg10 : memref<100x128xf32, #tpu.memory_space<vmem>>)
      %mul3A_43 = arith.constant 104 : i32
      %mul3A_44 = arith.muli %add3A_37, %mul3A_43 : i32
      %dma_start3A_45 = tpu.memref_slice %arg8[%mul3A_44] : memref<10400xi32, #tpu.memory_space<vmem>> -> memref<100xi32, #tpu.memory_space<vmem>>
      %dma_start3A_46 = arith.constant 0 : i32
      %dma_start3A_47 = arith.constant 0 : i32
      %dma_start3A_48 = tpu.memref_slice %arg2[%dma_start3A_46, %dma_start3A_47] : memref<10000x128xf32, #tpu.memory_space<hbm>> -> memref<10000x128xf32, #tpu.memory_space<hbm>>
      tpu.enqueue_indirect_dma source(%dma_start3A_48 : memref<10000x128xf32, #tpu.memory_space<hbm>>) target(%arg11 : memref<100x128xf32, #tpu.memory_space<vmem>>) offsets(%dma_start3A_45 : memref<100xi32, #tpu.memory_space<vmem>>) semaphore(%arg14 : memref<!tpu.dma_semaphore, #tpu.memory_space<semaphore_mem>>)
      "tpu.region"() ({
        %run_scoped3A = tpu.sem_alloc : memref<!tpu.dma_semaphore, #tpu.memory_space<semaphore_mem>>
        %dma_start3A_61 = arith.constant 0 : i32
        %dma_start3A_62 = tpu.memref_slice %arg9[%mul3A_33, %dma_start3A_61] : memref<100x100xi32, #tpu.memory_space<vmem>> -> memref<1x100xi32, #tpu.memory_space<vmem>>
        %dma_start3A_63 = tpu.memref_squeeze %dma_start3A_62 : memref<1x100xi32, #tpu.memory_space<vmem>> -> memref<100xi32, #tpu.memory_space<vmem>>
        %dma_start3A_64 = arith.constant 0 : i32
        %dma_start3A_65 = arith.constant 0 : i32
        %dma_start3A_66 = tpu.memref_slice %arg12[%dma_start3A_64, %dma_start3A_65] : memref<10000x128xf32, #tpu.memory_space<vmem_shared>> -> memref<10000x128xf32, #tpu.memory_space<vmem_shared>>
        tpu.enqueue_indirect_dma source(%arg10 : memref<100x128xf32, #tpu.memory_space<vmem>>) target(%dma_start3A_66 : memref<10000x128xf32, #tpu.memory_space<vmem_shared>>) offsets(%dma_start3A_63 : memref<100xi32, #tpu.memory_space<vmem>>) semaphore(%run_scoped3A : memref<!tpu.dma_semaphore, #tpu.memory_space<semaphore_mem>>) {add = true}
        %dma_wait3A_67 = arith.constant 0 : i32
        %dma_wait3A_68 = tpu.memref_slice %arg9[%mul3A_33, %dma_wait3A_67] : memref<100x100xi32, #tpu.memory_space<vmem>> -> memref<1x100xi32, #tpu.memory_space<vmem>>
        %dma_wait3A_69 = tpu.memref_squeeze %dma_wait3A_68 : memref<1x100xi32, #tpu.memory_space<vmem>> -> memref<100xi32, #tpu.memory_space<vmem>>
        %dma_wait3A_70 = arith.constant 0 : i32
        %dma_wait3A_71 = arith.constant 0 : i32
        %dma_wait3A_72 = tpu.memref_slice %arg12[%dma_wait3A_70, %dma_wait3A_71] : memref<10000x128xf32, #tpu.memory_space<vmem_shared>> -> memref<10000x128xf32, #tpu.memory_space<vmem_shared>>
        tpu.wait_indirect_dma semaphore(%run_scoped3A : memref<!tpu.dma_semaphore, #tpu.memory_space<semaphore_mem>>) src(%arg10 : memref<100x128xf32, #tpu.memory_space<vmem>>) dst(%dma_wait3A_72 : memref<10000x128xf32, #tpu.memory_space<vmem_shared>>)
        tpu.yield
      }) : () -> ()
      %add3A_49 = arith.constant 2 : i32
      %add3A_50 = arith.addi %mul3A_33, %add3A_49 : i32
      %lt3A = arith.constant 100 : i32
      %lt3A_51 = arith.cmpi slt, %add3A_50, %lt3A : i32
      %convert_element_type3A_52 = arith.extui %lt3A_51 : i1 to i32
      %cond3A_53 = arith.constant 0 : i32
      %cond3A_54 = arith.cmpi ne, %convert_element_type3A_52, %cond3A_53 : i32
      scf.if %cond3A_54 {
        %add3A_61 = arith.constant 2 : i32
        %add3A_62 = arith.addi %mul3A_33, %add3A_61 : i32
        %mul3A_63 = arith.constant 104 : i32
        %mul3A_64 = arith.muli %add3A_62, %mul3A_63 : i32
        %dma_start3A_65 = tpu.memref_slice %arg8[%mul3A_64] : memref<10400xi32, #tpu.memory_space<vmem>> -> memref<100xi32, #tpu.memory_space<vmem>>
        %dma_start3A_66 = arith.constant 0 : i32
        %dma_start3A_67 = arith.constant 0 : i32
        %dma_start3A_68 = tpu.memref_slice %arg2[%dma_start3A_66, %dma_start3A_67] : memref<10000x128xf32, #tpu.memory_space<hbm>> -> memref<10000x128xf32, #tpu.memory_space<hbm>>
        tpu.enqueue_indirect_dma source(%dma_start3A_68 : memref<10000x128xf32, #tpu.memory_space<hbm>>) target(%arg10 : memref<100x128xf32, #tpu.memory_space<vmem>>) offsets(%dma_start3A_65 : memref<100xi32, #tpu.memory_space<vmem>>) semaphore(%arg13 : memref<!tpu.dma_semaphore, #tpu.memory_space<semaphore_mem>>)
      } else {
      }
      %mul3A_55 = arith.constant 104 : i32
      %mul3A_56 = arith.muli %add3A_37, %mul3A_55 : i32
      %dma_wait3A_57 = tpu.memref_slice %arg8[%mul3A_56] : memref<10400xi32, #tpu.memory_space<vmem>> -> memref<100xi32, #tpu.memory_space<vmem>>
      %dma_wait3A_58 = arith.constant 0 : i32
      %dma_wait3A_59 = arith.constant 0 : i32
      %dma_wait3A_60 = tpu.memref_slice %arg2[%dma_wait3A_58, %dma_wait3A_59] : memref<10000x128xf32, #tpu.memory_space<hbm>> -> memref<10000x128xf32, #tpu.memory_space<hbm>>
      tpu.wait_indirect_dma semaphore(%arg14 : memref<!tpu.dma_semaphore, #tpu.memory_space<semaphore_mem>>) src(%dma_wait3A_60 : memref<10000x128xf32, #tpu.memory_space<hbm>>) dst(%arg11 : memref<100x128xf32, #tpu.memory_space<vmem>>)
      "tpu.region"() ({
        %run_scoped3A = tpu.sem_alloc : memref<!tpu.dma_semaphore, #tpu.memory_space<semaphore_mem>>
        %dma_start3A_61 = arith.constant 0 : i32
        %dma_start3A_62 = tpu.memref_slice %arg9[%add3A_37, %dma_start3A_61] : memref<100x100xi32, #tpu.memory_space<vmem>> -> memref<1x100xi32, #tpu.memory_space<vmem>>
        %dma_start3A_63 = tpu.memref_squeeze %dma_start3A_62 : memref<1x100xi32, #tpu.memory_space<vmem>> -> memref<100xi32, #tpu.memory_space<vmem>>
        %dma_start3A_64 = arith.constant 0 : i32
        %dma_start3A_65 = arith.constant 0 : i32
        %dma_start3A_66 = tpu.memref_slice %arg12[%dma_start3A_64, %dma_start3A_65] : memref<10000x128xf32, #tpu.memory_space<vmem_shared>> -> memref<10000x128xf32, #tpu.memory_space<vmem_shared>>
        tpu.enqueue_indirect_dma source(%arg11 : memref<100x128xf32, #tpu.memory_space<vmem>>) target(%dma_start3A_66 : memref<10000x128xf32, #tpu.memory_space<vmem_shared>>) offsets(%dma_start3A_63 : memref<100xi32, #tpu.memory_space<vmem>>) semaphore(%run_scoped3A : memref<!tpu.dma_semaphore, #tpu.memory_space<semaphore_mem>>) {add = true}
        %dma_wait3A_67 = arith.constant 0 : i32
        %dma_wait3A_68 = tpu.memref_slice %arg9[%add3A_37, %dma_wait3A_67] : memref<100x100xi32, #tpu.memory_space<vmem>> -> memref<1x100xi32, #tpu.memory_space<vmem>>
        %dma_wait3A_69 = tpu.memref_squeeze %dma_wait3A_68 : memref<1x100xi32, #tpu.memory_space<vmem>> -> memref<100xi32, #tpu.memory_space<vmem>>
        %dma_wait3A_70 = arith.constant 0 : i32
        %dma_wait3A_71 = arith.constant 0 : i32
        %dma_wait3A_72 = tpu.memref_slice %arg12[%dma_wait3A_70, %dma_wait3A_71] : memref<10000x128xf32, #tpu.memory_space<vmem_shared>> -> memref<10000x128xf32, #tpu.memory_space<vmem_shared>>
        tpu.wait_indirect_dma semaphore(%run_scoped3A : memref<!tpu.dma_semaphore, #tpu.memory_space<semaphore_mem>>) src(%arg11 : memref<100x128xf32, #tpu.memory_space<vmem>>) dst(%dma_wait3A_72 : memref<10000x128xf32, #tpu.memory_space<vmem_shared>>)
        tpu.yield
      }) : () -> ()
    }
    %scan3A_19 = arith.constant 50 : i32
    %barrier3A_20 = arith.constant 0 : index
    tpu.barrier barrier_id(%barrier3A_20)
    %eq3A_21 = arith.constant 0 : i32
    %eq3A_22 = arith.cmpi eq, %arg0, %eq3A_21 : i32
    %convert_element_type3A_23 = arith.extui %eq3A_22 : i1 to i32
    %cond3A_24 = arith.constant 0 : i32
    %cond3A_25 = arith.cmpi ne, %convert_element_type3A_23, %cond3A_24 : i32
    scf.if %cond3A_25 {
      "tpu.region"() ({
        %run_scoped3A = tpu.sem_alloc : memref<!tpu.dma_semaphore, #tpu.memory_space<semaphore_mem>>
        %dma_start3A_31 = arith.constant 0 : i32
        %dma_start3A_32 = tpu.memref_slice %arg6[%min3A_1, %dma_start3A_31] : memref<10000x128xf32, #tpu.memory_space<hbm>> -> memref<632x128xf32, #tpu.memory_space<hbm>>
        %dma_start3A_33 = arith.constant 0 : i32
        %dma_start3A_34 = tpu.memref_slice %arg12[%min3A_1, %dma_start3A_33] : memref<10000x128xf32, #tpu.memory_space<vmem_shared>> -> memref<632x128xf32, #tpu.memory_space<vmem_shared>>
        tpu.enqueue_dma source(%dma_start3A_34 : memref<632x128xf32, #tpu.memory_space<vmem_shared>>) target(%dma_start3A_32 : memref<632x128xf32, #tpu.memory_space<hbm>>) target_semaphore(%run_scoped3A : memref<!tpu.dma_semaphore, #tpu.memory_space<semaphore_mem>>)
        %dma_wait3A = arith.constant 0 : i32
        %dma_wait3A_35 = tpu.memref_slice %arg6[%min3A_1, %dma_wait3A] : memref<10000x128xf32, #tpu.memory_space<hbm>> -> memref<632x128xf32, #tpu.memory_space<hbm>>
        %dma_wait3A_36 = arith.constant 0 : i32
        %dma_wait3A_37 = tpu.memref_slice %arg12[%min3A_1, %dma_wait3A_36] : memref<10000x128xf32, #tpu.memory_space<vmem_shared>> -> memref<632x128xf32, #tpu.memory_space<vmem_shared>>
        tpu.wait_dma2 semaphore(%run_scoped3A : memref<!tpu.dma_semaphore, #tpu.memory_space<semaphore_mem>>) src(%dma_wait3A_37 : memref<632x128xf32, #tpu.memory_space<vmem_shared>>) dst(%dma_wait3A_35 : memref<632x128xf32, #tpu.memory_space<hbm>>)
        tpu.yield
      }) : () -> ()
    } else {
    }
    %eq3A_26 = arith.constant 1 : i32
    %eq3A_27 = arith.cmpi eq, %arg0, %eq3A_26 : i32
    %convert_element_type3A_28 = arith.extui %eq3A_27 : i1 to i32
    %cond3A_29 = arith.constant 0 : i32
    %cond3A_30 = arith.cmpi ne, %convert_element_type3A_28, %cond3A_29 : i32
    scf.if %cond3A_30 {
      "tpu.region"() ({
        %run_scoped3A = tpu.sem_alloc : memref<!tpu.dma_semaphore, #tpu.memory_space<semaphore_mem>>
        %dma_start3A_31 = arith.constant 0 : i32
        %dma_start3A_32 = tpu.memref_slice %arg7[%min3A_1, %dma_start3A_31] : memref<10000x128xf32, #tpu.memory_space<hbm>> -> memref<632x128xf32, #tpu.memory_space<hbm>>
        %dma_start3A_33 = arith.constant 0 : i32
        %dma_start3A_34 = tpu.memref_slice %arg12[%min3A_1, %dma_start3A_33] : memref<10000x128xf32, #tpu.memory_space<vmem_shared>> -> memref<632x128xf32, #tpu.memory_space<vmem_shared>>
        tpu.enqueue_dma source(%dma_start3A_34 : memref<632x128xf32, #tpu.memory_space<vmem_shared>>) target(%dma_start3A_32 : memref<632x128xf32, #tpu.memory_space<hbm>>) target_semaphore(%run_scoped3A : memref<!tpu.dma_semaphore, #tpu.memory_space<semaphore_mem>>)
        %dma_wait3A = arith.constant 0 : i32
        %dma_wait3A_35 = tpu.memref_slice %arg7[%min3A_1, %dma_wait3A] : memref<10000x128xf32, #tpu.memory_space<hbm>> -> memref<632x128xf32, #tpu.memory_space<hbm>>
        %dma_wait3A_36 = arith.constant 0 : i32
        %dma_wait3A_37 = tpu.memref_slice %arg12[%min3A_1, %dma_wait3A_36] : memref<10000x128xf32, #tpu.memory_space<vmem_shared>> -> memref<632x128xf32, #tpu.memory_space<vmem_shared>>
        tpu.wait_dma2 semaphore(%run_scoped3A : memref<!tpu.dma_semaphore, #tpu.memory_space<semaphore_mem>>) src(%dma_wait3A_37 : memref<632x128xf32, #tpu.memory_space<vmem_shared>>) dst(%dma_wait3A_35 : memref<632x128xf32, #tpu.memory_space<hbm>>)
        tpu.yield
      }) : () -> ()
    } else {
    }
    return
  }
}

#map = affine_map<(d0, d1) -> (0, 0)>
#map1 = affine_map<(d0, d1) -> (0, 0, 0)>
module attributes {stable_mosaic.version = 14 : i64} {
  func.func @agg(%arg0: i32, %arg1: i32, %arg2: memref<10000x128xf32, #tpu.memory_space<hbm>>, %arg3: memref<10000x128xf32, #tpu.memory_space<hbm>>, %arg4: memref<32x10400xi32, #tpu.memory_space<hbm>>, %arg5: memref<32x100x100xi32, #tpu.memory_space<hbm>>, %arg6: memref<10000x128xf32, #tpu.memory_space<hbm>>, %arg7: memref<10000x128xf32, #tpu.memory_space<hbm>>, %arg8: memref<10400xi32, #tpu.memory_space<vmem>>, %arg9: memref<100x100xi32, #tpu.memory_space<vmem>>, %arg10: memref<100x128xf32, #tpu.memory_space<vmem>>, %arg11: memref<100x128xf32, #tpu.memory_space<vmem>>, %arg12: memref<10000x128xf32, #tpu.memory_space<vmem_shared>>, %arg13: memref<!tpu.dma_semaphore, #tpu.memory_space<semaphore_mem>>, %arg14: memref<!tpu.dma_semaphore, #tpu.memory_space<semaphore_mem>>) attributes {dimension_semantics = [#tpu.dimension_semantics<core_parallel>, #tpu.dimension_semantics<subcore_parallel>], iteration_bounds = array<i64: 2, 16>, scalar_prefetch = 0 : i64, scratch_operands = 7 : i64, tpu.core_type = #tpu.core_type<sc_vector_subcore>, window_params = [{transform_indices = #map}, {transform_indices = #map}, {transform_indices = #map}, {transform_indices = #map1}, {transform_indices = #map}, {transform_indices = #map}]} {
    %mul3A = arith.constant 632 : i32
    %mul3A_0 = arith.muli %arg1, %mul3A : i32
    %min3A = arith.constant 9368 : i32
    %min3A_1 = arith.minsi %mul3A_0, %min3A : i32
    %eq3A = arith.constant 0 : i32
    %eq3A_2 = arith.cmpi eq, %arg0, %eq3A : i32
    %convert_element_type3A = arith.extui %eq3A_2 : i1 to i32
    %cond3A = arith.constant 0 : i32
    %cond3A_3 = arith.cmpi ne, %convert_element_type3A, %cond3A : i32
    scf.if %cond3A_3 {
      "tpu.region"() ({
        %run_scoped3A = tpu.sem_alloc : memref<!tpu.dma_semaphore, #tpu.memory_space<semaphore_mem>>
        %dma_start3A_31 = arith.constant 0 : i32
        %dma_start3A_32 = tpu.memref_slice %arg12[%min3A_1, %dma_start3A_31] : memref<10000x128xf32, #tpu.memory_space<vmem_shared>> -> memref<632x128xf32, #tpu.memory_space<vmem_shared>>
        %dma_start3A_33 = arith.constant 0 : i32
        %dma_start3A_34 = tpu.memref_slice %arg2[%min3A_1, %dma_start3A_33] : memref<10000x128xf32, #tpu.memory_space<hbm>> -> memref<632x128xf32, #tpu.memory_space<hbm>>
        tpu.enqueue_dma source(%dma_start3A_34 : memref<632x128xf32, #tpu.memory_space<hbm>>) target(%dma_start3A_32 : memref<632x128xf32, #tpu.memory_space<vmem_shared>>) target_semaphore(%run_scoped3A : memref<!tpu.dma_semaphore, #tpu.memory_space<semaphore_mem>>)
        %dma_wait3A = arith.constant 0 : i32
        %dma_wait3A_35 = tpu.memref_slice %arg12[%min3A_1, %dma_wait3A] : memref<10000x128xf32, #tpu.memory_space<vmem_shared>> -> memref<632x128xf32, #tpu.memory_space<vmem_shared>>
        %dma_wait3A_36 = arith.constant 0 : i32
        %dma_wait3A_37 = tpu.memref_slice %arg2[%min3A_1, %dma_wait3A_36] : memref<10000x128xf32, #tpu.memory_space<hbm>> -> memref<632x128xf32, #tpu.memory_space<hbm>>
        tpu.wait_dma2 semaphore(%run_scoped3A : memref<!tpu.dma_semaphore, #tpu.memory_space<semaphore_mem>>) src(%dma_wait3A_37 : memref<632x128xf32, #tpu.memory_space<hbm>>) dst(%dma_wait3A_35 : memref<632x128xf32, #tpu.memory_space<vmem_shared>>)
        tpu.yield
      }) : () -> ()
    } else {
    }
    %eq3A_4 = arith.constant 1 : i32
    %eq3A_5 = arith.cmpi eq, %arg0, %eq3A_4 : i32
    %convert_element_type3A_6 = arith.extui %eq3A_5 : i1 to i32
    %cond3A_7 = arith.constant 0 : i32
    %cond3A_8 = arith.cmpi ne, %convert_element_type3A_6, %cond3A_7 : i32
    scf.if %cond3A_8 {
      "tpu.region"() ({
        %run_scoped3A = tpu.sem_alloc : memref<!tpu.dma_semaphore, #tpu.memory_space<semaphore_mem>>
        %dma_start3A_31 = arith.constant 0 : i32
        %dma_start3A_32 = tpu.memref_slice %arg12[%min3A_1, %dma_start3A_31] : memref<10000x128xf32, #tpu.memory_space<vmem_shared>> -> memref<632x128xf32, #tpu.memory_space<vmem_shared>>
        %dma_start3A_33 = arith.constant 0 : i32
        %dma_start3A_34 = tpu.memref_slice %arg3[%min3A_1, %dma_start3A_33] : memref<10000x128xf32, #tpu.memory_space<hbm>> -> memref<632x128xf32, #tpu.memory_space<hbm>>
        tpu.enqueue_dma source(%dma_start3A_34 : memref<632x128xf32, #tpu.memory_space<hbm>>) target(%dma_start3A_32 : memref<632x128xf32, #tpu.memory_space<vmem_shared>>) target_semaphore(%run_scoped3A : memref<!tpu.dma_semaphore, #tpu.memory_space<semaphore_mem>>)
        %dma_wait3A = arith.constant 0 : i32
        %dma_wait3A_35 = tpu.memref_slice %arg12[%min3A_1, %dma_wait3A] : memref<10000x128xf32, #tpu.memory_space<vmem_shared>> -> memref<632x128xf32, #tpu.memory_space<vmem_shared>>
        %dma_wait3A_36 = arith.constant 0 : i32
        %dma_wait3A_37 = tpu.memref_slice %arg3[%min3A_1, %dma_wait3A_36] : memref<10000x128xf32, #tpu.memory_space<hbm>> -> memref<632x128xf32, #tpu.memory_space<hbm>>
        tpu.wait_dma2 semaphore(%run_scoped3A : memref<!tpu.dma_semaphore, #tpu.memory_space<semaphore_mem>>) src(%dma_wait3A_37 : memref<632x128xf32, #tpu.memory_space<hbm>>) dst(%dma_wait3A_35 : memref<632x128xf32, #tpu.memory_space<vmem_shared>>)
        tpu.yield
      }) : () -> ()
    } else {
    }
    %barrier3A = arith.constant 0 : index
    tpu.barrier barrier_id(%barrier3A)
    %mul3A_9 = arith.constant 16 : i32
    %mul3A_10 = arith.muli %arg0, %mul3A_9 : i32
    %add3A = arith.addi %mul3A_10, %arg1 : i32
    "tpu.region"() ({
      %run_scoped3A = tpu.sem_alloc : memref<!tpu.dma_semaphore, #tpu.memory_space<semaphore_mem>>
      %dma_start3A_31 = arith.constant 0 : i32
      %dma_start3A_32 = tpu.memref_slice %arg4[%add3A, %dma_start3A_31] : memref<32x10400xi32, #tpu.memory_space<hbm>> -> memref<1x10400xi32, #tpu.memory_space<hbm>>
      %dma_start3A_33 = tpu.memref_squeeze %dma_start3A_32 : memref<1x10400xi32, #tpu.memory_space<hbm>> -> memref<10400xi32, #tpu.memory_space<hbm>>
      %dma_start3A_34 = arith.constant 0 : i32
      %dma_start3A_35 = tpu.memref_slice %arg4[%add3A, %dma_start3A_34] : memref<32x10400xi32, #tpu.memory_space<hbm>> -> memref<1x10400xi32, #tpu.memory_space<hbm>>
      %dma_start3A_36 = tpu.memref_squeeze %dma_start3A_35 : memref<1x10400xi32, #tpu.memory_space<hbm>> -> memref<10400xi32, #tpu.memory_space<hbm>>
      tpu.enqueue_dma source(%dma_start3A_36 : memref<10400xi32, #tpu.memory_space<hbm>>) target(%arg8 : memref<10400xi32, #tpu.memory_space<vmem>>) target_semaphore(%run_scoped3A : memref<!tpu.dma_semaphore, #tpu.memory_space<semaphore_mem>>)
      %dma_wait3A = arith.constant 0 : i32
      %dma_wait3A_37 = tpu.memref_slice %arg4[%add3A, %dma_wait3A] : memref<32x10400xi32, #tpu.memory_space<hbm>> -> memref<1x10400xi32, #tpu.memory_space<hbm>>
      %dma_wait3A_38 = tpu.memref_squeeze %dma_wait3A_37 : memref<1x10400xi32, #tpu.memory_space<hbm>> -> memref<10400xi32, #tpu.memory_space<hbm>>
      %dma_wait3A_39 = arith.constant 0 : i32
      %dma_wait3A_40 = tpu.memref_slice %arg4[%add3A, %dma_wait3A_39] : memref<32x10400xi32, #tpu.memory_space<hbm>> -> memref<1x10400xi32, #tpu.memory_space<hbm>>
      %dma_wait3A_41 = tpu.memref_squeeze %dma_wait3A_40 : memref<1x10400xi32, #tpu.memory_space<hbm>> -> memref<10400xi32, #tpu.memory_space<hbm>>
      tpu.wait_dma2 semaphore(%run_scoped3A : memref<!tpu.dma_semaphore, #tpu.memory_space<semaphore_mem>>) src(%dma_wait3A_41 : memref<10400xi32, #tpu.memory_space<hbm>>) dst(%arg8 : memref<10400xi32, #tpu.memory_space<vmem>>)
      tpu.yield
    }) : () -> ()
    "tpu.region"() ({
      %run_scoped3A = tpu.sem_alloc : memref<!tpu.dma_semaphore, #tpu.memory_space<semaphore_mem>>
      %dma_start3A_31 = arith.constant 0 : i32
      %dma_start3A_32 = arith.constant 0 : i32
      %dma_start3A_33 = tpu.memref_slice %arg5[%add3A, %dma_start3A_31, %dma_start3A_32] : memref<32x100x100xi32, #tpu.memory_space<hbm>> -> memref<1x100x100xi32, #tpu.memory_space<hbm>>
      %dma_start3A_34 = tpu.memref_squeeze %dma_start3A_33 : memref<1x100x100xi32, #tpu.memory_space<hbm>> -> memref<100x100xi32, #tpu.memory_space<hbm>>
      %dma_start3A_35 = arith.constant 0 : i32
      %dma_start3A_36 = arith.constant 0 : i32
      %dma_start3A_37 = tpu.memref_slice %arg5[%add3A, %dma_start3A_35, %dma_start3A_36] : memref<32x100x100xi32, #tpu.memory_space<hbm>> -> memref<1x100x100xi32, #tpu.memory_space<hbm>>
      %dma_start3A_38 = tpu.memref_squeeze %dma_start3A_37 : memref<1x100x100xi32, #tpu.memory_space<hbm>> -> memref<100x100xi32, #tpu.memory_space<hbm>>
      tpu.enqueue_dma source(%dma_start3A_38 : memref<100x100xi32, #tpu.memory_space<hbm>>) target(%arg9 : memref<100x100xi32, #tpu.memory_space<vmem>>) target_semaphore(%run_scoped3A : memref<!tpu.dma_semaphore, #tpu.memory_space<semaphore_mem>>)
      %dma_wait3A = arith.constant 0 : i32
      %dma_wait3A_39 = arith.constant 0 : i32
      %dma_wait3A_40 = tpu.memref_slice %arg5[%add3A, %dma_wait3A, %dma_wait3A_39] : memref<32x100x100xi32, #tpu.memory_space<hbm>> -> memref<1x100x100xi32, #tpu.memory_space<hbm>>
      %dma_wait3A_41 = tpu.memref_squeeze %dma_wait3A_40 : memref<1x100x100xi32, #tpu.memory_space<hbm>> -> memref<100x100xi32, #tpu.memory_space<hbm>>
      %dma_wait3A_42 = arith.constant 0 : i32
      %dma_wait3A_43 = arith.constant 0 : i32
      %dma_wait3A_44 = tpu.memref_slice %arg5[%add3A, %dma_wait3A_42, %dma_wait3A_43] : memref<32x100x100xi32, #tpu.memory_space<hbm>> -> memref<1x100x100xi32, #tpu.memory_space<hbm>>
      %dma_wait3A_45 = tpu.memref_squeeze %dma_wait3A_44 : memref<1x100x100xi32, #tpu.memory_space<hbm>> -> memref<100x100xi32, #tpu.memory_space<hbm>>
      tpu.wait_dma2 semaphore(%run_scoped3A : memref<!tpu.dma_semaphore, #tpu.memory_space<semaphore_mem>>) src(%dma_wait3A_45 : memref<100x100xi32, #tpu.memory_space<hbm>>) dst(%arg9 : memref<100x100xi32, #tpu.memory_space<vmem>>)
      tpu.yield
    }) : () -> ()
    %dma_start3A = arith.constant 0 : i32
    %dma_start3A_11 = tpu.memref_slice %arg8[%dma_start3A] : memref<10400xi32, #tpu.memory_space<vmem>> -> memref<100xi32, #tpu.memory_space<vmem>>
    %dma_start3A_12 = arith.constant 0 : i32
    %dma_start3A_13 = arith.constant 0 : i32
    %dma_start3A_14 = tpu.memref_slice %arg2[%dma_start3A_12, %dma_start3A_13] : memref<10000x128xf32, #tpu.memory_space<hbm>> -> memref<10000x128xf32, #tpu.memory_space<hbm>>
    tpu.enqueue_indirect_dma source(%dma_start3A_14 : memref<10000x128xf32, #tpu.memory_space<hbm>>) target(%arg10 : memref<100x128xf32, #tpu.memory_space<vmem>>) offsets(%dma_start3A_11 : memref<100xi32, #tpu.memory_space<vmem>>) semaphore(%arg13 : memref<!tpu.dma_semaphore, #tpu.memory_space<semaphore_mem>>)
    %scan3A = arith.constant 0 : i32
    %scan3A_15 = arith.constant 0 : i32
    %scan3A_16 = arith.constant 50 : i32
    %scan3A_17 = arith.addi %scan3A_15, %scan3A_16 : i32
    %scan3A_18 = arith.constant 1 : i32
    scf.for %scan3A_31 = %scan3A_15 to %scan3A_17 step %scan3A_18  : i32 {
      %mul3A_32 = arith.constant 2 : i32
      %mul3A_33 = arith.muli %mul3A_32, %scan3A_31 : i32
      %mul3A_34 = arith.constant 2 : i32
      %mul3A_35 = arith.muli %mul3A_34, %scan3A_31 : i32
      %add3A_36 = arith.constant 1 : i32
      %add3A_37 = arith.addi %mul3A_35, %add3A_36 : i32
      %mul3A_38 = arith.constant 104 : i32
      %mul3A_39 = arith.muli %mul3A_33, %mul3A_38 : i32
      %dma_wait3A = tpu.memref_slice %arg8[%mul3A_39] : memref<10400xi32, #tpu.memory_space<vmem>> -> memref<100xi32, #tpu.memory_space<vmem>>
      %dma_wait3A_40 = arith.constant 0 : i32
      %dma_wait3A_41 = arith.constant 0 : i32
      %dma_wait3A_42 = tpu.memref_slice %arg2[%dma_wait3A_40, %dma_wait3A_41] : memref<10000x128xf32, #tpu.memory_space<hbm>> -> memref<10000x128xf32, #tpu.memory_space<hbm>>
      tpu.wait_indirect_dma semaphore(%arg13 : memref<!tpu.dma_semaphore, #tpu.memory_space<semaphore_mem>>) src(%dma_wait3A_42 : memref<10000x128xf32, #tpu.memory_space<hbm>>) dst(%arg10 : memref<100x128xf32, #tpu.memory_space<vmem>>)
      %mul3A_43 = arith.constant 104 : i32
      %mul3A_44 = arith.muli %add3A_37, %mul3A_43 : i32
      %dma_start3A_45 = tpu.memref_slice %arg8[%mul3A_44] : memref<10400xi32, #tpu.memory_space<vmem>> -> memref<100xi32, #tpu.memory_space<vmem>>
      %dma_start3A_46 = arith.constant 0 : i32
      %dma_start3A_47 = arith.constant 0 : i32
      %dma_start3A_48 = tpu.memref_slice %arg2[%dma_start3A_46, %dma_start3A_47] : memref<10000x128xf32, #tpu.memory_space<hbm>> -> memref<10000x128xf32, #tpu.memory_space<hbm>>
      tpu.enqueue_indirect_dma source(%dma_start3A_48 : memref<10000x128xf32, #tpu.memory_space<hbm>>) target(%arg11 : memref<100x128xf32, #tpu.memory_space<vmem>>) offsets(%dma_start3A_45 : memref<100xi32, #tpu.memory_space<vmem>>) semaphore(%arg14 : memref<!tpu.dma_semaphore, #tpu.memory_space<semaphore_mem>>)
      "tpu.region"() ({
        %run_scoped3A = tpu.sem_alloc : memref<!tpu.dma_semaphore, #tpu.memory_space<semaphore_mem>>
        %dma_start3A_61 = arith.constant 0 : i32
        %dma_start3A_62 = tpu.memref_slice %arg9[%mul3A_33, %dma_start3A_61] : memref<100x100xi32, #tpu.memory_space<vmem>> -> memref<1x100xi32, #tpu.memory_space<vmem>>
        %dma_start3A_63 = tpu.memref_squeeze %dma_start3A_62 : memref<1x100xi32, #tpu.memory_space<vmem>> -> memref<100xi32, #tpu.memory_space<vmem>>
        %dma_start3A_64 = arith.constant 0 : i32
        %dma_start3A_65 = arith.constant 0 : i32
        %dma_start3A_66 = tpu.memref_slice %arg12[%dma_start3A_64, %dma_start3A_65] : memref<10000x128xf32, #tpu.memory_space<vmem_shared>> -> memref<10000x128xf32, #tpu.memory_space<vmem_shared>>
        tpu.enqueue_indirect_dma source(%arg10 : memref<100x128xf32, #tpu.memory_space<vmem>>) target(%dma_start3A_66 : memref<10000x128xf32, #tpu.memory_space<vmem_shared>>) offsets(%dma_start3A_63 : memref<100xi32, #tpu.memory_space<vmem>>) semaphore(%run_scoped3A : memref<!tpu.dma_semaphore, #tpu.memory_space<semaphore_mem>>) {add = true}
        %dma_wait3A_67 = arith.constant 0 : i32
        %dma_wait3A_68 = tpu.memref_slice %arg9[%mul3A_33, %dma_wait3A_67] : memref<100x100xi32, #tpu.memory_space<vmem>> -> memref<1x100xi32, #tpu.memory_space<vmem>>
        %dma_wait3A_69 = tpu.memref_squeeze %dma_wait3A_68 : memref<1x100xi32, #tpu.memory_space<vmem>> -> memref<100xi32, #tpu.memory_space<vmem>>
        %dma_wait3A_70 = arith.constant 0 : i32
        %dma_wait3A_71 = arith.constant 0 : i32
        %dma_wait3A_72 = tpu.memref_slice %arg12[%dma_wait3A_70, %dma_wait3A_71] : memref<10000x128xf32, #tpu.memory_space<vmem_shared>> -> memref<10000x128xf32, #tpu.memory_space<vmem_shared>>
        tpu.wait_indirect_dma semaphore(%run_scoped3A : memref<!tpu.dma_semaphore, #tpu.memory_space<semaphore_mem>>) src(%arg10 : memref<100x128xf32, #tpu.memory_space<vmem>>) dst(%dma_wait3A_72 : memref<10000x128xf32, #tpu.memory_space<vmem_shared>>)
        tpu.yield
      }) : () -> ()
      %add3A_49 = arith.constant 2 : i32
      %add3A_50 = arith.addi %mul3A_33, %add3A_49 : i32
      %lt3A = arith.constant 100 : i32
      %lt3A_51 = arith.cmpi slt, %add3A_50, %lt3A : i32
      %convert_element_type3A_52 = arith.extui %lt3A_51 : i1 to i32
      %cond3A_53 = arith.constant 0 : i32
      %cond3A_54 = arith.cmpi ne, %convert_element_type3A_52, %cond3A_53 : i32
      scf.if %cond3A_54 {
        %add3A_61 = arith.constant 2 : i32
        %add3A_62 = arith.addi %mul3A_33, %add3A_61 : i32
        %mul3A_63 = arith.constant 104 : i32
        %mul3A_64 = arith.muli %add3A_62, %mul3A_63 : i32
        %dma_start3A_65 = tpu.memref_slice %arg8[%mul3A_64] : memref<10400xi32, #tpu.memory_space<vmem>> -> memref<100xi32, #tpu.memory_space<vmem>>
        %dma_start3A_66 = arith.constant 0 : i32
        %dma_start3A_67 = arith.constant 0 : i32
        %dma_start3A_68 = tpu.memref_slice %arg2[%dma_start3A_66, %dma_start3A_67] : memref<10000x128xf32, #tpu.memory_space<hbm>> -> memref<10000x128xf32, #tpu.memory_space<hbm>>
        tpu.enqueue_indirect_dma source(%dma_start3A_68 : memref<10000x128xf32, #tpu.memory_space<hbm>>) target(%arg10 : memref<100x128xf32, #tpu.memory_space<vmem>>) offsets(%dma_start3A_65 : memref<100xi32, #tpu.memory_space<vmem>>) semaphore(%arg13 : memref<!tpu.dma_semaphore, #tpu.memory_space<semaphore_mem>>)
      } else {
      }
      %mul3A_55 = arith.constant 104 : i32
      %mul3A_56 = arith.muli %add3A_37, %mul3A_55 : i32
      %dma_wait3A_57 = tpu.memref_slice %arg8[%mul3A_56] : memref<10400xi32, #tpu.memory_space<vmem>> -> memref<100xi32, #tpu.memory_space<vmem>>
      %dma_wait3A_58 = arith.constant 0 : i32
      %dma_wait3A_59 = arith.constant 0 : i32
      %dma_wait3A_60 = tpu.memref_slice %arg2[%dma_wait3A_58, %dma_wait3A_59] : memref<10000x128xf32, #tpu.memory_space<hbm>> -> memref<10000x128xf32, #tpu.memory_space<hbm>>
      tpu.wait_indirect_dma semaphore(%arg14 : memref<!tpu.dma_semaphore, #tpu.memory_space<semaphore_mem>>) src(%dma_wait3A_60 : memref<10000x128xf32, #tpu.memory_space<hbm>>) dst(%arg11 : memref<100x128xf32, #tpu.memory_space<vmem>>)
      "tpu.region"() ({
        %run_scoped3A = tpu.sem_alloc : memref<!tpu.dma_semaphore, #tpu.memory_space<semaphore_mem>>
        %dma_start3A_61 = arith.constant 0 : i32
        %dma_start3A_62 = tpu.memref_slice %arg9[%add3A_37, %dma_start3A_61] : memref<100x100xi32, #tpu.memory_space<vmem>> -> memref<1x100xi32, #tpu.memory_space<vmem>>
        %dma_start3A_63 = tpu.memref_squeeze %dma_start3A_62 : memref<1x100xi32, #tpu.memory_space<vmem>> -> memref<100xi32, #tpu.memory_space<vmem>>
        %dma_start3A_64 = arith.constant 0 : i32
        %dma_start3A_65 = arith.constant 0 : i32
        %dma_start3A_66 = tpu.memref_slice %arg12[%dma_start3A_64, %dma_start3A_65] : memref<10000x128xf32, #tpu.memory_space<vmem_shared>> -> memref<10000x128xf32, #tpu.memory_space<vmem_shared>>
        tpu.enqueue_indirect_dma source(%arg11 : memref<100x128xf32, #tpu.memory_space<vmem>>) target(%dma_start3A_66 : memref<10000x128xf32, #tpu.memory_space<vmem_shared>>) offsets(%dma_start3A_63 : memref<100xi32, #tpu.memory_space<vmem>>) semaphore(%run_scoped3A : memref<!tpu.dma_semaphore, #tpu.memory_space<semaphore_mem>>) {add = true}
        %dma_wait3A_67 = arith.constant 0 : i32
        %dma_wait3A_68 = tpu.memref_slice %arg9[%add3A_37, %dma_wait3A_67] : memref<100x100xi32, #tpu.memory_space<vmem>> -> memref<1x100xi32, #tpu.memory_space<vmem>>
        %dma_wait3A_69 = tpu.memref_squeeze %dma_wait3A_68 : memref<1x100xi32, #tpu.memory_space<vmem>> -> memref<100xi32, #tpu.memory_space<vmem>>
        %dma_wait3A_70 = arith.constant 0 : i32
        %dma_wait3A_71 = arith.constant 0 : i32
        %dma_wait3A_72 = tpu.memref_slice %arg12[%dma_wait3A_70, %dma_wait3A_71] : memref<10000x128xf32, #tpu.memory_space<vmem_shared>> -> memref<10000x128xf32, #tpu.memory_space<vmem_shared>>
        tpu.wait_indirect_dma semaphore(%run_scoped3A : memref<!tpu.dma_semaphore, #tpu.memory_space<semaphore_mem>>) src(%arg11 : memref<100x128xf32, #tpu.memory_space<vmem>>) dst(%dma_wait3A_72 : memref<10000x128xf32, #tpu.memory_space<vmem_shared>>)
        tpu.yield
      }) : () -> ()
    }
    %scan3A_19 = arith.constant 50 : i32
    %barrier3A_20 = arith.constant 0 : index
    tpu.barrier barrier_id(%barrier3A_20)
    %eq3A_21 = arith.constant 0 : i32
    %eq3A_22 = arith.cmpi eq, %arg0, %eq3A_21 : i32
    %convert_element_type3A_23 = arith.extui %eq3A_22 : i1 to i32
    %cond3A_24 = arith.constant 0 : i32
    %cond3A_25 = arith.cmpi ne, %convert_element_type3A_23, %cond3A_24 : i32
    scf.if %cond3A_25 {
      "tpu.region"() ({
        %run_scoped3A = tpu.sem_alloc : memref<!tpu.dma_semaphore, #tpu.memory_space<semaphore_mem>>
        %dma_start3A_31 = arith.constant 0 : i32
        %dma_start3A_32 = tpu.memref_slice %arg6[%min3A_1, %dma_start3A_31] : memref<10000x128xf32, #tpu.memory_space<hbm>> -> memref<632x128xf32, #tpu.memory_space<hbm>>
        %dma_start3A_33 = arith.constant 0 : i32
        %dma_start3A_34 = tpu.memref_slice %arg12[%min3A_1, %dma_start3A_33] : memref<10000x128xf32, #tpu.memory_space<vmem_shared>> -> memref<632x128xf32, #tpu.memory_space<vmem_shared>>
        tpu.enqueue_dma source(%dma_start3A_34 : memref<632x128xf32, #tpu.memory_space<vmem_shared>>) target(%dma_start3A_32 : memref<632x128xf32, #tpu.memory_space<hbm>>) target_semaphore(%run_scoped3A : memref<!tpu.dma_semaphore, #tpu.memory_space<semaphore_mem>>)
        %dma_wait3A = arith.constant 0 : i32
        %dma_wait3A_35 = tpu.memref_slice %arg6[%min3A_1, %dma_wait3A] : memref<10000x128xf32, #tpu.memory_space<hbm>> -> memref<632x128xf32, #tpu.memory_space<hbm>>
        %dma_wait3A_36 = arith.constant 0 : i32
        %dma_wait3A_37 = tpu.memref_slice %arg12[%min3A_1, %dma_wait3A_36] : memref<10000x128xf32, #tpu.memory_space<vmem_shared>> -> memref<632x128xf32, #tpu.memory_space<vmem_shared>>
        tpu.wait_dma2 semaphore(%run_scoped3A : memref<!tpu.dma_semaphore, #tpu.memory_space<semaphore_mem>>) src(%dma_wait3A_37 : memref<632x128xf32, #tpu.memory_space<vmem_shared>>) dst(%dma_wait3A_35 : memref<632x128xf32, #tpu.memory_space<hbm>>)
        tpu.yield
      }) : () -> ()
    } else {
    }
    %eq3A_26 = arith.constant 1 : i32
    %eq3A_27 = arith.cmpi eq, %arg0, %eq3A_26 : i32
    %convert_element_type3A_28 = arith.extui %eq3A_27 : i1 to i32
    %cond3A_29 = arith.constant 0 : i32
    %cond3A_30 = arith.cmpi ne, %convert_element_type3A_28, %cond3A_29 : i32
    scf.if %cond3A_30 {
      "tpu.region"() ({
        %run_scoped3A = tpu.sem_alloc : memref<!tpu.dma_semaphore, #tpu.memory_space<semaphore_mem>>
        %dma_start3A_31 = arith.constant 0 : i32
        %dma_start3A_32 = tpu.memref_slice %arg7[%min3A_1, %dma_start3A_31] : memref<10000x128xf32, #tpu.memory_space<hbm>> -> memref<632x128xf32, #tpu.memory_space<hbm>>
        %dma_start3A_33 = arith.constant 0 : i32
        %dma_start3A_34 = tpu.memref_slice %arg12[%min3A_1, %dma_start3A_33] : memref<10000x128xf32, #tpu.memory_space<vmem_shared>> -> memref<632x128xf32, #tpu.memory_space<vmem_shared>>
        tpu.enqueue_dma source(%dma_start3A_34 : memref<632x128xf32, #tpu.memory_space<vmem_shared>>) target(%dma_start3A_32 : memref<632x128xf32, #tpu.memory_space<hbm>>) target_semaphore(%run_scoped3A : memref<!tpu.dma_semaphore, #tpu.memory_space<semaphore_mem>>)
        %dma_wait3A = arith.constant 0 : i32
        %dma_wait3A_35 = tpu.memref_slice %arg7[%min3A_1, %dma_wait3A] : memref<10000x128xf32, #tpu.memory_space<hbm>> -> memref<632x128xf32, #tpu.memory_space<hbm>>
        %dma_wait3A_36 = arith.constant 0 : i32
        %dma_wait3A_37 = tpu.memref_slice %arg12[%min3A_1, %dma_wait3A_36] : memref<10000x128xf32, #tpu.memory_space<vmem_shared>> -> memref<632x128xf32, #tpu.memory_space<vmem_shared>>
        tpu.wait_dma2 semaphore(%run_scoped3A : memref<!tpu.dma_semaphore, #tpu.memory_space<semaphore_mem>>) src(%dma_wait3A_37 : memref<632x128xf32, #tpu.memory_space<vmem_shared>>) dst(%dma_wait3A_35 : memref<632x128xf32, #tpu.memory_space<hbm>>)
        tpu.yield
      }) : () -> ()
    } else {
    }
    return
  }
}

#map = affine_map<(d0, d1) -> (0, 0)>
#map1 = affine_map<(d0, d1) -> (0, 0, 0)>
module attributes {stable_mosaic.version = 14 : i64} {
  func.func @agg(%arg0: i32, %arg1: i32, %arg2: memref<10000x128xf32, #tpu.memory_space<hbm>>, %arg3: memref<10000x128xf32, #tpu.memory_space<hbm>>, %arg4: memref<32x10400xi32, #tpu.memory_space<hbm>>, %arg5: memref<32x100x100xi32, #tpu.memory_space<hbm>>, %arg6: memref<10000x128xf32, #tpu.memory_space<hbm>>, %arg7: memref<10000x128xf32, #tpu.memory_space<hbm>>, %arg8: memref<10400xi32, #tpu.memory_space<vmem>>, %arg9: memref<100x100xi32, #tpu.memory_space<vmem>>, %arg10: memref<100x128xf32, #tpu.memory_space<vmem>>, %arg11: memref<100x128xf32, #tpu.memory_space<vmem>>, %arg12: memref<10000x128xf32, #tpu.memory_space<vmem_shared>>, %arg13: memref<!tpu.dma_semaphore, #tpu.memory_space<semaphore_mem>>, %arg14: memref<!tpu.dma_semaphore, #tpu.memory_space<semaphore_mem>>) attributes {dimension_semantics = [#tpu.dimension_semantics<core_parallel>, #tpu.dimension_semantics<subcore_parallel>], iteration_bounds = array<i64: 2, 16>, scalar_prefetch = 0 : i64, scratch_operands = 7 : i64, tpu.core_type = #tpu.core_type<sc_vector_subcore>, window_params = [{transform_indices = #map}, {transform_indices = #map}, {transform_indices = #map}, {transform_indices = #map1}, {transform_indices = #map}, {transform_indices = #map}]} {
    %mul3A = arith.constant 632 : i32
    %mul3A_0 = arith.muli %arg1, %mul3A : i32
    %min3A = arith.constant 9368 : i32
    %min3A_1 = arith.minsi %mul3A_0, %min3A : i32
    %eq3A = arith.constant 0 : i32
    %eq3A_2 = arith.cmpi eq, %arg0, %eq3A : i32
    %convert_element_type3A = arith.extui %eq3A_2 : i1 to i32
    %cond3A = arith.constant 0 : i32
    %cond3A_3 = arith.cmpi ne, %convert_element_type3A, %cond3A : i32
    scf.if %cond3A_3 {
      "tpu.region"() ({
        %run_scoped3A = tpu.sem_alloc : memref<!tpu.dma_semaphore, #tpu.memory_space<semaphore_mem>>
        %dma_start3A_31 = arith.constant 0 : i32
        %dma_start3A_32 = tpu.memref_slice %arg12[%min3A_1, %dma_start3A_31] : memref<10000x128xf32, #tpu.memory_space<vmem_shared>> -> memref<632x128xf32, #tpu.memory_space<vmem_shared>>
        %dma_start3A_33 = arith.constant 0 : i32
        %dma_start3A_34 = tpu.memref_slice %arg2[%min3A_1, %dma_start3A_33] : memref<10000x128xf32, #tpu.memory_space<hbm>> -> memref<632x128xf32, #tpu.memory_space<hbm>>
        tpu.enqueue_dma source(%dma_start3A_34 : memref<632x128xf32, #tpu.memory_space<hbm>>) target(%dma_start3A_32 : memref<632x128xf32, #tpu.memory_space<vmem_shared>>) target_semaphore(%run_scoped3A : memref<!tpu.dma_semaphore, #tpu.memory_space<semaphore_mem>>)
        %dma_wait3A = arith.constant 0 : i32
        %dma_wait3A_35 = tpu.memref_slice %arg12[%min3A_1, %dma_wait3A] : memref<10000x128xf32, #tpu.memory_space<vmem_shared>> -> memref<632x128xf32, #tpu.memory_space<vmem_shared>>
        %dma_wait3A_36 = arith.constant 0 : i32
        %dma_wait3A_37 = tpu.memref_slice %arg2[%min3A_1, %dma_wait3A_36] : memref<10000x128xf32, #tpu.memory_space<hbm>> -> memref<632x128xf32, #tpu.memory_space<hbm>>
        tpu.wait_dma2 semaphore(%run_scoped3A : memref<!tpu.dma_semaphore, #tpu.memory_space<semaphore_mem>>) src(%dma_wait3A_37 : memref<632x128xf32, #tpu.memory_space<hbm>>) dst(%dma_wait3A_35 : memref<632x128xf32, #tpu.memory_space<vmem_shared>>)
        tpu.yield
      }) : () -> ()
    } else {
    }
    %eq3A_4 = arith.constant 1 : i32
    %eq3A_5 = arith.cmpi eq, %arg0, %eq3A_4 : i32
    %convert_element_type3A_6 = arith.extui %eq3A_5 : i1 to i32
    %cond3A_7 = arith.constant 0 : i32
    %cond3A_8 = arith.cmpi ne, %convert_element_type3A_6, %cond3A_7 : i32
    scf.if %cond3A_8 {
      "tpu.region"() ({
        %run_scoped3A = tpu.sem_alloc : memref<!tpu.dma_semaphore, #tpu.memory_space<semaphore_mem>>
        %dma_start3A_31 = arith.constant 0 : i32
        %dma_start3A_32 = tpu.memref_slice %arg12[%min3A_1, %dma_start3A_31] : memref<10000x128xf32, #tpu.memory_space<vmem_shared>> -> memref<632x128xf32, #tpu.memory_space<vmem_shared>>
        %dma_start3A_33 = arith.constant 0 : i32
        %dma_start3A_34 = tpu.memref_slice %arg3[%min3A_1, %dma_start3A_33] : memref<10000x128xf32, #tpu.memory_space<hbm>> -> memref<632x128xf32, #tpu.memory_space<hbm>>
        tpu.enqueue_dma source(%dma_start3A_34 : memref<632x128xf32, #tpu.memory_space<hbm>>) target(%dma_start3A_32 : memref<632x128xf32, #tpu.memory_space<vmem_shared>>) target_semaphore(%run_scoped3A : memref<!tpu.dma_semaphore, #tpu.memory_space<semaphore_mem>>)
        %dma_wait3A = arith.constant 0 : i32
        %dma_wait3A_35 = tpu.memref_slice %arg12[%min3A_1, %dma_wait3A] : memref<10000x128xf32, #tpu.memory_space<vmem_shared>> -> memref<632x128xf32, #tpu.memory_space<vmem_shared>>
        %dma_wait3A_36 = arith.constant 0 : i32
        %dma_wait3A_37 = tpu.memref_slice %arg3[%min3A_1, %dma_wait3A_36] : memref<10000x128xf32, #tpu.memory_space<hbm>> -> memref<632x128xf32, #tpu.memory_space<hbm>>
        tpu.wait_dma2 semaphore(%run_scoped3A : memref<!tpu.dma_semaphore, #tpu.memory_space<semaphore_mem>>) src(%dma_wait3A_37 : memref<632x128xf32, #tpu.memory_space<hbm>>) dst(%dma_wait3A_35 : memref<632x128xf32, #tpu.memory_space<vmem_shared>>)
        tpu.yield
      }) : () -> ()
    } else {
    }
    %barrier3A = arith.constant 0 : index
    tpu.barrier barrier_id(%barrier3A)
    %mul3A_9 = arith.constant 16 : i32
    %mul3A_10 = arith.muli %arg0, %mul3A_9 : i32
    %add3A = arith.addi %mul3A_10, %arg1 : i32
    "tpu.region"() ({
      %run_scoped3A = tpu.sem_alloc : memref<!tpu.dma_semaphore, #tpu.memory_space<semaphore_mem>>
      %dma_start3A_31 = arith.constant 0 : i32
      %dma_start3A_32 = tpu.memref_slice %arg4[%add3A, %dma_start3A_31] : memref<32x10400xi32, #tpu.memory_space<hbm>> -> memref<1x10400xi32, #tpu.memory_space<hbm>>
      %dma_start3A_33 = tpu.memref_squeeze %dma_start3A_32 : memref<1x10400xi32, #tpu.memory_space<hbm>> -> memref<10400xi32, #tpu.memory_space<hbm>>
      %dma_start3A_34 = arith.constant 0 : i32
      %dma_start3A_35 = tpu.memref_slice %arg4[%add3A, %dma_start3A_34] : memref<32x10400xi32, #tpu.memory_space<hbm>> -> memref<1x10400xi32, #tpu.memory_space<hbm>>
      %dma_start3A_36 = tpu.memref_squeeze %dma_start3A_35 : memref<1x10400xi32, #tpu.memory_space<hbm>> -> memref<10400xi32, #tpu.memory_space<hbm>>
      tpu.enqueue_dma source(%dma_start3A_36 : memref<10400xi32, #tpu.memory_space<hbm>>) target(%arg8 : memref<10400xi32, #tpu.memory_space<vmem>>) target_semaphore(%run_scoped3A : memref<!tpu.dma_semaphore, #tpu.memory_space<semaphore_mem>>)
      %dma_wait3A = arith.constant 0 : i32
      %dma_wait3A_37 = tpu.memref_slice %arg4[%add3A, %dma_wait3A] : memref<32x10400xi32, #tpu.memory_space<hbm>> -> memref<1x10400xi32, #tpu.memory_space<hbm>>
      %dma_wait3A_38 = tpu.memref_squeeze %dma_wait3A_37 : memref<1x10400xi32, #tpu.memory_space<hbm>> -> memref<10400xi32, #tpu.memory_space<hbm>>
      %dma_wait3A_39 = arith.constant 0 : i32
      %dma_wait3A_40 = tpu.memref_slice %arg4[%add3A, %dma_wait3A_39] : memref<32x10400xi32, #tpu.memory_space<hbm>> -> memref<1x10400xi32, #tpu.memory_space<hbm>>
      %dma_wait3A_41 = tpu.memref_squeeze %dma_wait3A_40 : memref<1x10400xi32, #tpu.memory_space<hbm>> -> memref<10400xi32, #tpu.memory_space<hbm>>
      tpu.wait_dma2 semaphore(%run_scoped3A : memref<!tpu.dma_semaphore, #tpu.memory_space<semaphore_mem>>) src(%dma_wait3A_41 : memref<10400xi32, #tpu.memory_space<hbm>>) dst(%arg8 : memref<10400xi32, #tpu.memory_space<vmem>>)
      tpu.yield
    }) : () -> ()
    "tpu.region"() ({
      %run_scoped3A = tpu.sem_alloc : memref<!tpu.dma_semaphore, #tpu.memory_space<semaphore_mem>>
      %dma_start3A_31 = arith.constant 0 : i32
      %dma_start3A_32 = arith.constant 0 : i32
      %dma_start3A_33 = tpu.memref_slice %arg5[%add3A, %dma_start3A_31, %dma_start3A_32] : memref<32x100x100xi32, #tpu.memory_space<hbm>> -> memref<1x100x100xi32, #tpu.memory_space<hbm>>
      %dma_start3A_34 = tpu.memref_squeeze %dma_start3A_33 : memref<1x100x100xi32, #tpu.memory_space<hbm>> -> memref<100x100xi32, #tpu.memory_space<hbm>>
      %dma_start3A_35 = arith.constant 0 : i32
      %dma_start3A_36 = arith.constant 0 : i32
      %dma_start3A_37 = tpu.memref_slice %arg5[%add3A, %dma_start3A_35, %dma_start3A_36] : memref<32x100x100xi32, #tpu.memory_space<hbm>> -> memref<1x100x100xi32, #tpu.memory_space<hbm>>
      %dma_start3A_38 = tpu.memref_squeeze %dma_start3A_37 : memref<1x100x100xi32, #tpu.memory_space<hbm>> -> memref<100x100xi32, #tpu.memory_space<hbm>>
      tpu.enqueue_dma source(%dma_start3A_38 : memref<100x100xi32, #tpu.memory_space<hbm>>) target(%arg9 : memref<100x100xi32, #tpu.memory_space<vmem>>) target_semaphore(%run_scoped3A : memref<!tpu.dma_semaphore, #tpu.memory_space<semaphore_mem>>)
      %dma_wait3A = arith.constant 0 : i32
      %dma_wait3A_39 = arith.constant 0 : i32
      %dma_wait3A_40 = tpu.memref_slice %arg5[%add3A, %dma_wait3A, %dma_wait3A_39] : memref<32x100x100xi32, #tpu.memory_space<hbm>> -> memref<1x100x100xi32, #tpu.memory_space<hbm>>
      %dma_wait3A_41 = tpu.memref_squeeze %dma_wait3A_40 : memref<1x100x100xi32, #tpu.memory_space<hbm>> -> memref<100x100xi32, #tpu.memory_space<hbm>>
      %dma_wait3A_42 = arith.constant 0 : i32
      %dma_wait3A_43 = arith.constant 0 : i32
      %dma_wait3A_44 = tpu.memref_slice %arg5[%add3A, %dma_wait3A_42, %dma_wait3A_43] : memref<32x100x100xi32, #tpu.memory_space<hbm>> -> memref<1x100x100xi32, #tpu.memory_space<hbm>>
      %dma_wait3A_45 = tpu.memref_squeeze %dma_wait3A_44 : memref<1x100x100xi32, #tpu.memory_space<hbm>> -> memref<100x100xi32, #tpu.memory_space<hbm>>
      tpu.wait_dma2 semaphore(%run_scoped3A : memref<!tpu.dma_semaphore, #tpu.memory_space<semaphore_mem>>) src(%dma_wait3A_45 : memref<100x100xi32, #tpu.memory_space<hbm>>) dst(%arg9 : memref<100x100xi32, #tpu.memory_space<vmem>>)
      tpu.yield
    }) : () -> ()
    %dma_start3A = arith.constant 0 : i32
    %dma_start3A_11 = tpu.memref_slice %arg8[%dma_start3A] : memref<10400xi32, #tpu.memory_space<vmem>> -> memref<100xi32, #tpu.memory_space<vmem>>
    %dma_start3A_12 = arith.constant 0 : i32
    %dma_start3A_13 = arith.constant 0 : i32
    %dma_start3A_14 = tpu.memref_slice %arg2[%dma_start3A_12, %dma_start3A_13] : memref<10000x128xf32, #tpu.memory_space<hbm>> -> memref<10000x128xf32, #tpu.memory_space<hbm>>
    tpu.enqueue_indirect_dma source(%dma_start3A_14 : memref<10000x128xf32, #tpu.memory_space<hbm>>) target(%arg10 : memref<100x128xf32, #tpu.memory_space<vmem>>) offsets(%dma_start3A_11 : memref<100xi32, #tpu.memory_space<vmem>>) semaphore(%arg13 : memref<!tpu.dma_semaphore, #tpu.memory_space<semaphore_mem>>)
    %scan3A = arith.constant 0 : i32
    %scan3A_15 = arith.constant 0 : i32
    %scan3A_16 = arith.constant 50 : i32
    %scan3A_17 = arith.addi %scan3A_15, %scan3A_16 : i32
    %scan3A_18 = arith.constant 1 : i32
    scf.for %scan3A_31 = %scan3A_15 to %scan3A_17 step %scan3A_18  : i32 {
      %mul3A_32 = arith.constant 2 : i32
      %mul3A_33 = arith.muli %mul3A_32, %scan3A_31 : i32
      %mul3A_34 = arith.constant 2 : i32
      %mul3A_35 = arith.muli %mul3A_34, %scan3A_31 : i32
      %add3A_36 = arith.constant 1 : i32
      %add3A_37 = arith.addi %mul3A_35, %add3A_36 : i32
      %mul3A_38 = arith.constant 104 : i32
      %mul3A_39 = arith.muli %mul3A_33, %mul3A_38 : i32
      %dma_wait3A = tpu.memref_slice %arg8[%mul3A_39] : memref<10400xi32, #tpu.memory_space<vmem>> -> memref<100xi32, #tpu.memory_space<vmem>>
      %dma_wait3A_40 = arith.constant 0 : i32
      %dma_wait3A_41 = arith.constant 0 : i32
      %dma_wait3A_42 = tpu.memref_slice %arg2[%dma_wait3A_40, %dma_wait3A_41] : memref<10000x128xf32, #tpu.memory_space<hbm>> -> memref<10000x128xf32, #tpu.memory_space<hbm>>
      tpu.wait_indirect_dma semaphore(%arg13 : memref<!tpu.dma_semaphore, #tpu.memory_space<semaphore_mem>>) src(%dma_wait3A_42 : memref<10000x128xf32, #tpu.memory_space<hbm>>) dst(%arg10 : memref<100x128xf32, #tpu.memory_space<vmem>>)
      %mul3A_43 = arith.constant 104 : i32
      %mul3A_44 = arith.muli %add3A_37, %mul3A_43 : i32
      %dma_start3A_45 = tpu.memref_slice %arg8[%mul3A_44] : memref<10400xi32, #tpu.memory_space<vmem>> -> memref<100xi32, #tpu.memory_space<vmem>>
      %dma_start3A_46 = arith.constant 0 : i32
      %dma_start3A_47 = arith.constant 0 : i32
      %dma_start3A_48 = tpu.memref_slice %arg2[%dma_start3A_46, %dma_start3A_47] : memref<10000x128xf32, #tpu.memory_space<hbm>> -> memref<10000x128xf32, #tpu.memory_space<hbm>>
      tpu.enqueue_indirect_dma source(%dma_start3A_48 : memref<10000x128xf32, #tpu.memory_space<hbm>>) target(%arg11 : memref<100x128xf32, #tpu.memory_space<vmem>>) offsets(%dma_start3A_45 : memref<100xi32, #tpu.memory_space<vmem>>) semaphore(%arg14 : memref<!tpu.dma_semaphore, #tpu.memory_space<semaphore_mem>>)
      "tpu.region"() ({
        %run_scoped3A = tpu.sem_alloc : memref<!tpu.dma_semaphore, #tpu.memory_space<semaphore_mem>>
        %dma_start3A_61 = arith.constant 0 : i32
        %dma_start3A_62 = tpu.memref_slice %arg9[%mul3A_33, %dma_start3A_61] : memref<100x100xi32, #tpu.memory_space<vmem>> -> memref<1x100xi32, #tpu.memory_space<vmem>>
        %dma_start3A_63 = tpu.memref_squeeze %dma_start3A_62 : memref<1x100xi32, #tpu.memory_space<vmem>> -> memref<100xi32, #tpu.memory_space<vmem>>
        %dma_start3A_64 = arith.constant 0 : i32
        %dma_start3A_65 = arith.constant 0 : i32
        %dma_start3A_66 = tpu.memref_slice %arg12[%dma_start3A_64, %dma_start3A_65] : memref<10000x128xf32, #tpu.memory_space<vmem_shared>> -> memref<10000x128xf32, #tpu.memory_space<vmem_shared>>
        tpu.enqueue_indirect_dma source(%arg10 : memref<100x128xf32, #tpu.memory_space<vmem>>) target(%dma_start3A_66 : memref<10000x128xf32, #tpu.memory_space<vmem_shared>>) offsets(%dma_start3A_63 : memref<100xi32, #tpu.memory_space<vmem>>) semaphore(%run_scoped3A : memref<!tpu.dma_semaphore, #tpu.memory_space<semaphore_mem>>) {add = true}
        %dma_wait3A_67 = arith.constant 0 : i32
        %dma_wait3A_68 = tpu.memref_slice %arg9[%mul3A_33, %dma_wait3A_67] : memref<100x100xi32, #tpu.memory_space<vmem>> -> memref<1x100xi32, #tpu.memory_space<vmem>>
        %dma_wait3A_69 = tpu.memref_squeeze %dma_wait3A_68 : memref<1x100xi32, #tpu.memory_space<vmem>> -> memref<100xi32, #tpu.memory_space<vmem>>
        %dma_wait3A_70 = arith.constant 0 : i32
        %dma_wait3A_71 = arith.constant 0 : i32
        %dma_wait3A_72 = tpu.memref_slice %arg12[%dma_wait3A_70, %dma_wait3A_71] : memref<10000x128xf32, #tpu.memory_space<vmem_shared>> -> memref<10000x128xf32, #tpu.memory_space<vmem_shared>>
        tpu.wait_indirect_dma semaphore(%run_scoped3A : memref<!tpu.dma_semaphore, #tpu.memory_space<semaphore_mem>>) src(%arg10 : memref<100x128xf32, #tpu.memory_space<vmem>>) dst(%dma_wait3A_72 : memref<10000x128xf32, #tpu.memory_space<vmem_shared>>)
        tpu.yield
      }) : () -> ()
      %add3A_49 = arith.constant 2 : i32
      %add3A_50 = arith.addi %mul3A_33, %add3A_49 : i32
      %lt3A = arith.constant 100 : i32
      %lt3A_51 = arith.cmpi slt, %add3A_50, %lt3A : i32
      %convert_element_type3A_52 = arith.extui %lt3A_51 : i1 to i32
      %cond3A_53 = arith.constant 0 : i32
      %cond3A_54 = arith.cmpi ne, %convert_element_type3A_52, %cond3A_53 : i32
      scf.if %cond3A_54 {
        %add3A_61 = arith.constant 2 : i32
        %add3A_62 = arith.addi %mul3A_33, %add3A_61 : i32
        %mul3A_63 = arith.constant 104 : i32
        %mul3A_64 = arith.muli %add3A_62, %mul3A_63 : i32
        %dma_start3A_65 = tpu.memref_slice %arg8[%mul3A_64] : memref<10400xi32, #tpu.memory_space<vmem>> -> memref<100xi32, #tpu.memory_space<vmem>>
        %dma_start3A_66 = arith.constant 0 : i32
        %dma_start3A_67 = arith.constant 0 : i32
        %dma_start3A_68 = tpu.memref_slice %arg2[%dma_start3A_66, %dma_start3A_67] : memref<10000x128xf32, #tpu.memory_space<hbm>> -> memref<10000x128xf32, #tpu.memory_space<hbm>>
        tpu.enqueue_indirect_dma source(%dma_start3A_68 : memref<10000x128xf32, #tpu.memory_space<hbm>>) target(%arg10 : memref<100x128xf32, #tpu.memory_space<vmem>>) offsets(%dma_start3A_65 : memref<100xi32, #tpu.memory_space<vmem>>) semaphore(%arg13 : memref<!tpu.dma_semaphore, #tpu.memory_space<semaphore_mem>>)
      } else {
      }
      %mul3A_55 = arith.constant 104 : i32
      %mul3A_56 = arith.muli %add3A_37, %mul3A_55 : i32
      %dma_wait3A_57 = tpu.memref_slice %arg8[%mul3A_56] : memref<10400xi32, #tpu.memory_space<vmem>> -> memref<100xi32, #tpu.memory_space<vmem>>
      %dma_wait3A_58 = arith.constant 0 : i32
      %dma_wait3A_59 = arith.constant 0 : i32
      %dma_wait3A_60 = tpu.memref_slice %arg2[%dma_wait3A_58, %dma_wait3A_59] : memref<10000x128xf32, #tpu.memory_space<hbm>> -> memref<10000x128xf32, #tpu.memory_space<hbm>>
      tpu.wait_indirect_dma semaphore(%arg14 : memref<!tpu.dma_semaphore, #tpu.memory_space<semaphore_mem>>) src(%dma_wait3A_60 : memref<10000x128xf32, #tpu.memory_space<hbm>>) dst(%arg11 : memref<100x128xf32, #tpu.memory_space<vmem>>)
      "tpu.region"() ({
        %run_scoped3A = tpu.sem_alloc : memref<!tpu.dma_semaphore, #tpu.memory_space<semaphore_mem>>
        %dma_start3A_61 = arith.constant 0 : i32
        %dma_start3A_62 = tpu.memref_slice %arg9[%add3A_37, %dma_start3A_61] : memref<100x100xi32, #tpu.memory_space<vmem>> -> memref<1x100xi32, #tpu.memory_space<vmem>>
        %dma_start3A_63 = tpu.memref_squeeze %dma_start3A_62 : memref<1x100xi32, #tpu.memory_space<vmem>> -> memref<100xi32, #tpu.memory_space<vmem>>
        %dma_start3A_64 = arith.constant 0 : i32
        %dma_start3A_65 = arith.constant 0 : i32
        %dma_start3A_66 = tpu.memref_slice %arg12[%dma_start3A_64, %dma_start3A_65] : memref<10000x128xf32, #tpu.memory_space<vmem_shared>> -> memref<10000x128xf32, #tpu.memory_space<vmem_shared>>
        tpu.enqueue_indirect_dma source(%arg11 : memref<100x128xf32, #tpu.memory_space<vmem>>) target(%dma_start3A_66 : memref<10000x128xf32, #tpu.memory_space<vmem_shared>>) offsets(%dma_start3A_63 : memref<100xi32, #tpu.memory_space<vmem>>) semaphore(%run_scoped3A : memref<!tpu.dma_semaphore, #tpu.memory_space<semaphore_mem>>) {add = true}
        %dma_wait3A_67 = arith.constant 0 : i32
        %dma_wait3A_68 = tpu.memref_slice %arg9[%add3A_37, %dma_wait3A_67] : memref<100x100xi32, #tpu.memory_space<vmem>> -> memref<1x100xi32, #tpu.memory_space<vmem>>
        %dma_wait3A_69 = tpu.memref_squeeze %dma_wait3A_68 : memref<1x100xi32, #tpu.memory_space<vmem>> -> memref<100xi32, #tpu.memory_space<vmem>>
        %dma_wait3A_70 = arith.constant 0 : i32
        %dma_wait3A_71 = arith.constant 0 : i32
        %dma_wait3A_72 = tpu.memref_slice %arg12[%dma_wait3A_70, %dma_wait3A_71] : memref<10000x128xf32, #tpu.memory_space<vmem_shared>> -> memref<10000x128xf32, #tpu.memory_space<vmem_shared>>
        tpu.wait_indirect_dma semaphore(%run_scoped3A : memref<!tpu.dma_semaphore, #tpu.memory_space<semaphore_mem>>) src(%arg11 : memref<100x128xf32, #tpu.memory_space<vmem>>) dst(%dma_wait3A_72 : memref<10000x128xf32, #tpu.memory_space<vmem_shared>>)
        tpu.yield
      }) : () -> ()
    }
    %scan3A_19 = arith.constant 50 : i32
    %barrier3A_20 = arith.constant 0 : index
    tpu.barrier barrier_id(%barrier3A_20)
    %eq3A_21 = arith.constant 0 : i32
    %eq3A_22 = arith.cmpi eq, %arg0, %eq3A_21 : i32
    %convert_element_type3A_23 = arith.extui %eq3A_22 : i1 to i32
    %cond3A_24 = arith.constant 0 : i32
    %cond3A_25 = arith.cmpi ne, %convert_element_type3A_23, %cond3A_24 : i32
    scf.if %cond3A_25 {
      "tpu.region"() ({
        %run_scoped3A = tpu.sem_alloc : memref<!tpu.dma_semaphore, #tpu.memory_space<semaphore_mem>>
        %dma_start3A_31 = arith.constant 0 : i32
        %dma_start3A_32 = tpu.memref_slice %arg6[%min3A_1, %dma_start3A_31] : memref<10000x128xf32, #tpu.memory_space<hbm>> -> memref<632x128xf32, #tpu.memory_space<hbm>>
        %dma_start3A_33 = arith.constant 0 : i32
        %dma_start3A_34 = tpu.memref_slice %arg12[%min3A_1, %dma_start3A_33] : memref<10000x128xf32, #tpu.memory_space<vmem_shared>> -> memref<632x128xf32, #tpu.memory_space<vmem_shared>>
        tpu.enqueue_dma source(%dma_start3A_34 : memref<632x128xf32, #tpu.memory_space<vmem_shared>>) target(%dma_start3A_32 : memref<632x128xf32, #tpu.memory_space<hbm>>) target_semaphore(%run_scoped3A : memref<!tpu.dma_semaphore, #tpu.memory_space<semaphore_mem>>)
        %dma_wait3A = arith.constant 0 : i32
        %dma_wait3A_35 = tpu.memref_slice %arg6[%min3A_1, %dma_wait3A] : memref<10000x128xf32, #tpu.memory_space<hbm>> -> memref<632x128xf32, #tpu.memory_space<hbm>>
        %dma_wait3A_36 = arith.constant 0 : i32
        %dma_wait3A_37 = tpu.memref_slice %arg12[%min3A_1, %dma_wait3A_36] : memref<10000x128xf32, #tpu.memory_space<vmem_shared>> -> memref<632x128xf32, #tpu.memory_space<vmem_shared>>
        tpu.wait_dma2 semaphore(%run_scoped3A : memref<!tpu.dma_semaphore, #tpu.memory_space<semaphore_mem>>) src(%dma_wait3A_37 : memref<632x128xf32, #tpu.memory_space<vmem_shared>>) dst(%dma_wait3A_35 : memref<632x128xf32, #tpu.memory_space<hbm>>)
        tpu.yield
      }) : () -> ()
    } else {
    }
    %eq3A_26 = arith.constant 1 : i32
    %eq3A_27 = arith.cmpi eq, %arg0, %eq3A_26 : i32
    %convert_element_type3A_28 = arith.extui %eq3A_27 : i1 to i32
    %cond3A_29 = arith.constant 0 : i32
    %cond3A_30 = arith.cmpi ne, %convert_element_type3A_28, %cond3A_29 : i32
    scf.if %cond3A_30 {
      "tpu.region"() ({
        %run_scoped3A = tpu.sem_alloc : memref<!tpu.dma_semaphore, #tpu.memory_space<semaphore_mem>>
        %dma_start3A_31 = arith.constant 0 : i32
        %dma_start3A_32 = tpu.memref_slice %arg7[%min3A_1, %dma_start3A_31] : memref<10000x128xf32, #tpu.memory_space<hbm>> -> memref<632x128xf32, #tpu.memory_space<hbm>>
        %dma_start3A_33 = arith.constant 0 : i32
        %dma_start3A_34 = tpu.memref_slice %arg12[%min3A_1, %dma_start3A_33] : memref<10000x128xf32, #tpu.memory_space<vmem_shared>> -> memref<632x128xf32, #tpu.memory_space<vmem_shared>>
        tpu.enqueue_dma source(%dma_start3A_34 : memref<632x128xf32, #tpu.memory_space<vmem_shared>>) target(%dma_start3A_32 : memref<632x128xf32, #tpu.memory_space<hbm>>) target_semaphore(%run_scoped3A : memref<!tpu.dma_semaphore, #tpu.memory_space<semaphore_mem>>)
        %dma_wait3A = arith.constant 0 : i32
        %dma_wait3A_35 = tpu.memref_slice %arg7[%min3A_1, %dma_wait3A] : memref<10000x128xf32, #tpu.memory_space<hbm>> -> memref<632x128xf32, #tpu.memory_space<hbm>>
        %dma_wait3A_36 = arith.constant 0 : i32
        %dma_wait3A_37 = tpu.memref_slice %arg12[%min3A_1, %dma_wait3A_36] : memref<10000x128xf32, #tpu.memory_space<vmem_shared>> -> memref<632x128xf32, #tpu.memory_space<vmem_shared>>
        tpu.wait_dma2 semaphore(%run_scoped3A : memref<!tpu.dma_semaphore, #tpu.memory_space<semaphore_mem>>) src(%dma_wait3A_37 : memref<632x128xf32, #tpu.memory_space<vmem_shared>>) dst(%dma_wait3A_35 : memref<632x128xf32, #tpu.memory_space<hbm>>)
        tpu.yield
      }) : () -> ()
    } else {
    }
    return
  }
}

module attributes {stable_mosaic.version = 14 : i64} {
  func.func @_prep_body(%arg0: i32, %arg1: memref<2000x128xf32, #tpu.memory_space<vmem>>, %arg2: memref<2000x128xf32, #tpu.memory_space<vmem>>, %arg3: memref<2000x128xf32, #tpu.memory_space<vmem>>, %arg4: memref<2000x1xf32, #tpu.memory_space<vmem>>, %arg5: memref<2000x128xf32, #tpu.memory_space<vmem>>) attributes {dimension_semantics = [#tpu.dimension_semantics<arbitrary>], iteration_bounds = array<i64: 5>, scalar_prefetch = 0 : i64, scratch_operands = 0 : i64, tpu.core_type = #tpu.core_type<tc>, window_params = [{transform_indices = @transform_0, window_bounds = array<i64: 2000, 128>}, {transform_indices = @transform_1, window_bounds = array<i64: 2000, 128>}, {transform_indices = @transform_2, window_bounds = array<i64: 2000, 128>}, {transform_indices = @transform_3, window_bounds = array<i64: 2000, 1>}, {transform_indices = @transform_4, window_bounds = array<i64: 2000, 128>}]} {
    %get3A = arith.constant 0 : index
    %get3A_0 = arith.constant 0 : index
    %get3A_1 = vector.load %arg1[%get3A, %get3A_0] : memref<2000x128xf32, #tpu.memory_space<vmem>>, vector<2000x1xf32>
    %get3A_2 = arith.constant 0 : index
    %get3A_3 = arith.constant 0 : index
    %get3A_4 = vector.load %arg2[%get3A_2, %get3A_3] : memref<2000x128xf32, #tpu.memory_space<vmem>>, vector<2000x1xf32>
    %add3A = arith.addf %get3A_1, %get3A_4 : vector<2000x1xf32>
    %rsqrt3A = math.rsqrt %add3A : vector<2000x1xf32>
    %swap3A = arith.constant 0 : index
    %swap3A_5 = arith.constant 0 : index
    %swap3A_6 = vector.load %arg4[%swap3A, %swap3A_5] : memref<2000x1xf32, #tpu.memory_space<vmem>>, vector<2000x1xf32>
    tpu.vector_store %arg4[%swap3A, %swap3A_5], %rsqrt3A {strides = array<i32>} : memref<2000x1xf32, #tpu.memory_space<vmem>>, vector<2000x1xf32>,
    %get3A_7 = arith.constant 0 : index
    %get3A_8 = arith.constant 0 : index
    %get3A_9 = vector.load %arg3[%get3A_7, %get3A_8] : memref<2000x128xf32, #tpu.memory_space<vmem>>, vector<2000x128xf32>
    %mul3A = vector.broadcast %rsqrt3A : vector<2000x1xf32> to vector<2000x128xf32>
    %mul3A_10 = arith.mulf %get3A_9, %mul3A : vector<2000x128xf32>
    %swap3A_11 = arith.constant 0 : index
    %swap3A_12 = arith.constant 0 : index
    %swap3A_13 = vector.load %arg5[%swap3A_11, %swap3A_12] : memref<2000x128xf32, #tpu.memory_space<vmem>>, vector<2000x128xf32>
    tpu.vector_store %arg5[%swap3A_11, %swap3A_12], %mul3A_10 {strides = array<i32>} : memref<2000x128xf32, #tpu.memory_space<vmem>>, vector<2000x128xf32>,
    return
  }
  func.func @transform_0(%arg0: i32) -> (i32, i32) {
    %c0_i32 = arith.constant 0 : i32
    %c0_i32_0 = arith.constant 0 : i32
    return %arg0, %c0_i32 : i32, i32
  }
  func.func @transform_1(%arg0: i32) -> (i32, i32) {
    %c0_i32 = arith.constant 0 : i32
    %c0_i32_0 = arith.constant 0 : i32
    return %arg0, %c0_i32 : i32, i32
  }
  func.func @transform_2(%arg0: i32) -> (i32, i32) {
    %c0_i32 = arith.constant 0 : i32
    %c0_i32_0 = arith.constant 0 : i32
    return %arg0, %c0_i32 : i32, i32
  }
  func.func @transform_3(%arg0: i32) -> (i32, i32) {
    %c0_i32 = arith.constant 0 : i32
    %c0_i32_0 = arith.constant 0 : i32
    return %arg0, %c0_i32 : i32, i32
  }
  func.func @transform_4(%arg0: i32) -> (i32, i32) {
    %c0_i32 = arith.constant 0 : i32
    %c0_i32_0 = arith.constant 0 : i32
    return %arg0, %c0_i32 : i32, i32
  }
}

module attributes {stable_mosaic.version = 14 : i64} {
  func.func @_mid1_body(%arg0: i32, %arg1: memref<2000x128xf32, #tpu.memory_space<vmem>>, %arg2: memref<2000x128xf32, #tpu.memory_space<vmem>>, %arg3: memref<2000x1xf32, #tpu.memory_space<vmem>>, %arg4: memref<128x256xf32, #tpu.memory_space<vmem>>, %arg5: memref<1x256xf32, #tpu.memory_space<vmem>>, %arg6: memref<256x128xf32, #tpu.memory_space<vmem>>, %arg7: memref<2000x128xf32, #tpu.memory_space<vmem>>) attributes {dimension_semantics = [#tpu.dimension_semantics<arbitrary>], iteration_bounds = array<i64: 5>, scalar_prefetch = 0 : i64, scratch_operands = 0 : i64, tpu.core_type = #tpu.core_type<tc>, window_params = [{transform_indices = @transform_0, window_bounds = array<i64: 2000, 128>}, {transform_indices = @transform_1, window_bounds = array<i64: 2000, 128>}, {transform_indices = @transform_2, window_bounds = array<i64: 2000, 1>}, {pipeline_mode = #tpu.pipeline_mode<synchronous>, transform_indices = @transform_3, window_bounds = array<i64: 128, 256>}, {pipeline_mode = #tpu.pipeline_mode<synchronous>, transform_indices = @transform_4, window_bounds = array<i64: 1, 256>}, {pipeline_mode = #tpu.pipeline_mode<synchronous>, transform_indices = @transform_5, window_bounds = array<i64: 256, 128>}, {transform_indices = @transform_6, window_bounds = array<i64: 2000, 128>}]} {
    %get3A = arith.constant 0 : index
    %get3A_0 = arith.constant 0 : index
    %get3A_1 = vector.load %arg3[%get3A, %get3A_0] : memref<2000x1xf32, #tpu.memory_space<vmem>>, vector<2000x1xf32>
    %get3A_2 = arith.constant 0 : index
    %get3A_3 = arith.constant 0 : index
    %get3A_4 = vector.load %arg1[%get3A_2, %get3A_3] : memref<2000x128xf32, #tpu.memory_space<vmem>>, vector<2000x128xf32>
    %get3A_5 = arith.constant 0 : index
    %get3A_6 = arith.constant 0 : index
    %get3A_7 = vector.load %arg2[%get3A_5, %get3A_6] : memref<2000x128xf32, #tpu.memory_space<vmem>>, vector<2000x128xf32>
    %add3A = arith.addf %get3A_4, %get3A_7 : vector<2000x128xf32>
    %mul3A = vector.broadcast %get3A_1 : vector<2000x1xf32> to vector<2000x128xf32>
    %mul3A_8 = arith.mulf %add3A, %mul3A : vector<2000x128xf32>
    %get3A_9 = arith.constant 0 : index
    %get3A_10 = arith.constant 0 : index
    %get3A_11 = vector.load %arg4[%get3A_9, %get3A_10] : memref<128x256xf32, #tpu.memory_space<vmem>>, vector<128x256xf32>
    %dot_general3A = arith.constant dense<0.000000e+00> : vector<2000x256xf32>
    %dot_general3A_12 = tpu.matmul %mul3A_8, %get3A_11, %dot_general3A {dimension_numbers = #tpu.dot_dimension_numbers<[1], [0], [0], [1], [0, 0, 1, 1], [], []>, transpose_lhs_hint = false} : vector<2000x128xf32>, vector<128x256xf32>, vector<2000x256xf32> -> vector<2000x256xf32>
    %get3A_13 = arith.constant 0 : index
    %get3A_14 = arith.constant 0 : index
    %get3A_15 = vector.load %arg5[%get3A_13, %get3A_14] : memref<1x256xf32, #tpu.memory_space<vmem>>, vector<1x256xf32>
    %add3A_16 = vector.broadcast %get3A_15 : vector<1x256xf32> to vector<2000x256xf32>
    %add3A_17 = arith.addf %dot_general3A_12, %add3A_16 : vector<2000x256xf32>
    %gt3A = arith.constant 0.000000e+00 : f32
    %gt3A_18 = vector.broadcast %gt3A : f32 to vector<2000x256xf32>
    %gt3A_19 = arith.cmpf ogt, %add3A_17, %gt3A_18 : vector<2000x256xf32>
    %mul3A_20 = arith.constant 1.000000e-01 : f32
    %mul3A_21 = vector.broadcast %mul3A_20 : f32 to vector<2000x256xf32>
    %mul3A_22 = arith.mulf %mul3A_21, %add3A_17 : vector<2000x256xf32>
    %select_n3A = arith.select %gt3A_19, %add3A_17, %mul3A_22 : vector<2000x256xi1>, vector<2000x256xf32>
    %get3A_23 = arith.constant 0 : index
    %get3A_24 = arith.constant 0 : index
    %get3A_25 = vector.load %arg6[%get3A_23, %get3A_24] : memref<256x128xf32, #tpu.memory_space<vmem>>, vector<256x128xf32>
    %dot_general3A_26 = arith.constant dense<0.000000e+00> : vector<2000x128xf32>
    %dot_general3A_27 = tpu.matmul %select_n3A, %get3A_25, %dot_general3A_26 {dimension_numbers = #tpu.dot_dimension_numbers<[1], [0], [0], [1], [0, 0, 1, 1], [], []>, transpose_lhs_hint = false} : vector<2000x256xf32>, vector<256x128xf32>, vector<2000x128xf32> -> vector<2000x128xf32>
    %mul3A_28 = vector.broadcast %get3A_1 : vector<2000x1xf32> to vector<2000x128xf32>
    %mul3A_29 = arith.mulf %dot_general3A_27, %mul3A_28 : vector<2000x128xf32>
    %swap3A = arith.constant 0 : index
    %swap3A_30 = arith.constant 0 : index
    %swap3A_31 = vector.load %arg7[%swap3A, %swap3A_30] : memref<2000x128xf32, #tpu.memory_space<vmem>>, vector<2000x128xf32>
    tpu.vector_store %arg7[%swap3A, %swap3A_30], %mul3A_29 {strides = array<i32>} : memref<2000x128xf32, #tpu.memory_space<vmem>>, vector<2000x128xf32>,
    return
  }
  func.func @transform_0(%arg0: i32) -> (i32, i32) {
    %c0_i32 = arith.constant 0 : i32
    %c0_i32_0 = arith.constant 0 : i32
    return %arg0, %c0_i32 : i32, i32
  }
  func.func @transform_1(%arg0: i32) -> (i32, i32) {
    %c0_i32 = arith.constant 0 : i32
    %c0_i32_0 = arith.constant 0 : i32
    return %arg0, %c0_i32 : i32, i32
  }
  func.func @transform_2(%arg0: i32) -> (i32, i32) {
    %c0_i32 = arith.constant 0 : i32
    %c0_i32_0 = arith.constant 0 : i32
    return %arg0, %c0_i32 : i32, i32
  }
  func.func @transform_3(%arg0: i32) -> (i32, i32) {
    %c0_i32 = arith.constant 0 : i32
    %c0_i32_0 = arith.constant 0 : i32
    %c0_i32_1 = arith.constant 0 : i32
    return %c0_i32, %c0_i32_0 : i32, i32
  }
  func.func @transform_4(%arg0: i32) -> (i32, i32) {
    %c0_i32 = arith.constant 0 : i32
    %c0_i32_0 = arith.constant 0 : i32
    %c0_i32_1 = arith.constant 0 : i32
    return %c0_i32, %c0_i32_0 : i32, i32
  }
  func.func @transform_5(%arg0: i32) -> (i32, i32) {
    %c0_i32 = arith.constant 0 : i32
    %c0_i32_0 = arith.constant 0 : i32
    %c0_i32_1 = arith.constant 0 : i32
    return %c0_i32, %c0_i32_0 : i32, i32
  }
  func.func @transform_6(%arg0: i32) -> (i32, i32) {
    %c0_i32 = arith.constant 0 : i32
    %c0_i32_0 = arith.constant 0 : i32
    return %arg0, %c0_i32 : i32, i32
  }
}

module attributes {stable_mosaic.version = 14 : i64} {
  func.func @_mid_body(%arg0: i32, %arg1: memref<2000x128xf32, #tpu.memory_space<vmem>>, %arg2: memref<2000x128xf32, #tpu.memory_space<vmem>>, %arg3: memref<2000x1xf32, #tpu.memory_space<vmem>>, %arg4: memref<1x128xf32, #tpu.memory_space<vmem>>, %arg5: memref<128x128xf32, #tpu.memory_space<vmem>>, %arg6: memref<2000x128xf32, #tpu.memory_space<vmem>>) attributes {dimension_semantics = [#tpu.dimension_semantics<arbitrary>], iteration_bounds = array<i64: 5>, scalar_prefetch = 0 : i64, scratch_operands = 0 : i64, tpu.core_type = #tpu.core_type<tc>, window_params = [{transform_indices = @transform_0, window_bounds = array<i64: 2000, 128>}, {transform_indices = @transform_1, window_bounds = array<i64: 2000, 128>}, {transform_indices = @transform_2, window_bounds = array<i64: 2000, 1>}, {pipeline_mode = #tpu.pipeline_mode<synchronous>, transform_indices = @transform_3, window_bounds = array<i64: 1, 128>}, {pipeline_mode = #tpu.pipeline_mode<synchronous>, transform_indices = @transform_4, window_bounds = array<i64: 128, 128>}, {transform_indices = @transform_5, window_bounds = array<i64: 2000, 128>}]} {
    %get3A = arith.constant 0 : index
    %get3A_0 = arith.constant 0 : index
    %get3A_1 = vector.load %arg3[%get3A, %get3A_0] : memref<2000x1xf32, #tpu.memory_space<vmem>>, vector<2000x1xf32>
    %get3A_2 = arith.constant 0 : index
    %get3A_3 = arith.constant 0 : index
    %get3A_4 = vector.load %arg1[%get3A_2, %get3A_3] : memref<2000x128xf32, #tpu.memory_space<vmem>>, vector<2000x128xf32>
    %get3A_5 = arith.constant 0 : index
    %get3A_6 = arith.constant 0 : index
    %get3A_7 = vector.load %arg2[%get3A_5, %get3A_6] : memref<2000x128xf32, #tpu.memory_space<vmem>>, vector<2000x128xf32>
    %add3A = arith.addf %get3A_4, %get3A_7 : vector<2000x128xf32>
    %mul3A = vector.broadcast %get3A_1 : vector<2000x1xf32> to vector<2000x128xf32>
    %mul3A_8 = arith.mulf %add3A, %mul3A : vector<2000x128xf32>
    %get3A_9 = arith.constant 0 : index
    %get3A_10 = arith.constant 0 : index
    %get3A_11 = vector.load %arg4[%get3A_9, %get3A_10] : memref<1x128xf32, #tpu.memory_space<vmem>>, vector<1x128xf32>
    %add3A_12 = vector.broadcast %get3A_11 : vector<1x128xf32> to vector<2000x128xf32>
    %add3A_13 = arith.addf %mul3A_8, %add3A_12 : vector<2000x128xf32>
    %gt3A = arith.constant 0.000000e+00 : f32
    %gt3A_14 = vector.broadcast %gt3A : f32 to vector<2000x128xf32>
    %gt3A_15 = arith.cmpf ogt, %add3A_13, %gt3A_14 : vector<2000x128xf32>
    %mul3A_16 = arith.constant 1.000000e-01 : f32
    %mul3A_17 = vector.broadcast %mul3A_16 : f32 to vector<2000x128xf32>
    %mul3A_18 = arith.mulf %mul3A_17, %add3A_13 : vector<2000x128xf32>
    %select_n3A = arith.select %gt3A_15, %add3A_13, %mul3A_18 : vector<2000x128xi1>, vector<2000x128xf32>
    %get3A_19 = arith.constant 0 : index
    %get3A_20 = arith.constant 0 : index
    %get3A_21 = vector.load %arg5[%get3A_19, %get3A_20] : memref<128x128xf32, #tpu.memory_space<vmem>>, vector<128x128xf32>
    %dot_general3A = arith.constant dense<0.000000e+00> : vector<2000x128xf32>
    %dot_general3A_22 = tpu.matmul %select_n3A, %get3A_21, %dot_general3A {dimension_numbers = #tpu.dot_dimension_numbers<[1], [0], [0], [1], [0, 0, 1, 1], [], []>, transpose_lhs_hint = false} : vector<2000x128xf32>, vector<128x128xf32>, vector<2000x128xf32> -> vector<2000x128xf32>
    %mul3A_23 = vector.broadcast %get3A_1 : vector<2000x1xf32> to vector<2000x128xf32>
    %mul3A_24 = arith.mulf %dot_general3A_22, %mul3A_23 : vector<2000x128xf32>
    %swap3A = arith.constant 0 : index
    %swap3A_25 = arith.constant 0 : index
    %swap3A_26 = vector.load %arg6[%swap3A, %swap3A_25] : memref<2000x128xf32, #tpu.memory_space<vmem>>, vector<2000x128xf32>
    tpu.vector_store %arg6[%swap3A, %swap3A_25], %mul3A_24 {strides = array<i32>} : memref<2000x128xf32, #tpu.memory_space<vmem>>, vector<2000x128xf32>,
    return
  }
  func.func @transform_0(%arg0: i32) -> (i32, i32) {
    %c0_i32 = arith.constant 0 : i32
    %c0_i32_0 = arith.constant 0 : i32
    return %arg0, %c0_i32 : i32, i32
  }
  func.func @transform_1(%arg0: i32) -> (i32, i32) {
    %c0_i32 = arith.constant 0 : i32
    %c0_i32_0 = arith.constant 0 : i32
    return %arg0, %c0_i32 : i32, i32
  }
  func.func @transform_2(%arg0: i32) -> (i32, i32) {
    %c0_i32 = arith.constant 0 : i32
    %c0_i32_0 = arith.constant 0 : i32
    return %arg0, %c0_i32 : i32, i32
  }
  func.func @transform_3(%arg0: i32) -> (i32, i32) {
    %c0_i32 = arith.constant 0 : i32
    %c0_i32_0 = arith.constant 0 : i32
    %c0_i32_1 = arith.constant 0 : i32
    return %c0_i32, %c0_i32_0 : i32, i32
  }
  func.func @transform_4(%arg0: i32) -> (i32, i32) {
    %c0_i32 = arith.constant 0 : i32
    %c0_i32_0 = arith.constant 0 : i32
    %c0_i32_1 = arith.constant 0 : i32
    return %c0_i32, %c0_i32_0 : i32, i32
  }
  func.func @transform_5(%arg0: i32) -> (i32, i32) {
    %c0_i32 = arith.constant 0 : i32
    %c0_i32_0 = arith.constant 0 : i32
    return %arg0, %c0_i32 : i32, i32
  }
}

module attributes {stable_mosaic.version = 14 : i64} {
  func.func @_fin_body(%arg0: i32, %arg1: memref<2000x128xf32, #tpu.memory_space<vmem>>, %arg2: memref<2000x128xf32, #tpu.memory_space<vmem>>, %arg3: memref<2000x1xf32, #tpu.memory_space<vmem>>, %arg4: memref<1x128xf32, #tpu.memory_space<vmem>>, %arg5: memref<32x16xf32, #tpu.memory_space<vmem>>, %arg6: memref<1x16xf32, #tpu.memory_space<vmem>>, %arg7: memref<2000x16xf32, #tpu.memory_space<vmem>>) attributes {dimension_semantics = [#tpu.dimension_semantics<arbitrary>], iteration_bounds = array<i64: 5>, scalar_prefetch = 0 : i64, scratch_operands = 0 : i64, tpu.core_type = #tpu.core_type<tc>, window_params = [{transform_indices = @transform_0, window_bounds = array<i64: 2000, 128>}, {transform_indices = @transform_1, window_bounds = array<i64: 2000, 128>}, {transform_indices = @transform_2, window_bounds = array<i64: 2000, 1>}, {pipeline_mode = #tpu.pipeline_mode<synchronous>, transform_indices = @transform_3, window_bounds = array<i64: 1, 128>}, {pipeline_mode = #tpu.pipeline_mode<synchronous>, transform_indices = @transform_4, window_bounds = array<i64: 32, 16>}, {pipeline_mode = #tpu.pipeline_mode<synchronous>, transform_indices = @transform_5, window_bounds = array<i64: 1, 16>}, {transform_indices = @transform_6, window_bounds = array<i64: 2000, 16>}]} {
    %get3A = arith.constant 0 : index
    %get3A_0 = arith.constant 0 : index
    %get3A_1 = vector.load %arg1[%get3A, %get3A_0] : memref<2000x128xf32, #tpu.memory_space<vmem>>, vector<2000x128xf32>
    %get3A_2 = arith.constant 0 : index
    %get3A_3 = arith.constant 0 : index
    %get3A_4 = vector.load %arg2[%get3A_2, %get3A_3] : memref<2000x128xf32, #tpu.memory_space<vmem>>, vector<2000x128xf32>
    %add3A = arith.addf %get3A_1, %get3A_4 : vector<2000x128xf32>
    %get3A_5 = arith.constant 0 : index
    %get3A_6 = arith.constant 0 : index
    %get3A_7 = vector.load %arg3[%get3A_5, %get3A_6] : memref<2000x1xf32, #tpu.memory_space<vmem>>, vector<2000x1xf32>
    %mul3A = vector.broadcast %get3A_7 : vector<2000x1xf32> to vector<2000x128xf32>
    %mul3A_8 = arith.mulf %add3A, %mul3A : vector<2000x128xf32>
    %get3A_9 = arith.constant 0 : index
    %get3A_10 = arith.constant 0 : index
    %get3A_11 = vector.load %arg4[%get3A_9, %get3A_10] : memref<1x128xf32, #tpu.memory_space<vmem>>, vector<1x128xf32>
    %add3A_12 = vector.broadcast %get3A_11 : vector<1x128xf32> to vector<2000x128xf32>
    %add3A_13 = arith.addf %mul3A_8, %add3A_12 : vector<2000x128xf32>
    %gt3A = arith.constant 0.000000e+00 : f32
    %gt3A_14 = vector.broadcast %gt3A : f32 to vector<2000x128xf32>
    %gt3A_15 = arith.cmpf ogt, %add3A_13, %gt3A_14 : vector<2000x128xf32>
    %mul3A_16 = arith.constant 1.000000e-01 : f32
    %mul3A_17 = vector.broadcast %mul3A_16 : f32 to vector<2000x128xf32>
    %mul3A_18 = arith.mulf %mul3A_17, %add3A_13 : vector<2000x128xf32>
    %select_n3A = arith.select %gt3A_15, %add3A_13, %mul3A_18 : vector<2000x128xi1>, vector<2000x128xf32>
    %slice3A = vector.extract_strided_slice %select_n3A {offsets = [0, 0], sizes = [2000, 32], strides = [1, 1]} : vector<2000x128xf32> to vector<2000x32xf32>
    %get3A_19 = arith.constant 0 : index
    %get3A_20 = arith.constant 0 : index
    %get3A_21 = vector.load %arg5[%get3A_19, %get3A_20] : memref<32x16xf32, #tpu.memory_space<vmem>>, vector<32x16xf32>
    %dot_general3A = arith.constant dense<0.000000e+00> : vector<2000x16xf32>
    %dot_general3A_22 = tpu.matmul %slice3A, %get3A_21, %dot_general3A {dimension_numbers = #tpu.dot_dimension_numbers<[1], [0], [0], [1], [0, 0, 1, 1], [], []>, transpose_lhs_hint = false} : vector<2000x32xf32>, vector<32x16xf32>, vector<2000x16xf32> -> vector<2000x16xf32>
    %get3A_23 = arith.constant 0 : index
    %get3A_24 = arith.constant 0 : index
    %get3A_25 = vector.load %arg6[%get3A_23, %get3A_24] : memref<1x16xf32, #tpu.memory_space<vmem>>, vector<1x16xf32>
    %add3A_26 = vector.broadcast %get3A_25 : vector<1x16xf32> to vector<2000x16xf32>
    %add3A_27 = arith.addf %dot_general3A_22, %add3A_26 : vector<2000x16xf32>
    %reduce_max3A = arith.constant dense<0xFF800000> : vector<2000xf32>
    %reduce_max3A_28 = vector.multi_reduction <maximumf>, %add3A_27, %reduce_max3A [1] : vector<2000x16xf32> to vector<2000xf32>
    %broadcast_in_dim3A = vector.shape_cast %reduce_max3A_28 : vector<2000xf32> to vector<2000x1xf32>
    %sub3A = vector.broadcast %broadcast_in_dim3A : vector<2000x1xf32> to vector<2000x16xf32>
    %sub3A_29 = arith.subf %add3A_27, %sub3A : vector<2000x16xf32>
    %exp3A = math.exp %sub3A_29 : vector<2000x16xf32>
    %reduce_sum3A = arith.constant dense<0.000000e+00> : vector<2000xf32>
    %reduce_sum3A_30 = vector.multi_reduction <add>, %exp3A, %reduce_sum3A [1] : vector<2000x16xf32> to vector<2000xf32>
    %broadcast_in_dim3A_31 = vector.shape_cast %reduce_sum3A_30 : vector<2000xf32> to vector<2000x1xf32>
    %div3A = vector.broadcast %broadcast_in_dim3A_31 : vector<2000x1xf32> to vector<2000x16xf32>
    %div3A_32 = arith.divf %exp3A, %div3A : vector<2000x16xf32>
    %swap3A = arith.constant 0 : index
    %swap3A_33 = arith.constant 0 : index
    %swap3A_34 = vector.load %arg7[%swap3A, %swap3A_33] : memref<2000x16xf32, #tpu.memory_space<vmem>>, vector<2000x16xf32>
    tpu.vector_store %arg7[%swap3A, %swap3A_33], %div3A_32 {strides = array<i32>} : memref<2000x16xf32, #tpu.memory_space<vmem>>, vector<2000x16xf32>,
    return
  }
  func.func @transform_0(%arg0: i32) -> (i32, i32) {
    %c0_i32 = arith.constant 0 : i32
    %c0_i32_0 = arith.constant 0 : i32
    return %arg0, %c0_i32 : i32, i32
  }
  func.func @transform_1(%arg0: i32) -> (i32, i32) {
    %c0_i32 = arith.constant 0 : i32
    %c0_i32_0 = arith.constant 0 : i32
    return %arg0, %c0_i32 : i32, i32
  }
  func.func @transform_2(%arg0: i32) -> (i32, i32) {
    %c0_i32 = arith.constant 0 : i32
    %c0_i32_0 = arith.constant 0 : i32
    return %arg0, %c0_i32 : i32, i32
  }
  func.func @transform_3(%arg0: i32) -> (i32, i32) {
    %c0_i32 = arith.constant 0 : i32
    %c0_i32_0 = arith.constant 0 : i32
    %c0_i32_1 = arith.constant 0 : i32
    return %c0_i32, %c0_i32_0 : i32, i32
  }
  func.func @transform_4(%arg0: i32) -> (i32, i32) {
    %c0_i32 = arith.constant 0 : i32
    %c0_i32_0 = arith.constant 0 : i32
    %c0_i32_1 = arith.constant 0 : i32
    return %c0_i32, %c0_i32_0 : i32, i32
  }
  func.func @transform_5(%arg0: i32) -> (i32, i32) {
    %c0_i32 = arith.constant 0 : i32
    %c0_i32_0 = arith.constant 0 : i32
    %c0_i32_1 = arith.constant 0 : i32
    return %c0_i32, %c0_i32_0 : i32, i32
  }
  func.func @transform_6(%arg0: i32) -> (i32, i32) {
    %c0_i32 = arith.constant 0 : i32
    %c0_i32_0 = arith.constant 0 : i32
    return %arg0, %c0_i32 : i32, i32
  }
}

</mosaic_0001>

<sc_bundles>
// kernel: kernel.12.cloned.1.call-start
scs
__scs_entry_jumppad:
0x0: {  	(pc) =	sbr.rel $0x88, $3  }
0x1: {  	(tag) =	ssettag $0x0;
	lr =	simm.s32 $0x1  }
0x2: {  	[smem:$0x3F95] =	sst lr;
	_ =	strace $0xD0000000  }
0x3: {  	_ = 	snop  }
0x4: {  	_ = 	snop  }
0x5: {  	_ = 	snop  }
0x6: {  	_ = 	snop  }
0x7: {  	_ = 	snop  }
__scs_overlays_trampoline_lowered:
0x8: {  	[smem:$0x3FA4] =	sst s0  }
0x9: {  	[smem:$0x3FA5] =	sst s1  }
0xa: {  	[smem:$0x3FA6] =	sst s2  }
0xb: {  	[smem:$0x3FA7] =	sst s3  }
0xc: {  	[smem:$0x3FA8] =	sst s4  }
0xd: {  	[smem:$0x3FA9] =	sst s5  }
0xe: {  	[smem:$0x3FAA] =	sst s6  }
0xf: {  	[smem:$0x3FAB] =	sst s7  }
0x10: {  	[smem:$0x3FAC] =	sst s8  }
0x11: {  	[smem:$0x3FAD] =	sst s9;
	s0 =	simm.s32 @!p0 $0x0  }
0x12: {  	s1 =	sld [smem:$0x3F93];
	s0 =	simm.s32 @p0 $0x1  }
0x13: {  	[smem:$0x3FAE] =	sst s0;
	s0 =	simm.s32 @!p1 $0x0  }
0x14: {  	s2 =	sld [smem:$0x3F92];
	s0 =	simm.s32 @p1 $0x1  }
0x15: {  	[smem:$0x3FAF] =	sst s0;
	s0 =	simm.s32 @!p2 $0x0  }
0x16: {  	s3 =	sld [smem:$0x3FDB];
	s0 =	simm.s32 @p2 $0x1  }
0x17: {  	s4 =	simm.s32 $0x1BF5;
	[smem:$0x3FB1] =	sst s0  }
0x18: {  	s0 =	sld [smem:$0x3F94];
	_ =	swait.ge [sflag:s4], $0x0  }
0x19: {  	s7 =	sld [smem:$0x3F95]  }
0x1a: {  	s8 =	sadd.s32 $0xFFFFE003, lr  }
0x1b: {  	s9 =	sadd.s32 $0xFFFFFEF7, lr;
	s5 =	simm.s32 $0xFFFFFFFF;
	p2 =	slt.u32 s8, $0xFFFFF086  }
0x1c: {  	p1 =	slt.u32 s9, $0xF7A;
	s5 =	simm.s32 @!p2 $0x0  }
0x1d: {  	s5 =	simm.s32 @p1 $0x1;
	p0 =	seq.s32 s7, s2  }
0x1e: {  	s7 =	smul.u32 @!p0 $0xF7A, s2;
	p2 =	seq.s32 @!p0 s5, $0x0  }
0x1f: {  	s9 =	smul.u32 $0xF7A, s1;
	s8 =	simm.s32 @!p0 $0x1BF5;
	p2 =	por !p2, p0  }
0x20: {  	[sflag:s8] =	ssyncset.s32 @!p0 $0xFFFFF086;
	s6 =	sadd.s32 @!p0 s3, s7;
	s7 =	simm.s32 @!p0 $0x108  }
0x21: {  	s3 =	sadd.s32 s3, s9;
	s6 =	sadd.s32 @!p0 $0x88, s6;
	s7 =	simm.s32 @p2 $0x1082  }
0x22: {  	[simem:s7], [sflag:s8] =	dma.local @!p0 [hbm:s6], $0xF7A  }
0x23: {  	s9 =	sor.u32 $0xD0000000, s2;
	s6 =	simm.s32 $0x108;
	_ =	swait.ge @!p0 [sflag:s8], $0x0  }
0x24: {  	s3 =	sadd.s32 $0x88, s3;
	s6 =	simm.s32 @!p1 $0x1082;
	[sflag:s4] =	ssyncset.s32 $0xFFFFF086  }
0x25: {  	[simem:s6], [sflag:s4] =	dma.local [hbm:s3], $0xF7A  }
0x26: {  	[smem:$0x3F95] =	sst s1;
	(tag) =	ssettag s2;
	_ =	strace s9  }
0x27: {  	s1 =	sld [smem:$0x3FA5]  }
0x28: {  	s2 =	sld [smem:$0x3FA6]  }
0x29: {  	s4 =	sld [smem:$0x3FA8]  }
0x2a: {  	p0 =	seq.s32 s5, $0x0;
	s5 =	sld [smem:$0x3FA9]  }
0x2b: {  	s6 =	sld [smem:$0x3FAA]  }
0x2c: {  	s7 =	sld [smem:$0x3FAB]  }
0x2d: {  	s3 =	simm.s32 $0x108;
	s8 =	sld [smem:$0x3FAC]  }
0x2e: {  	s3 =	simm.s32 @!p0 $0x1082;
	s9 =	sld [smem:$0x3FAD]  }
0x2f: {  	lr =	sadd.s32 s0, s3;
	s0 =	sld [smem:$0x3FA4]  }
0x30: {  	s3 =	sld [smem:$0x3FA7]  }
0x31: {  	[smem:$0x3FB0] =	sst s10  }
0x32: {  	s10 =	sld [smem:$0x3FAE];
	_ =	sdelay $0x3  }
0x33: {  	p0 =	seq.s32 s10, $0x1;
	s10 =	sld [smem:$0x3FB0];
	_ =	sdelay $0x3  }
0x34: {  	[smem:$0x3FB0] =	sst s10  }
0x35: {  	s10 =	sld [smem:$0x3FAF];
	_ =	sdelay $0x3  }
0x36: {  	p1 =	seq.s32 s10, $0x1;
	s10 =	sld [smem:$0x3FB0];
	_ =	sdelay $0x3  }
0x37: {  	[smem:$0x3FB0] =	sst s10  }
0x38: {  	s10 =	sld [smem:$0x3FB1]  }
0x39: {  	_ = 	snop;
	(pc) =	sbr.ind lr, $3  }
0x3a: {  	_ = 	snop  }
0x3b: {  	_ = 	snop  }
0x3c: {  	p2 =	seq.s32 s10, $0x1;
	s10 =	sld [smem:$0x3FB0]  }
0x3d: {  	_ =	shalt  }
0x3e: {  	_ =	shalt  }
0x3f: {  	_ =	shalt  }
0x40: {  	_ =	shalt  }
0x41: {  	_ =	shalt  }
0x42: {  	_ =	shalt  }
0x43: {  	_ =	shalt  }
0x44: {  	_ =	shalt  }
0x45: {  	_ =	shalt  }
0x46: {  	_ =	shalt  }
0x47: {  	_ =	shalt  }
0x48: {  	_ =	shalt  }
0x49: {  	_ =	shalt  }
0x4a: {  	_ =	shalt  }
0x4b: {  	_ =	shalt  }
0x4c: {  	_ =	shalt  }
0x4d: {  	_ =	shalt  }
0x4e: {  	_ =	shalt  }
0x4f: {  	_ =	shalt  }
0x50: {  	_ =	shalt  }
0x51: {  	_ =	shalt  }
0x52: {  	_ =	shalt  }
0x53: {  	_ =	shalt  }
0x54: {  	_ =	shalt  }
0x55: {  	_ =	shalt  }
0x56: {  	_ =	shalt  }
0x57: {  	_ =	shalt  }
0x58: {  	_ =	shalt  }
0x59: {  	_ =	shalt  }
0x5a: {  	_ =	shalt  }
0x5b: {  	_ =	shalt  }
0x5c: {  	_ =	shalt  }
0x5d: {  	_ =	shalt  }
0x5e: {  	_ =	shalt  }
0x5f: {  	_ =	shalt  }
0x60: {  	_ =	shalt  }
0x61: {  	_ =	shalt  }
0x62: {  	_ =	shalt  }
0x63: {  	_ =	shalt  }
0x64: {  	_ =	shalt  }
0x65: {  	_ =	shalt  }
0x66: {  	_ =	shalt  }
0x67: {  	_ =	shalt  }
0x68: {  	_ =	shalt  }
0x69: {  	_ =	shalt  }
0x6a: {  	_ =	shalt  }
0x6b: {  	_ =	shalt  }
0x6c: {  	_ =	shalt  }
0x6d: {  	_ =	shalt  }
0x6e: {  	_ =	shalt  }
0x6f: {  	_ =	shalt  }
0x70: {  	_ =	shalt  }
0x71: {  	_ =	shalt  }
0x72: {  	_ =	shalt  }
0x73: {  	_ =	shalt  }
0x74: {  	_ =	shalt  }
0x75: {  	_ =	shalt  }
0x76: {  	_ =	shalt  }
0x77: {  	_ =	shalt  }
0x78: {  	_ =	shalt  }
0x79: {  	_ =	shalt  }
0x7a: {  	_ =	shalt  }
0x7b: {  	_ =	shalt  }
0x7c: {  	_ =	shalt  }
0x7d: {  	_ =	shalt  }
0x7e: {  	_ =	shalt  }
0x7f: {  	_ =	shalt  }
0x80: {  	_ =	shalt  }
0x81: {  	_ =	shalt  }
0x82: {  	_ =	shalt  }
0x83: {  	_ =	shalt  }
0x84: {  	_ =	shalt  }
0x85: {  	_ =	shalt  }
0x86: {  	_ =	shalt  }
0x87: {  	_ =	shalt  }
.Lfunc_end0:
.L_simem_size_0:
called_computation_lowered:
.L_overlay_start_0:
0x88: {  	s2 =	sld [smem:$0x3FD9]  }
0x89: {  	s3 =	sld [smem:$0x3FFE];
	_ =	sdelay $0x1  }
0x8a: {  	s1 =	srdreg.scid  }
0x8b: {  	s0 =	sand.u32 $0x1, s1  }
0x8c: {  	s16 =	sshll.u32 s0, $0xA;
	s2 =	sadd.s32 s3, s2  }
0x8d: {  	s2 =	sadd.s32 s2, s16  }
0x8e: {  	[smem:$0x3FBC] =	sst s2  }
0x8f: {  	_ = 	snop  }
0x90: {  	(tm) =	ssettm $0x1  }
0x91: {  	s17 =	sld [smem:$0x3FFB];
	_ =	sdelay $0x3  }
0x92: {  	_ =	strace s17  }
0x93: {  	s2 =	sld [smem:$0x3FFC];
	_ =	sdelay $0x3  }
0x94: {  	_ =	strace s2  }
0x95: {  	s2 =	sld [smem:$0x3FFD];
	_ =	sdelay $0x3  }
0x96: {  	_ =	strace s2  }
0x97: {  	_ =	strace $0x8FFFFFFF  }
0x98: {  	s18 =	sld [smem:$0x3FDB];
	_ =	sdelay $0x1  }
0x99: {  	s19 =	simm.s32 $_scs_section_size  }
0x9a: {  	s4 =	simm.s32 $_size__tile_overlayer_lowered;
	s5 =	simm.s32 $_tile_overlayer_lowered  }
0x9b: {  	s22 =	simm.s32 $0x1BFF;
	s21 =	sshll.u32 s5, $0x1;
	s2 =	sadd.s32 s19, s18  }
0x9c: {  	s6 =	simm.s32 $0x0;
	s20 =	sshll.u32 s4, $0x1;
	s4 =	sadd.s32 s21, s2  }
0x9d: {  	[timem:s6], [sflag:s22] =	dma.local [hbm:s4], s20  }
0x9e: {  	_ =	swait.ge [sflag:s22], s20  }
0x9f: {  	s3 =	ssub.s32 $0x0, s20;
	[sflag:s22] =	ssyncset.done $0x0  }
0xa0: {  	[sflag:s22] =	ssyncadd.s32 s3;
	_ =	sdelay $0x1  }
0xa1: {  	s23 =	simm.s32 $0x1B8B  }
0xa2: {  	_ =	swait.ge [sflag:s23], $0x1  }
0xa3: {  	[sflag:s23] =	ssyncset.done $0x0  }
0xa4: {  	s25 =	simm.s32 $0x1B8E;
	s24 =	sld [smem:$0x3FFE];
	[sflag:s23] =	ssyncadd.s32 $0xFFFFFFFF  }
0xa5: {  	s26 =	simm.s32 $execute0_lowered;
	[smem:$0x3FD2] =	sst s25  }
0xa6: {  	s4 =	sshll.u32 s26, $0x1;
	_ =	strace $0x80000046;
	[dreg:$0x1] =	wrdreg $0xFFFFFFFF  }
0xa7: {  	s28 =	simm.s32 $_size_execute0_lowered;
	s2 =	sadd.s32 s2, s4;
	[dreg:$0x0] =	wrdreg $0x0  }
0xa8: {  	s4 =	sshll.u32 s28, $0x1;
	[dreg:$0x2] =	wrdreg s2  }
0xa9: {  	[dreg:$0x3] =	wrdreg s4  }
0xaa: {  	[dreg:$0x4] =	wrdreg $0xC0  }
0xab: {  	_ =	task [dreg:s6], $0x5FFFF  }
0xac: {  	[dreg:$0x1] =	wrdreg $0xFFFFFFFF  }
0xad: {  	[dreg:$0x0] =	wrdreg $0x60  }
0xae: {  	[dreg:$0x2] =	wrdreg s24  }
0xaf: {  	[dreg:$0x3] =	wrdreg $0xC5000  }
0xb0: {  	[dreg:$0x4] =	wrdreg $0x9  }
0xb1: {  	_ =	task.clear_ibuf [dreg:s6], $0x5FFFF;
	_ =	strace $0x90000046  }
0xb2: {  	s29 =	simm.s32 $0x9;
	_ =	strace $0x80000048  }
0xb3: {  	_ =	swait.ge [sflag:s29], $0x1  }
0xb4: {  	[sflag:s29] =	ssyncadd.s32 $0xFFFFFFFF  }
0xb5: {  	_ =	strace $0x90000048  }
0xb6: {  	_ =	sfence  }
0xb7: {  	s30 =	sld [smem:$0x0];
	_ =	sdelay $0x2  }
0xb8: {  	s31 =	sshll.u32 s1, $0xD;
	s1 =	sshrl.u32 s1, $0x2  }
0xb9: {  	s3 =	sand.u32 $0x4000, s31;
	s1 =	sadd.s32 s1, s30  }
0xba: {  	s0 =	sor.u32 s3, s0;
	s1 =	sshll.u32 s1, $0x11  }
0xbb: {  	s0 =	sor.u32 s1, s0  }
0xbc: {  	s0 =	sadd.s32 $0x8F2B, s0  }
0xbd: {  	[sflag:s0] =	ssyncadd.remote.s32 $0x1  }
0xbe: {  	_ =	sfence.sel $0xFFFF  }
0xbf: {  	[dreg:$0x0] =	wrdreg $0xFFFFFFFF;
	(pc) =	sbr.abs _section_cstart, $3  }
0xc0: {  	[dreg:$0x1] =	wrdreg $0xFFFFFFFF  }
0xc1: {  	_ =	task.clear_ibuf [dreg:s6], $0x2FFFF;
	_ =	strace $0x9FFFFFFF  }
0xc2: {  	(tm) =	ssettm $0x7FFFFFFF  }
0xc3: {  	_ =	shalt  }
tec
execute0_lowered:
.L_overlay_start_1:
0x0: {  	(tag) =	ssettag $0x1  }
0x1: {  	s0 =	srdreg.scid;
	s6 =	rddreg [dreg:$0x0]  }
0x2: {  	s2 =	rddreg [dreg:$0x1];
	s3 =	simm.s32 $0x0;
	s16 =	simm.s32 $0x64  }
0x3: {  	s17 =	simm.s32 $0x5D00;
	s18 =	simm.s32 $0x1;
	s19 =	simm.s32 $0x9100  }
0x4: {  	s20 =	simm.s32 $0x2;
	s21 =	simm.s32 $0x2838;
	s22 =	simm.s32 $0x5A00  }
0x5: {  	s23 =	simm.s32 $0x5A80;
	s24 =	simm.s32 $0x0;
	s5 =	sand.u32 $0x1, s0  }
0x6: {  	s0 =	stileid.u32;
	[smem:$0x7FF] =	sst s3;
	s10 =	sadd.s32 $0x1C600, s6  }
0x7: {  	s11 =	sadd.s32 $0x6AA00, s6;
	s13 =	sadd.s32 $0x91C00, s6;
	s1 =	sshll.u32 s5, $0x4  }
0x8: {  	s8 =	sshll.u32 s0, $0x7;
	s9 =	smul.u32 $0x278, s0;
	s12 =	ssub.s32 $0x2, s5  }
0x9: {  	p0 =	seq.s32 s5, $0x0;
	s31 =	sshll.u32 s0, $0x6;
	s4 =	sor.u32 s0, s1  }
0xa: {  	s1 =	rddreg [dreg:$0x2];
	s8 =	sand.u32 $0x380, s8;
	_ =	strace $0x80000047  }
0xb: {  	s30 =	sshrl.u32 s12, $0x1;
	s13 =	smov.u32 @p0 s11;
	s7 =	sshrl.u32 s4, $0x3  }
0xc: {  	s29 =	smul.u32 $0x680, s4;
	s4 =	sadd.s32 $0x43800, s6;
	s9 =	smin.u32 s9, $0x2498  }
0xd: {  	s12 =	ssub.s32 s12, s30;
	s7 =	smul.u32 $0x14800, s7;
	s14 =	sshll.u32 s9, $0x7  }
0xe: {  	s15 =	sshll.u32 s9, $0x4;
	s10 =	smov.u32 @p0 s4;
	s9 =	sor.u32 $0x1C03, s31  }
0xf: {  	s14 =	sadd.s32 s14, s2;
	s7 =	sor.u32 s8, s7;
	s8 =	sadd.s32 s29, s6  }
0x10: {  	s11 =	sshrl.u32 s14, $0x3;
	s14 =	simm.s32 $0x400;
	s7 =	sshrl.u32 s7, $0x3  }
0x11: {  	s7 =	sadd.s32 s7, s6;
	s6 =	sadd.s32 $0xF600, s8;
	s8 =	sadd.s32 s10, s15  }
0x12: {  	s10 =	sadd.s32 s13, s15;
	s13 =	simm.s32 $0x80;
	s15 =	simm.s32 $0x2900  }
0x13: {  	s5 =	sadd.s32 $0x5200, s7;
	s7 =	smax.u32 s12, $0x1;
	s12 =	simm.s32 $0x3  }
.LBB2_1:
0x14: {  	[spmem:s11], [sflag:s9] =	dma.local [hbm:s8], $0x2780  }
0x15: {  	_ =	swait.ge [sflag:s12], $0x2780  }
0x16: {  	[sflag:s12] =	ssyncset.done $0x0  }
0x17: {  	[sflag:s12] =	ssyncadd.s32 $0xFFFFD880  }
0x18: {  	[bflag:$0x0] =	sbarrier.arrive $0xFFFF  }
0x19: {  	[tilespmem:s3], [sflag:$0x3] =	stream.strided.gather [hbm4b:s5+s13], $0x2900, s14, s13, $0x38;
	[tilespmem:$0x1FD80] =	vst v63  }
0x1a: {  	_ =	swait.ge [sflag:s12], $0x2900  }
0x1b: {  	[sflag:s12] =	ssyncset.done $0x0  }
0x1c: {  	[sflag:s12] =	ssyncadd.s32 $0xFFFFD700  }
0x1d: {  	[tilespmem:s15], [sflag:$0x3] =	stream.linear.gather [hbm4b:s6+s3], $0x3200, $0x38;
	[tilespmem:$0x1FD80] =	vst v63  }
0x1e: {  	_ =	swait.ge [sflag:s12], $0x3200  }
0x1f: {  	[sflag:s12] =	ssyncset.done $0x0  }
0x20: {  	[sflag:s12] =	ssyncadd.s32 $0xFFFFCE00  }
0x21: {  	[tilespmem:s17], [sflag:$0x1] =	stream.indirect.gather [hbm4b:s4+s16], $0x80, s3, s16, $0xb8;
	[tilespmem:$0x1FD80] =	vst v63  }
0x22: {  	_ =	swait.ge [sflag:s18], $0x3200  }
0x23: {  	[sflag:s18] =	ssyncset.done $0x0  }
0x24: {  	s25 =	simm.s32 $0x68;
	[sflag:s18] =	ssyncadd.s32 $0xFFFFCE00  }
0x25: {  	[tilespmem:s19], [sflag:$0x2] =	stream.indirect.gather [hbm4b:s4+s16], $0x80, s25, s16, $0xb8;
	[tilespmem:$0x1FD80] =	vst v63  }
0x26: {  	s26 =	simm.s32 $0x2900  }
0x27: {  	[spmem:s2] =	stream.indirect.scatter.add.f32 [tilespmem:s17], [sflag:$0x3], $0x80, s26, s16, $0xb8;
	[tilespmem:$0x1FD80] =	vst v63  }
0x28: {  	_ =	swait.ge [sflag:s12], $0x3200  }
0x29: {  	[sflag:s12] =	ssyncset.done $0x0  }
0x2a: {  	s30 =	simm.s32 $0xD0;
	[sflag:s12] =	ssyncadd.s32 $0xFFFFCE00  }
0x2b: {  	[tilespmem:s17], [sflag:$0x1] =	stream.indirect.gather [hbm4b:s4+s16], $0x80, s30, s16, $0xb8;
	[tilespmem:$0x1FD80] =	vst v63  }
0x2c: {  	_ =	swait.ge [sflag:s20], $0x3200  }
0x2d: {  	[sflag:s20] =	ssyncset.done $0x0  }
0x2e: {  	s31 =	simm.s32 $0x2980;
	[sflag:s20] =	ssyncadd.s32 $0xFFFFCE00  }
0x2f: {  	[spmem:s2] =	stream.indirect.scatter.add.f32 [tilespmem:s19], [sflag:$0x3], $0x80, s31, s16, $0xb8;
	[tilespmem:$0x1FD80] =	vst v63  }
0x30: {  	_ =	swait.ge [sflag:s12], $0x3200  }
0x31: {  	s26 =	simm.s32 $0x400;
	[sflag:s12] =	ssyncset.done $0x0  }
.LBB2_2:
0x32: {  	p0 =	sne.s32 s26, $0xC000;
	[sflag:s12] =	ssyncadd.s32 $0xFFFFCE00;
	s25 =	sadd.s32 $0xD0, s25  }
0x33: {  	s28 =	smov.u32 s26;
	s26 =	sadd.s32 $0x400, s26;
	_ =	swait.ge [sflag:s18], $0x3200  }
0x34: {  	[sflag:s18] =	ssyncset.done $0x0  }
0x35: {  	s28 =	sshra.s32 s28, $0x2;
	[sflag:s18] =	ssyncadd.s32 $0xFFFFCE00  }
0x36: {  	[tilespmem:s19], [sflag:$0x2] =	stream.indirect.gather [hbm4b:s4+s16], $0x80, s25, s16, $0xb8;
	[tilespmem:$0x1FD80] =	vst v63  }
0x37: {  	s29 =	sadd.s32 $0x2900, s28  }
0x38: {  	[spmem:s2] =	stream.indirect.scatter.add.f32 [tilespmem:s17], [sflag:$0x3], $0x80, s29, s16, $0xb8;
	[tilespmem:$0x1FD80] =	vst v63  }
0x39: {  	_ =	swait.ge [sflag:s12], $0x3200  }
0x3a: {  	[sflag:s12] =	ssyncset.done $0x0  }
0x3b: {  	s29 =	sadd.s32 $0x68, s25;
	[sflag:s12] =	ssyncadd.s32 $0xFFFFCE00  }
0x3c: {  	[tilespmem:s17], [sflag:$0x1] =	stream.indirect.gather [hbm4b:s4+s16], $0x80, s29, s16, $0xb8;
	[tilespmem:$0x1FD80] =	vst v63  }
0x3d: {  	_ =	swait.ge [sflag:s20], $0x3200  }
.Ltmp0:
0x3e: {  	[sflag:s20] =	ssyncset.done $0x0;
	(pc) =	sbr.rel @p0 .LBB2_2-.Ltmp0, $4  }
0x3f: {  	s28 =	sadd.s32 $0x2980, s28;
	[sflag:s20] =	ssyncadd.s32 $0xFFFFCE00  }
0x40: {  	[spmem:s2] =	stream.indirect.scatter.add.f32 [tilespmem:s19], [sflag:$0x3], $0x80, s28, s16, $0xb8;
	[tilespmem:$0x1FD80] =	vst v63  }
0x41: {  	_ =	swait.ge [sflag:s12], $0x3200  }
0x42: {  	[sflag:s12] =	ssyncset.done $0x0  }
0x43: {  	[sflag:s12] =	ssyncadd.s32 $0xFFFFCE00  }
0x44: {  	_ =	swait.ge [sflag:s18], $0x3200  }
0x45: {  	[sflag:s18] =	ssyncset.done $0x0  }
0x46: {  	[sflag:s18] =	ssyncadd.s32 $0xFFFFCE00  }
0x47: {  	[tilespmem:s19], [sflag:$0x2] =	stream.indirect.gather [hbm4b:s4+s16], $0x80, s21, s16, $0xb8;
	[tilespmem:$0x1FD80] =	vst v63  }
0x48: {  	_ = 	snop  }
0x49: {  	[spmem:s2] =	stream.indirect.scatter.add.f32 [tilespmem:s17], [sflag:$0x3], $0x80, s22, s16, $0xb8;
	[tilespmem:$0x1FD80] =	vst v63  }
0x4a: {  	_ =	swait.ge [sflag:s12], $0x3200  }
0x4b: {  	[sflag:s12] =	ssyncset.done $0x0  }
0x4c: {  	[sflag:s12] =	ssyncadd.s32 $0xFFFFCE00  }
0x4d: {  	_ =	swait.ge [sflag:s20], $0x3200  }
0x4e: {  	[sflag:s20] =	ssyncset.done $0x0  }
0x4f: {  	[sflag:s20] =	ssyncadd.s32 $0xFFFFCE00  }
0x50: {  	[spmem:s2] =	stream.indirect.scatter.add.f32 [tilespmem:s19], [sflag:$0x3], $0x80, s23, s16, $0xb8;
	[tilespmem:$0x1FD80] =	vst v63  }
0x51: {  	_ =	swait.ge [sflag:s12], $0x3200  }
0x52: {  	s24 =	sadd.s32 $0x1, s24;
	[sflag:s12] =	ssyncset.done $0x0  }
0x53: {  	p0 =	sne.s32 s24, s7;
	[sflag:s12] =	ssyncadd.s32 $0xFFFFCE00  }
.Ltmp1:
0x54: {  	[bflag:$0x0] =	sbarrier.arrive $0xFFFF;
	(pc) =	sbr.rel @p0 .LBB2_1-.Ltmp1, $4  }
0x55: {  	[hbm:s10], [sflag:s9] =	dma.local [spmem:s11], $0x2780  }
0x56: {  	_ =	swait.ge [sflag:s12], $0x2780  }
0x57: {  	[sflag:s12] =	ssyncset.done $0x0  }
0x58: {  	[sflag:s12] =	ssyncadd.s32 $0xFFFFD880  }
0x59: {  	_ =	sfence.sel $0x180000  }
0x5a: {  	[bflag:$0x0] =	sbarrier.arrive $0xFFFF  }
0x5b: {  	p0 =	sne.s32 s0, $0x0;
	_ =	strace $0x90000047  }
0x5c: {  	s0 =	sadd.s32 @!p0 $0x100000, s1;
	[bflag:$0x2] =	sbarrier.arrive $0xFFFF  }
0x5d: {  	[sflag:s0] =	ssyncadd.tile.s32 @!p0 $0x1;
	_ =	shalt  }
.Lfunc_end2:
_tile_overlayer_lowered:
.L_overlay_start_2:
0x5e: {  	(tag) =	ssettag $0x2  }
0x5f: {  	s0 =	rddreg [dreg:$0x0];
	s2 =	stileid.u32  }
0x60: {  	s1 =	rddreg [dreg:$0x1];
	p0 =	sne.s32 s2, $0x0  }
0x61: {  	s3 =	rddreg [dreg:$0x2];
	[bflag:$0x3] =	sbarrier.arrive $0xFFFF;
	s2 =	simm.s32 @!p0 $0x1C03  }
0x62: {  	[timem:s3], [sflag:s2] =	dma.local @!p0 [hbm:s0], s1  }
0x63: {  	s0 =	simm.s32 @!p0 $0x3  }
0x64: {  	_ =	swait.ge @!p0 [sflag:s0], s1  }
0x65: {  	s1 =	ssub.s32 @!p0 $0x0, s1;
	[sflag:s0] =	ssyncset.done @!p0 $0x0  }
0x66: {  	[sflag:s0] =	ssyncadd.s32 @!p0 s1  }
0x67: {  	[bflag:$0x3] =	sbarrier.arrive $0xFFFF  }
0x68: {  	_ =	shalt  }

// kernel: kernel.15.cloned.1.call-start
scs
__scs_entry_jumppad:
0x0: {  	(pc) =	sbr.rel $0x88, $3  }
0x1: {  	(tag) =	ssettag $0x0;
	lr =	simm.s32 $0x1  }
0x2: {  	[smem:$0x3F95] =	sst lr;
	_ =	strace $0xD0000000  }
0x3: {  	_ = 	snop  }
0x4: {  	_ = 	snop  }
0x5: {  	_ = 	snop  }
0x6: {  	_ = 	snop  }
0x7: {  	_ = 	snop  }
__scs_overlays_trampoline_lowered:
0x8: {  	[smem:$0x3FA4] =	sst s0  }
0x9: {  	[smem:$0x3FA5] =	sst s1  }
0xa: {  	[smem:$0x3FA6] =	sst s2  }
0xb: {  	[smem:$0x3FA7] =	sst s3  }
0xc: {  	[smem:$0x3FA8] =	sst s4  }
0xd: {  	[smem:$0x3FA9] =	sst s5  }
0xe: {  	[smem:$0x3FAA] =	sst s6  }
0xf: {  	[smem:$0x3FAB] =	sst s7  }
0x10: {  	[smem:$0x3FAC] =	sst s8  }
0x11: {  	[smem:$0x3FAD] =	sst s9;
	s0 =	simm.s32 @!p0 $0x0  }
0x12: {  	s1 =	sld [smem:$0x3F93];
	s0 =	simm.s32 @p0 $0x1  }
0x13: {  	[smem:$0x3FAE] =	sst s0;
	s0 =	simm.s32 @!p1 $0x0  }
0x14: {  	s2 =	sld [smem:$0x3F92];
	s0 =	simm.s32 @p1 $0x1  }
0x15: {  	[smem:$0x3FAF] =	sst s0;
	s0 =	simm.s32 @!p2 $0x0  }
0x16: {  	s3 =	sld [smem:$0x3FDB];
	s0 =	simm.s32 @p2 $0x1  }
0x17: {  	s4 =	simm.s32 $0x1BF5;
	[smem:$0x3FB1] =	sst s0  }
0x18: {  	s0 =	sld [smem:$0x3F94];
	_ =	swait.ge [sflag:s4], $0x0  }
0x19: {  	s7 =	sld [smem:$0x3F95]  }
0x1a: {  	s8 =	sadd.s32 $0xFFFFE003, lr  }
0x1b: {  	s9 =	sadd.s32 $0xFFFFFEF7, lr;
	s5 =	simm.s32 $0xFFFFFFFF;
	p2 =	slt.u32 s8, $0xFFFFF086  }
0x1c: {  	p1 =	slt.u32 s9, $0xF7A;
	s5 =	simm.s32 @!p2 $0x0  }
0x1d: {  	s5 =	simm.s32 @p1 $0x1;
	p0 =	seq.s32 s7, s2  }
0x1e: {  	s7 =	smul.u32 @!p0 $0xF7A, s2;
	p2 =	seq.s32 @!p0 s5, $0x0  }
0x1f: {  	s9 =	smul.u32 $0xF7A, s1;
	s8 =	simm.s32 @!p0 $0x1BF5;
	p2 =	por !p2, p0  }
0x20: {  	[sflag:s8] =	ssyncset.s32 @!p0 $0xFFFFF086;
	s6 =	sadd.s32 @!p0 s3, s7;
	s7 =	simm.s32 @!p0 $0x108  }
0x21: {  	s3 =	sadd.s32 s3, s9;
	s6 =	sadd.s32 @!p0 $0x88, s6;
	s7 =	simm.s32 @p2 $0x1082  }
0x22: {  	[simem:s7], [sflag:s8] =	dma.local @!p0 [hbm:s6], $0xF7A  }
0x23: {  	s9 =	sor.u32 $0xD0000000, s2;
	s6 =	simm.s32 $0x108;
	_ =	swait.ge @!p0 [sflag:s8], $0x0  }
0x24: {  	s3 =	sadd.s32 $0x88, s3;
	s6 =	simm.s32 @!p1 $0x1082;
	[sflag:s4] =	ssyncset.s32 $0xFFFFF086  }
0x25: {  	[simem:s6], [sflag:s4] =	dma.local [hbm:s3], $0xF7A  }
0x26: {  	[smem:$0x3F95] =	sst s1;
	(tag) =	ssettag s2;
	_ =	strace s9  }
0x27: {  	s1 =	sld [smem:$0x3FA5]  }
0x28: {  	s2 =	sld [smem:$0x3FA6]  }
0x29: {  	s4 =	sld [smem:$0x3FA8]  }
0x2a: {  	p0 =	seq.s32 s5, $0x0;
	s5 =	sld [smem:$0x3FA9]  }
0x2b: {  	s6 =	sld [smem:$0x3FAA]  }
0x2c: {  	s7 =	sld [smem:$0x3FAB]  }
0x2d: {  	s3 =	simm.s32 $0x108;
	s8 =	sld [smem:$0x3FAC]  }
0x2e: {  	s3 =	simm.s32 @!p0 $0x1082;
	s9 =	sld [smem:$0x3FAD]  }
0x2f: {  	lr =	sadd.s32 s0, s3;
	s0 =	sld [smem:$0x3FA4]  }
0x30: {  	s3 =	sld [smem:$0x3FA7]  }
0x31: {  	[smem:$0x3FB0] =	sst s10  }
0x32: {  	s10 =	sld [smem:$0x3FAE];
	_ =	sdelay $0x3  }
0x33: {  	p0 =	seq.s32 s10, $0x1;
	s10 =	sld [smem:$0x3FB0];
	_ =	sdelay $0x3  }
0x34: {  	[smem:$0x3FB0] =	sst s10  }
0x35: {  	s10 =	sld [smem:$0x3FAF];
	_ =	sdelay $0x3  }
0x36: {  	p1 =	seq.s32 s10, $0x1;
	s10 =	sld [smem:$0x3FB0];
	_ =	sdelay $0x3  }
0x37: {  	[smem:$0x3FB0] =	sst s10  }
0x38: {  	s10 =	sld [smem:$0x3FB1]  }
0x39: {  	_ = 	snop;
	(pc) =	sbr.ind lr, $3  }
0x3a: {  	_ = 	snop  }
0x3b: {  	_ = 	snop  }
0x3c: {  	p2 =	seq.s32 s10, $0x1;
	s10 =	sld [smem:$0x3FB0]  }
0x3d: {  	_ =	shalt  }
0x3e: {  	_ =	shalt  }
0x3f: {  	_ =	shalt  }
0x40: {  	_ =	shalt  }
0x41: {  	_ =	shalt  }
0x42: {  	_ =	shalt  }
0x43: {  	_ =	shalt  }
0x44: {  	_ =	shalt  }
0x45: {  	_ =	shalt  }
0x46: {  	_ =	shalt  }
0x47: {  	_ =	shalt  }
0x48: {  	_ =	shalt  }
0x49: {  	_ =	shalt  }
0x4a: {  	_ =	shalt  }
0x4b: {  	_ =	shalt  }
0x4c: {  	_ =	shalt  }
0x4d: {  	_ =	shalt  }
0x4e: {  	_ =	shalt  }
0x4f: {  	_ =	shalt  }
0x50: {  	_ =	shalt  }
0x51: {  	_ =	shalt  }
0x52: {  	_ =	shalt  }
0x53: {  	_ =	shalt  }
0x54: {  	_ =	shalt  }
0x55: {  	_ =	shalt  }
0x56: {  	_ =	shalt  }
0x57: {  	_ =	shalt  }
0x58: {  	_ =	shalt  }
0x59: {  	_ =	shalt  }
0x5a: {  	_ =	shalt  }
0x5b: {  	_ =	shalt  }
0x5c: {  	_ =	shalt  }
0x5d: {  	_ =	shalt  }
0x5e: {  	_ =	shalt  }
0x5f: {  	_ =	shalt  }
0x60: {  	_ =	shalt  }
0x61: {  	_ =	shalt  }
0x62: {  	_ =	shalt  }
0x63: {  	_ =	shalt  }
0x64: {  	_ =	shalt  }
0x65: {  	_ =	shalt  }
0x66: {  	_ =	shalt  }
0x67: {  	_ =	shalt  }
0x68: {  	_ =	shalt  }
0x69: {  	_ =	shalt  }
0x6a: {  	_ =	shalt  }
0x6b: {  	_ =	shalt  }
0x6c: {  	_ =	shalt  }
0x6d: {  	_ =	shalt  }
0x6e: {  	_ =	shalt  }
0x6f: {  	_ =	shalt  }
0x70: {  	_ =	shalt  }
0x71: {  	_ =	shalt  }
0x72: {  	_ =	shalt  }
0x73: {  	_ =	shalt  }
0x74: {  	_ =	shalt  }
0x75: {  	_ =	shalt  }
0x76: {  	_ =	shalt  }
0x77: {  	_ =	shalt  }
0x78: {  	_ =	shalt  }
0x79: {  	_ =	shalt  }
0x7a: {  	_ =	shalt  }
0x7b: {  	_ =	shalt  }
0x7c: {  	_ =	shalt  }
0x7d: {  	_ =	shalt  }
0x7e: {  	_ =	shalt  }
0x7f: {  	_ =	shalt  }
0x80: {  	_ =	shalt  }
0x81: {  	_ =	shalt  }
0x82: {  	_ =	shalt  }
0x83: {  	_ =	shalt  }
0x84: {  	_ =	shalt  }
0x85: {  	_ =	shalt  }
0x86: {  	_ =	shalt  }
0x87: {  	_ =	shalt  }
.Lfunc_end0:
.L_simem_size_0:
called_computation.1_lowered:
.L_overlay_start_0:
0x88: {  	s2 =	sld [smem:$0x3FD9]  }
0x89: {  	s3 =	sld [smem:$0x3FFE];
	_ =	sdelay $0x1  }
0x8a: {  	s1 =	srdreg.scid  }
0x8b: {  	s0 =	sand.u32 $0x1, s1  }
0x8c: {  	s16 =	sshll.u32 s0, $0xA;
	s2 =	sadd.s32 s3, s2  }
0x8d: {  	s2 =	sadd.s32 s2, s16  }
0x8e: {  	[smem:$0x3FBC] =	sst s2  }
0x8f: {  	_ = 	snop  }
0x90: {  	(tm) =	ssettm $0x1  }
0x91: {  	s17 =	sld [smem:$0x3FFB];
	_ =	sdelay $0x3  }
0x92: {  	_ =	strace s17  }
0x93: {  	s2 =	sld [smem:$0x3FFC];
	_ =	sdelay $0x3  }
0x94: {  	_ =	strace s2  }
0x95: {  	s2 =	sld [smem:$0x3FFD];
	_ =	sdelay $0x3  }
0x96: {  	_ =	strace s2  }
0x97: {  	_ =	strace $0x8FFFFFFF  }
0x98: {  	s18 =	sld [smem:$0x3FDB];
	_ =	sdelay $0x1  }
0x99: {  	s19 =	simm.s32 $_scs_section_size  }
0x9a: {  	s4 =	simm.s32 $_size__tile_overlayer_lowered;
	s5 =	simm.s32 $_tile_overlayer_lowered  }
0x9b: {  	s22 =	simm.s32 $0x1BFF;
	s21 =	sshll.u32 s5, $0x1;
	s2 =	sadd.s32 s19, s18  }
0x9c: {  	s6 =	simm.s32 $0x0;
	s20 =	sshll.u32 s4, $0x1;
	s4 =	sadd.s32 s21, s2  }
0x9d: {  	[timem:s6], [sflag:s22] =	dma.local [hbm:s4], s20  }
0x9e: {  	_ =	swait.ge [sflag:s22], s20  }
0x9f: {  	s3 =	ssub.s32 $0x0, s20;
	[sflag:s22] =	ssyncset.done $0x0  }
0xa0: {  	[sflag:s22] =	ssyncadd.s32 s3;
	_ =	sdelay $0x1  }
0xa1: {  	s23 =	simm.s32 $0x1B8B  }
0xa2: {  	_ =	swait.ge [sflag:s23], $0x1  }
0xa3: {  	[sflag:s23] =	ssyncset.done $0x0  }
0xa4: {  	s25 =	simm.s32 $0x1B8E;
	s24 =	sld [smem:$0x3FFE];
	[sflag:s23] =	ssyncadd.s32 $0xFFFFFFFF  }
0xa5: {  	s26 =	simm.s32 $execute0_lowered;
	[smem:$0x3FD2] =	sst s25  }
0xa6: {  	s4 =	sshll.u32 s26, $0x1;
	_ =	strace $0x80000049;
	[dreg:$0x1] =	wrdreg $0xFFFFFFFF  }
0xa7: {  	s28 =	simm.s32 $_size_execute0_lowered;
	s2 =	sadd.s32 s2, s4;
	[dreg:$0x0] =	wrdreg $0x0  }
0xa8: {  	s4 =	sshll.u32 s28, $0x1;
	[dreg:$0x2] =	wrdreg s2  }
0xa9: {  	[dreg:$0x3] =	wrdreg s4  }
0xaa: {  	[dreg:$0x4] =	wrdreg $0xC0  }
0xab: {  	_ =	task [dreg:s6], $0x5FFFF  }
0xac: {  	[dreg:$0x1] =	wrdreg $0xFFFFFFFF  }
0xad: {  	[dreg:$0x0] =	wrdreg $0x60  }
0xae: {  	[dreg:$0x2] =	wrdreg s24  }
0xaf: {  	[dreg:$0x3] =	wrdreg $0xC5000  }
0xb0: {  	[dreg:$0x4] =	wrdreg $0x9  }
0xb1: {  	_ =	task.clear_ibuf [dreg:s6], $0x5FFFF;
	_ =	strace $0x90000049  }
0xb2: {  	s29 =	simm.s32 $0x9;
	_ =	strace $0x8000004B  }
0xb3: {  	_ =	swait.ge [sflag:s29], $0x1  }
0xb4: {  	[sflag:s29] =	ssyncadd.s32 $0xFFFFFFFF  }
0xb5: {  	_ =	strace $0x9000004B  }
0xb6: {  	_ =	sfence  }
0xb7: {  	s30 =	sld [smem:$0x0];
	_ =	sdelay $0x2  }
0xb8: {  	s31 =	sshll.u32 s1, $0xD;
	s1 =	sshrl.u32 s1, $0x2  }
0xb9: {  	s3 =	sand.u32 $0x4000, s31;
	s1 =	sadd.s32 s1, s30  }
0xba: {  	s0 =	sor.u32 s3, s0;
	s1 =	sshll.u32 s1, $0x11  }
0xbb: {  	s0 =	sor.u32 s1, s0  }
0xbc: {  	s0 =	sadd.s32 $0x8F2B, s0  }
0xbd: {  	[sflag:s0] =	ssyncadd.remote.s32 $0x1  }
0xbe: {  	_ =	sfence.sel $0xFFFF  }
0xbf: {  	[dreg:$0x0] =	wrdreg $0xFFFFFFFF;
	(pc) =	sbr.abs _section_cstart, $3  }
0xc0: {  	[dreg:$0x1] =	wrdreg $0xFFFFFFFF  }
0xc1: {  	_ =	task.clear_ibuf [dreg:s6], $0x2FFFF;
	_ =	strace $0x9FFFFFFF  }
0xc2: {  	(tm) =	ssettm $0x7FFFFFFF  }
0xc3: {  	_ =	shalt  }
tec
execute0_lowered:
.L_overlay_start_1:
0x0: {  	(tag) =	ssettag $0x1  }
0x1: {  	s0 =	srdreg.scid;
	s6 =	rddreg [dreg:$0x0]  }
0x2: {  	s2 =	rddreg [dreg:$0x1];
	s3 =	simm.s32 $0x0;
	s16 =	simm.s32 $0x64  }
0x3: {  	s17 =	simm.s32 $0x5D00;
	s18 =	simm.s32 $0x1;
	s19 =	simm.s32 $0x9100  }
0x4: {  	s20 =	simm.s32 $0x2;
	s21 =	simm.s32 $0x2838;
	s22 =	simm.s32 $0x5A00  }
0x5: {  	s23 =	simm.s32 $0x5A80;
	s24 =	simm.s32 $0x0;
	s5 =	sand.u32 $0x1, s0  }
0x6: {  	s0 =	stileid.u32;
	[smem:$0x7FF] =	sst s3;
	s10 =	sadd.s32 $0x1C600, s6  }
0x7: {  	s11 =	sadd.s32 $0x6AA00, s6;
	s13 =	sadd.s32 $0x91C00, s6;
	s1 =	sshll.u32 s5, $0x4  }
0x8: {  	s8 =	sshll.u32 s0, $0x7;
	s9 =	smul.u32 $0x278, s0;
	s12 =	ssub.s32 $0x2, s5  }
0x9: {  	p0 =	seq.s32 s5, $0x0;
	s31 =	sshll.u32 s0, $0x6;
	s4 =	sor.u32 s0, s1  }
0xa: {  	s1 =	rddreg [dreg:$0x2];
	s8 =	sand.u32 $0x380, s8;
	_ =	strace $0x8000004A  }
0xb: {  	s30 =	sshrl.u32 s12, $0x1;
	s13 =	smov.u32 @p0 s11;
	s7 =	sshrl.u32 s4, $0x3  }
0xc: {  	s29 =	smul.u32 $0x680, s4;
	s4 =	sadd.s32 $0x43800, s6;
	s9 =	smin.u32 s9, $0x2498  }
0xd: {  	s12 =	ssub.s32 s12, s30;
	s7 =	smul.u32 $0x14800, s7;
	s14 =	sshll.u32 s9, $0x7  }
0xe: {  	s15 =	sshll.u32 s9, $0x4;
	s10 =	smov.u32 @p0 s4;
	s9 =	sor.u32 $0x1C03, s31  }
0xf: {  	s14 =	sadd.s32 s14, s2;
	s7 =	sor.u32 s8, s7;
	s8 =	sadd.s32 s29, s6  }
0x10: {  	s11 =	sshrl.u32 s14, $0x3;
	s14 =	simm.s32 $0x400;
	s7 =	sshrl.u32 s7, $0x3  }
0x11: {  	s7 =	sadd.s32 s7, s6;
	s6 =	sadd.s32 $0xF600, s8;
	s8 =	sadd.s32 s10, s15  }
0x12: {  	s10 =	sadd.s32 s13, s15;
	s13 =	simm.s32 $0x80;
	s15 =	simm.s32 $0x2900  }
0x13: {  	s5 =	sadd.s32 $0x5200, s7;
	s7 =	smax.u32 s12, $0x1;
	s12 =	simm.s32 $0x3  }
.LBB2_1:
0x14: {  	[spmem:s11], [sflag:s9] =	dma.local [hbm:s8], $0x2780  }
0x15: {  	_ =	swait.ge [sflag:s12], $0x2780  }
0x16: {  	[sflag:s12] =	ssyncset.done $0x0  }
0x17: {  	[sflag:s12] =	ssyncadd.s32 $0xFFFFD880  }
0x18: {  	[bflag:$0x0] =	sbarrier.arrive $0xFFFF  }
0x19: {  	[tilespmem:s3], [sflag:$0x3] =	stream.strided.gather [hbm4b:s5+s13], $0x2900, s14, s13, $0x38;
	[tilespmem:$0x1FD80] =	vst v63  }
0x1a: {  	_ =	swait.ge [sflag:s12], $0x2900  }
0x1b: {  	[sflag:s12] =	ssyncset.done $0x0  }
0x1c: {  	[sflag:s12] =	ssyncadd.s32 $0xFFFFD700  }
0x1d: {  	[tilespmem:s15], [sflag:$0x3] =	stream.linear.gather [hbm4b:s6+s3], $0x3200, $0x38;
	[tilespmem:$0x1FD80] =	vst v63  }
0x1e: {  	_ =	swait.ge [sflag:s12], $0x3200  }
0x1f: {  	[sflag:s12] =	ssyncset.done $0x0  }
0x20: {  	[sflag:s12] =	ssyncadd.s32 $0xFFFFCE00  }
0x21: {  	[tilespmem:s17], [sflag:$0x1] =	stream.indirect.gather [hbm4b:s4+s16], $0x80, s3, s16, $0xb8;
	[tilespmem:$0x1FD80] =	vst v63  }
0x22: {  	_ =	swait.ge [sflag:s18], $0x3200  }
0x23: {  	[sflag:s18] =	ssyncset.done $0x0  }
0x24: {  	s25 =	simm.s32 $0x68;
	[sflag:s18] =	ssyncadd.s32 $0xFFFFCE00  }
0x25: {  	[tilespmem:s19], [sflag:$0x2] =	stream.indirect.gather [hbm4b:s4+s16], $0x80, s25, s16, $0xb8;
	[tilespmem:$0x1FD80] =	vst v63  }
0x26: {  	s26 =	simm.s32 $0x2900  }
0x27: {  	[spmem:s2] =	stream.indirect.scatter.add.f32 [tilespmem:s17], [sflag:$0x3], $0x80, s26, s16, $0xb8;
	[tilespmem:$0x1FD80] =	vst v63  }
0x28: {  	_ =	swait.ge [sflag:s12], $0x3200  }
0x29: {  	[sflag:s12] =	ssyncset.done $0x0  }
0x2a: {  	s30 =	simm.s32 $0xD0;
	[sflag:s12] =	ssyncadd.s32 $0xFFFFCE00  }
0x2b: {  	[tilespmem:s17], [sflag:$0x1] =	stream.indirect.gather [hbm4b:s4+s16], $0x80, s30, s16, $0xb8;
	[tilespmem:$0x1FD80] =	vst v63  }
0x2c: {  	_ =	swait.ge [sflag:s20], $0x3200  }
0x2d: {  	[sflag:s20] =	ssyncset.done $0x0  }
0x2e: {  	s31 =	simm.s32 $0x2980;
	[sflag:s20] =	ssyncadd.s32 $0xFFFFCE00  }
0x2f: {  	[spmem:s2] =	stream.indirect.scatter.add.f32 [tilespmem:s19], [sflag:$0x3], $0x80, s31, s16, $0xb8;
	[tilespmem:$0x1FD80] =	vst v63  }
0x30: {  	_ =	swait.ge [sflag:s12], $0x3200  }
0x31: {  	s26 =	simm.s32 $0x400;
	[sflag:s12] =	ssyncset.done $0x0  }
.LBB2_2:
0x32: {  	p0 =	sne.s32 s26, $0xC000;
	[sflag:s12] =	ssyncadd.s32 $0xFFFFCE00;
	s25 =	sadd.s32 $0xD0, s25  }
0x33: {  	s28 =	smov.u32 s26;
	s26 =	sadd.s32 $0x400, s26;
	_ =	swait.ge [sflag:s18], $0x3200  }
0x34: {  	[sflag:s18] =	ssyncset.done $0x0  }
0x35: {  	s28 =	sshra.s32 s28, $0x2;
	[sflag:s18] =	ssyncadd.s32 $0xFFFFCE00  }
0x36: {  	[tilespmem:s19], [sflag:$0x2] =	stream.indirect.gather [hbm4b:s4+s16], $0x80, s25, s16, $0xb8;
	[tilespmem:$0x1FD80] =	vst v63  }
0x37: {  	s29 =	sadd.s32 $0x2900, s28  }
0x38: {  	[spmem:s2] =	stream.indirect.scatter.add.f32 [tilespmem:s17], [sflag:$0x3], $0x80, s29, s16, $0xb8;
	[tilespmem:$0x1FD80] =	vst v63  }
0x39: {  	_ =	swait.ge [sflag:s12], $0x3200  }
0x3a: {  	[sflag:s12] =	ssyncset.done $0x0  }
0x3b: {  	s29 =	sadd.s32 $0x68, s25;
	[sflag:s12] =	ssyncadd.s32 $0xFFFFCE00  }
0x3c: {  	[tilespmem:s17], [sflag:$0x1] =	stream.indirect.gather [hbm4b:s4+s16], $0x80, s29, s16, $0xb8;
	[tilespmem:$0x1FD80] =	vst v63  }
0x3d: {  	_ =	swait.ge [sflag:s20], $0x3200  }
.Ltmp0:
0x3e: {  	[sflag:s20] =	ssyncset.done $0x0;
	(pc) =	sbr.rel @p0 .LBB2_2-.Ltmp0, $4  }
0x3f: {  	s28 =	sadd.s32 $0x2980, s28;
	[sflag:s20] =	ssyncadd.s32 $0xFFFFCE00  }
0x40: {  	[spmem:s2] =	stream.indirect.scatter.add.f32 [tilespmem:s19], [sflag:$0x3], $0x80, s28, s16, $0xb8;
	[tilespmem:$0x1FD80] =	vst v63  }
0x41: {  	_ =	swait.ge [sflag:s12], $0x3200  }
0x42: {  	[sflag:s12] =	ssyncset.done $0x0  }
0x43: {  	[sflag:s12] =	ssyncadd.s32 $0xFFFFCE00  }
0x44: {  	_ =	swait.ge [sflag:s18], $0x3200  }
0x45: {  	[sflag:s18] =	ssyncset.done $0x0  }
0x46: {  	[sflag:s18] =	ssyncadd.s32 $0xFFFFCE00  }
0x47: {  	[tilespmem:s19], [sflag:$0x2] =	stream.indirect.gather [hbm4b:s4+s16], $0x80, s21, s16, $0xb8;
	[tilespmem:$0x1FD80] =	vst v63  }
0x48: {  	_ = 	snop  }
0x49: {  	[spmem:s2] =	stream.indirect.scatter.add.f32 [tilespmem:s17], [sflag:$0x3], $0x80, s22, s16, $0xb8;
	[tilespmem:$0x1FD80] =	vst v63  }
0x4a: {  	_ =	swait.ge [sflag:s12], $0x3200  }
0x4b: {  	[sflag:s12] =	ssyncset.done $0x0  }
0x4c: {  	[sflag:s12] =	ssyncadd.s32 $0xFFFFCE00  }
0x4d: {  	_ =	swait.ge [sflag:s20], $0x3200  }
0x4e: {  	[sflag:s20] =	ssyncset.done $0x0  }
0x4f: {  	[sflag:s20] =	ssyncadd.s32 $0xFFFFCE00  }
0x50: {  	[spmem:s2] =	stream.indirect.scatter.add.f32 [tilespmem:s19], [sflag:$0x3], $0x80, s23, s16, $0xb8;
	[tilespmem:$0x1FD80] =	vst v63  }
0x51: {  	_ =	swait.ge [sflag:s12], $0x3200  }
0x52: {  	s24 =	sadd.s32 $0x1, s24;
	[sflag:s12] =	ssyncset.done $0x0  }
0x53: {  	p0 =	sne.s32 s24, s7;
	[sflag:s12] =	ssyncadd.s32 $0xFFFFCE00  }
.Ltmp1:
0x54: {  	[bflag:$0x0] =	sbarrier.arrive $0xFFFF;
	(pc) =	sbr.rel @p0 .LBB2_1-.Ltmp1, $4  }
0x55: {  	[hbm:s10], [sflag:s9] =	dma.local [spmem:s11], $0x2780  }
0x56: {  	_ =	swait.ge [sflag:s12], $0x2780  }
0x57: {  	[sflag:s12] =	ssyncset.done $0x0  }
0x58: {  	[sflag:s12] =	ssyncadd.s32 $0xFFFFD880  }
0x59: {  	_ =	sfence.sel $0x180000  }
0x5a: {  	[bflag:$0x0] =	sbarrier.arrive $0xFFFF  }
0x5b: {  	p0 =	sne.s32 s0, $0x0;
	_ =	strace $0x9000004A  }
0x5c: {  	s0 =	sadd.s32 @!p0 $0x100000, s1;
	[bflag:$0x2] =	sbarrier.arrive $0xFFFF  }
0x5d: {  	[sflag:s0] =	ssyncadd.tile.s32 @!p0 $0x1;
	_ =	shalt  }
.Lfunc_end2:
_tile_overlayer_lowered:
.L_overlay_start_2:
0x5e: {  	(tag) =	ssettag $0x2  }
0x5f: {  	s0 =	rddreg [dreg:$0x0];
	s2 =	stileid.u32  }
0x60: {  	s1 =	rddreg [dreg:$0x1];
	p0 =	sne.s32 s2, $0x0  }
0x61: {  	s3 =	rddreg [dreg:$0x2];
	[bflag:$0x3] =	sbarrier.arrive $0xFFFF;
	s2 =	simm.s32 @!p0 $0x1C03  }
0x62: {  	[timem:s3], [sflag:s2] =	dma.local @!p0 [hbm:s0], s1  }
0x63: {  	s0 =	simm.s32 @!p0 $0x3  }
0x64: {  	_ =	swait.ge @!p0 [sflag:s0], s1  }
0x65: {  	s1 =	ssub.s32 @!p0 $0x0, s1;
	[sflag:s0] =	ssyncset.done @!p0 $0x0  }
0x66: {  	[sflag:s0] =	ssyncadd.s32 @!p0 s1  }
0x67: {  	[bflag:$0x3] =	sbarrier.arrive $0xFFFF  }
0x68: {  	_ =	shalt  }

// kernel: kernel.18.cloned.1.call-start
scs
__scs_entry_jumppad:
0x0: {  	(pc) =	sbr.rel $0x88, $3  }
0x1: {  	(tag) =	ssettag $0x0;
	lr =	simm.s32 $0x1  }
0x2: {  	[smem:$0x3F95] =	sst lr;
	_ =	strace $0xD0000000  }
0x3: {  	_ = 	snop  }
0x4: {  	_ = 	snop  }
0x5: {  	_ = 	snop  }
0x6: {  	_ = 	snop  }
0x7: {  	_ = 	snop  }
__scs_overlays_trampoline_lowered:
0x8: {  	[smem:$0x3FA4] =	sst s0  }
0x9: {  	[smem:$0x3FA5] =	sst s1  }
0xa: {  	[smem:$0x3FA6] =	sst s2  }
0xb: {  	[smem:$0x3FA7] =	sst s3  }
0xc: {  	[smem:$0x3FA8] =	sst s4  }
0xd: {  	[smem:$0x3FA9] =	sst s5  }
0xe: {  	[smem:$0x3FAA] =	sst s6  }
0xf: {  	[smem:$0x3FAB] =	sst s7  }
0x10: {  	[smem:$0x3FAC] =	sst s8  }
0x11: {  	[smem:$0x3FAD] =	sst s9;
	s0 =	simm.s32 @!p0 $0x0  }
0x12: {  	s1 =	sld [smem:$0x3F93];
	s0 =	simm.s32 @p0 $0x1  }
0x13: {  	[smem:$0x3FAE] =	sst s0;
	s0 =	simm.s32 @!p1 $0x0  }
0x14: {  	s2 =	sld [smem:$0x3F92];
	s0 =	simm.s32 @p1 $0x1  }
0x15: {  	[smem:$0x3FAF] =	sst s0;
	s0 =	simm.s32 @!p2 $0x0  }
0x16: {  	s3 =	sld [smem:$0x3FDB];
	s0 =	simm.s32 @p2 $0x1  }
0x17: {  	s4 =	simm.s32 $0x1BF5;
	[smem:$0x3FB1] =	sst s0  }
0x18: {  	s0 =	sld [smem:$0x3F94];
	_ =	swait.ge [sflag:s4], $0x0  }
0x19: {  	s7 =	sld [smem:$0x3F95]  }
0x1a: {  	s8 =	sadd.s32 $0xFFFFE003, lr  }
0x1b: {  	s9 =	sadd.s32 $0xFFFFFEF7, lr;
	s5 =	simm.s32 $0xFFFFFFFF;
	p2 =	slt.u32 s8, $0xFFFFF086  }
0x1c: {  	p1 =	slt.u32 s9, $0xF7A;
	s5 =	simm.s32 @!p2 $0x0  }
0x1d: {  	s5 =	simm.s32 @p1 $0x1;
	p0 =	seq.s32 s7, s2  }
0x1e: {  	s7 =	smul.u32 @!p0 $0xF7A, s2;
	p2 =	seq.s32 @!p0 s5, $0x0  }
0x1f: {  	s9 =	smul.u32 $0xF7A, s1;
	s8 =	simm.s32 @!p0 $0x1BF5;
	p2 =	por !p2, p0  }
0x20: {  	[sflag:s8] =	ssyncset.s32 @!p0 $0xFFFFF086;
	s6 =	sadd.s32 @!p0 s3, s7;
	s7 =	simm.s32 @!p0 $0x108  }
0x21: {  	s3 =	sadd.s32 s3, s9;
	s6 =	sadd.s32 @!p0 $0x88, s6;
	s7 =	simm.s32 @p2 $0x1082  }
0x22: {  	[simem:s7], [sflag:s8] =	dma.local @!p0 [hbm:s6], $0xF7A  }
0x23: {  	s9 =	sor.u32 $0xD0000000, s2;
	s6 =	simm.s32 $0x108;
	_ =	swait.ge @!p0 [sflag:s8], $0x0  }
0x24: {  	s3 =	sadd.s32 $0x88, s3;
	s6 =	simm.s32 @!p1 $0x1082;
	[sflag:s4] =	ssyncset.s32 $0xFFFFF086  }
0x25: {  	[simem:s6], [sflag:s4] =	dma.local [hbm:s3], $0xF7A  }
0x26: {  	[smem:$0x3F95] =	sst s1;
	(tag) =	ssettag s2;
	_ =	strace s9  }
0x27: {  	s1 =	sld [smem:$0x3FA5]  }
0x28: {  	s2 =	sld [smem:$0x3FA6]  }
0x29: {  	s4 =	sld [smem:$0x3FA8]  }
0x2a: {  	p0 =	seq.s32 s5, $0x0;
	s5 =	sld [smem:$0x3FA9]  }
0x2b: {  	s6 =	sld [smem:$0x3FAA]  }
0x2c: {  	s7 =	sld [smem:$0x3FAB]  }
0x2d: {  	s3 =	simm.s32 $0x108;
	s8 =	sld [smem:$0x3FAC]  }
0x2e: {  	s3 =	simm.s32 @!p0 $0x1082;
	s9 =	sld [smem:$0x3FAD]  }
0x2f: {  	lr =	sadd.s32 s0, s3;
	s0 =	sld [smem:$0x3FA4]  }
0x30: {  	s3 =	sld [smem:$0x3FA7]  }
0x31: {  	[smem:$0x3FB0] =	sst s10  }
0x32: {  	s10 =	sld [smem:$0x3FAE];
	_ =	sdelay $0x3  }
0x33: {  	p0 =	seq.s32 s10, $0x1;
	s10 =	sld [smem:$0x3FB0];
	_ =	sdelay $0x3  }
0x34: {  	[smem:$0x3FB0] =	sst s10  }
0x35: {  	s10 =	sld [smem:$0x3FAF];
	_ =	sdelay $0x3  }
0x36: {  	p1 =	seq.s32 s10, $0x1;
	s10 =	sld [smem:$0x3FB0];
	_ =	sdelay $0x3  }
0x37: {  	[smem:$0x3FB0] =	sst s10  }
0x38: {  	s10 =	sld [smem:$0x3FB1]  }
0x39: {  	_ = 	snop;
	(pc) =	sbr.ind lr, $3  }
0x3a: {  	_ = 	snop  }
0x3b: {  	_ = 	snop  }
0x3c: {  	p2 =	seq.s32 s10, $0x1;
	s10 =	sld [smem:$0x3FB0]  }
0x3d: {  	_ =	shalt  }
0x3e: {  	_ =	shalt  }
0x3f: {  	_ =	shalt  }
0x40: {  	_ =	shalt  }
0x41: {  	_ =	shalt  }
0x42: {  	_ =	shalt  }
0x43: {  	_ =	shalt  }
0x44: {  	_ =	shalt  }
0x45: {  	_ =	shalt  }
0x46: {  	_ =	shalt  }
0x47: {  	_ =	shalt  }
0x48: {  	_ =	shalt  }
0x49: {  	_ =	shalt  }
0x4a: {  	_ =	shalt  }
0x4b: {  	_ =	shalt  }
0x4c: {  	_ =	shalt  }
0x4d: {  	_ =	shalt  }
0x4e: {  	_ =	shalt  }
0x4f: {  	_ =	shalt  }
0x50: {  	_ =	shalt  }
0x51: {  	_ =	shalt  }
0x52: {  	_ =	shalt  }
0x53: {  	_ =	shalt  }
0x54: {  	_ =	shalt  }
0x55: {  	_ =	shalt  }
0x56: {  	_ =	shalt  }
0x57: {  	_ =	shalt  }
0x58: {  	_ =	shalt  }
0x59: {  	_ =	shalt  }
0x5a: {  	_ =	shalt  }
0x5b: {  	_ =	shalt  }
0x5c: {  	_ =	shalt  }
0x5d: {  	_ =	shalt  }
0x5e: {  	_ =	shalt  }
0x5f: {  	_ =	shalt  }
0x60: {  	_ =	shalt  }
0x61: {  	_ =	shalt  }
0x62: {  	_ =	shalt  }
0x63: {  	_ =	shalt  }
0x64: {  	_ =	shalt  }
0x65: {  	_ =	shalt  }
0x66: {  	_ =	shalt  }
0x67: {  	_ =	shalt  }
0x68: {  	_ =	shalt  }
0x69: {  	_ =	shalt  }
0x6a: {  	_ =	shalt  }
0x6b: {  	_ =	shalt  }
0x6c: {  	_ =	shalt  }
0x6d: {  	_ =	shalt  }
0x6e: {  	_ =	shalt  }
0x6f: {  	_ =	shalt  }
0x70: {  	_ =	shalt  }
0x71: {  	_ =	shalt  }
0x72: {  	_ =	shalt  }
0x73: {  	_ =	shalt  }
0x74: {  	_ =	shalt  }
0x75: {  	_ =	shalt  }
0x76: {  	_ =	shalt  }
0x77: {  	_ =	shalt  }
0x78: {  	_ =	shalt  }
0x79: {  	_ =	shalt  }
0x7a: {  	_ =	shalt  }
0x7b: {  	_ =	shalt  }
0x7c: {  	_ =	shalt  }
0x7d: {  	_ =	shalt  }
0x7e: {  	_ =	shalt  }
0x7f: {  	_ =	shalt  }
0x80: {  	_ =	shalt  }
0x81: {  	_ =	shalt  }
0x82: {  	_ =	shalt  }
0x83: {  	_ =	shalt  }
0x84: {  	_ =	shalt  }
0x85: {  	_ =	shalt  }
0x86: {  	_ =	shalt  }
0x87: {  	_ =	shalt  }
.Lfunc_end0:
.L_simem_size_0:
called_computation.2_lowered:
.L_overlay_start_0:
0x88: {  	s2 =	sld [smem:$0x3FD9]  }
0x89: {  	s3 =	sld [smem:$0x3FFE];
	_ =	sdelay $0x1  }
0x8a: {  	s1 =	srdreg.scid  }
0x8b: {  	s0 =	sand.u32 $0x1, s1  }
0x8c: {  	s16 =	sshll.u32 s0, $0xA;
	s2 =	sadd.s32 s3, s2  }
0x8d: {  	s2 =	sadd.s32 s2, s16  }
0x8e: {  	[smem:$0x3FBC] =	sst s2  }
0x8f: {  	_ = 	snop  }
0x90: {  	(tm) =	ssettm $0x1  }
0x91: {  	s17 =	sld [smem:$0x3FFB];
	_ =	sdelay $0x3  }
0x92: {  	_ =	strace s17  }
0x93: {  	s2 =	sld [smem:$0x3FFC];
	_ =	sdelay $0x3  }
0x94: {  	_ =	strace s2  }
0x95: {  	s2 =	sld [smem:$0x3FFD];
	_ =	sdelay $0x3  }
0x96: {  	_ =	strace s2  }
0x97: {  	_ =	strace $0x8FFFFFFF  }
0x98: {  	s18 =	sld [smem:$0x3FDB];
	_ =	sdelay $0x1  }
0x99: {  	s19 =	simm.s32 $_scs_section_size  }
0x9a: {  	s4 =	simm.s32 $_size__tile_overlayer_lowered;
	s5 =	simm.s32 $_tile_overlayer_lowered  }
0x9b: {  	s22 =	simm.s32 $0x1BFF;
	s21 =	sshll.u32 s5, $0x1;
	s2 =	sadd.s32 s19, s18  }
0x9c: {  	s6 =	simm.s32 $0x0;
	s20 =	sshll.u32 s4, $0x1;
	s4 =	sadd.s32 s21, s2  }
0x9d: {  	[timem:s6], [sflag:s22] =	dma.local [hbm:s4], s20  }
0x9e: {  	_ =	swait.ge [sflag:s22], s20  }
0x9f: {  	s3 =	ssub.s32 $0x0, s20;
	[sflag:s22] =	ssyncset.done $0x0  }
0xa0: {  	[sflag:s22] =	ssyncadd.s32 s3;
	_ =	sdelay $0x1  }
0xa1: {  	s23 =	simm.s32 $0x1B8B  }
0xa2: {  	_ =	swait.ge [sflag:s23], $0x1  }
0xa3: {  	[sflag:s23] =	ssyncset.done $0x0  }
0xa4: {  	s25 =	simm.s32 $0x1B8E;
	s24 =	sld [smem:$0x3FFE];
	[sflag:s23] =	ssyncadd.s32 $0xFFFFFFFF  }
0xa5: {  	s26 =	simm.s32 $execute0_lowered;
	[smem:$0x3FD2] =	sst s25  }
0xa6: {  	s4 =	sshll.u32 s26, $0x1;
	_ =	strace $0x8000004C;
	[dreg:$0x1] =	wrdreg $0xFFFFFFFF  }
0xa7: {  	s28 =	simm.s32 $_size_execute0_lowered;
	s2 =	sadd.s32 s2, s4;
	[dreg:$0x0] =	wrdreg $0x0  }
0xa8: {  	s4 =	sshll.u32 s28, $0x1;
	[dreg:$0x2] =	wrdreg s2  }
0xa9: {  	[dreg:$0x3] =	wrdreg s4  }
0xaa: {  	[dreg:$0x4] =	wrdreg $0xC0  }
0xab: {  	_ =	task [dreg:s6], $0x5FFFF  }
0xac: {  	[dreg:$0x1] =	wrdreg $0xFFFFFFFF  }
0xad: {  	[dreg:$0x0] =	wrdreg $0x60  }
0xae: {  	[dreg:$0x2] =	wrdreg s24  }
0xaf: {  	[dreg:$0x3] =	wrdreg $0xC5000  }
0xb0: {  	[dreg:$0x4] =	wrdreg $0x9  }
0xb1: {  	_ =	task.clear_ibuf [dreg:s6], $0x5FFFF;
	_ =	strace $0x9000004C  }
0xb2: {  	s29 =	simm.s32 $0x9;
	_ =	strace $0x8000004E  }
0xb3: {  	_ =	swait.ge [sflag:s29], $0x1  }
0xb4: {  	[sflag:s29] =	ssyncadd.s32 $0xFFFFFFFF  }
0xb5: {  	_ =	strace $0x9000004E  }
0xb6: {  	_ =	sfence  }
0xb7: {  	s30 =	sld [smem:$0x0];
	_ =	sdelay $0x2  }
0xb8: {  	s31 =	sshll.u32 s1, $0xD;
	s1 =	sshrl.u32 s1, $0x2  }
0xb9: {  	s3 =	sand.u32 $0x4000, s31;
	s1 =	sadd.s32 s1, s30  }
0xba: {  	s0 =	sor.u32 s3, s0;
	s1 =	sshll.u32 s1, $0x11  }
0xbb: {  	s0 =	sor.u32 s1, s0  }
0xbc: {  	s0 =	sadd.s32 $0x8F2B, s0  }
0xbd: {  	[sflag:s0] =	ssyncadd.remote.s32 $0x1  }
0xbe: {  	_ =	sfence.sel $0xFFFF  }
0xbf: {  	[dreg:$0x0] =	wrdreg $0xFFFFFFFF;
	(pc) =	sbr.abs _section_cstart, $3  }
0xc0: {  	[dreg:$0x1] =	wrdreg $0xFFFFFFFF  }
0xc1: {  	_ =	task.clear_ibuf [dreg:s6], $0x2FFFF;
	_ =	strace $0x9FFFFFFF  }
0xc2: {  	(tm) =	ssettm $0x7FFFFFFF  }
0xc3: {  	_ =	shalt  }
tec
execute0_lowered:
.L_overlay_start_1:
0x0: {  	(tag) =	ssettag $0x1  }
0x1: {  	s0 =	srdreg.scid;
	s6 =	rddreg [dreg:$0x0]  }
0x2: {  	s2 =	rddreg [dreg:$0x1];
	s3 =	simm.s32 $0x0;
	s16 =	simm.s32 $0x64  }
0x3: {  	s17 =	simm.s32 $0x5D00;
	s18 =	simm.s32 $0x1;
	s19 =	simm.s32 $0x9100  }
0x4: {  	s20 =	simm.s32 $0x2;
	s21 =	simm.s32 $0x2838;
	s22 =	simm.s32 $0x5A00  }
0x5: {  	s23 =	simm.s32 $0x5A80;
	s24 =	simm.s32 $0x0;
	s5 =	sand.u32 $0x1, s0  }
0x6: {  	s0 =	stileid.u32;
	[smem:$0x7FF] =	sst s3;
	s10 =	sadd.s32 $0x1C600, s6  }
0x7: {  	s11 =	sadd.s32 $0x6AA00, s6;
	s13 =	sadd.s32 $0x91C00, s6;
	s1 =	sshll.u32 s5, $0x4  }
0x8: {  	s8 =	sshll.u32 s0, $0x7;
	s9 =	smul.u32 $0x278, s0;
	s12 =	ssub.s32 $0x2, s5  }
0x9: {  	p0 =	seq.s32 s5, $0x0;
	s31 =	sshll.u32 s0, $0x6;
	s4 =	sor.u32 s0, s1  }
0xa: {  	s1 =	rddreg [dreg:$0x2];
	s8 =	sand.u32 $0x380, s8;
	_ =	strace $0x8000004D  }
0xb: {  	s30 =	sshrl.u32 s12, $0x1;
	s13 =	smov.u32 @p0 s11;
	s7 =	sshrl.u32 s4, $0x3  }
0xc: {  	s29 =	smul.u32 $0x680, s4;
	s4 =	sadd.s32 $0x43800, s6;
	s9 =	smin.u32 s9, $0x2498  }
0xd: {  	s12 =	ssub.s32 s12, s30;
	s7 =	smul.u32 $0x14800, s7;
	s14 =	sshll.u32 s9, $0x7  }
0xe: {  	s15 =	sshll.u32 s9, $0x4;
	s10 =	smov.u32 @p0 s4;
	s9 =	sor.u32 $0x1C03, s31  }
0xf: {  	s14 =	sadd.s32 s14, s2;
	s7 =	sor.u32 s8, s7;
	s8 =	sadd.s32 s29, s6  }
0x10: {  	s11 =	sshrl.u32 s14, $0x3;
	s14 =	simm.s32 $0x400;
	s7 =	sshrl.u32 s7, $0x3  }
0x11: {  	s7 =	sadd.s32 s7, s6;
	s6 =	sadd.s32 $0xF600, s8;
	s8 =	sadd.s32 s10, s15  }
0x12: {  	s10 =	sadd.s32 s13, s15;
	s13 =	simm.s32 $0x80;
	s15 =	simm.s32 $0x2900  }
0x13: {  	s5 =	sadd.s32 $0x5200, s7;
	s7 =	smax.u32 s12, $0x1;
	s12 =	simm.s32 $0x3  }
.LBB2_1:
0x14: {  	[spmem:s11], [sflag:s9] =	dma.local [hbm:s8], $0x2780  }
0x15: {  	_ =	swait.ge [sflag:s12], $0x2780  }
0x16: {  	[sflag:s12] =	ssyncset.done $0x0  }
0x17: {  	[sflag:s12] =	ssyncadd.s32 $0xFFFFD880  }
0x18: {  	[bflag:$0x0] =	sbarrier.arrive $0xFFFF  }
0x19: {  	[tilespmem:s3], [sflag:$0x3] =	stream.strided.gather [hbm4b:s5+s13], $0x2900, s14, s13, $0x38;
	[tilespmem:$0x1FD80] =	vst v63  }
0x1a: {  	_ =	swait.ge [sflag:s12], $0x2900  }
0x1b: {  	[sflag:s12] =	ssyncset.done $0x0  }
0x1c: {  	[sflag:s12] =	ssyncadd.s32 $0xFFFFD700  }
0x1d: {  	[tilespmem:s15], [sflag:$0x3] =	stream.linear.gather [hbm4b:s6+s3], $0x3200, $0x38;
	[tilespmem:$0x1FD80] =	vst v63  }
0x1e: {  	_ =	swait.ge [sflag:s12], $0x3200  }
0x1f: {  	[sflag:s12] =	ssyncset.done $0x0  }
0x20: {  	[sflag:s12] =	ssyncadd.s32 $0xFFFFCE00  }
0x21: {  	[tilespmem:s17], [sflag:$0x1] =	stream.indirect.gather [hbm4b:s4+s16], $0x80, s3, s16, $0xb8;
	[tilespmem:$0x1FD80] =	vst v63  }
0x22: {  	_ =	swait.ge [sflag:s18], $0x3200  }
0x23: {  	[sflag:s18] =	ssyncset.done $0x0  }
0x24: {  	s25 =	simm.s32 $0x68;
	[sflag:s18] =	ssyncadd.s32 $0xFFFFCE00  }
0x25: {  	[tilespmem:s19], [sflag:$0x2] =	stream.indirect.gather [hbm4b:s4+s16], $0x80, s25, s16, $0xb8;
	[tilespmem:$0x1FD80] =	vst v63  }
0x26: {  	s26 =	simm.s32 $0x2900  }
0x27: {  	[spmem:s2] =	stream.indirect.scatter.add.f32 [tilespmem:s17], [sflag:$0x3], $0x80, s26, s16, $0xb8;
	[tilespmem:$0x1FD80] =	vst v63  }
0x28: {  	_ =	swait.ge [sflag:s12], $0x3200  }
0x29: {  	[sflag:s12] =	ssyncset.done $0x0  }
0x2a: {  	s30 =	simm.s32 $0xD0;
	[sflag:s12] =	ssyncadd.s32 $0xFFFFCE00  }
0x2b: {  	[tilespmem:s17], [sflag:$0x1] =	stream.indirect.gather [hbm4b:s4+s16], $0x80, s30, s16, $0xb8;
	[tilespmem:$0x1FD80] =	vst v63  }
0x2c: {  	_ =	swait.ge [sflag:s20], $0x3200  }
0x2d: {  	[sflag:s20] =	ssyncset.done $0x0  }
0x2e: {  	s31 =	simm.s32 $0x2980;
	[sflag:s20] =	ssyncadd.s32 $0xFFFFCE00  }
0x2f: {  	[spmem:s2] =	stream.indirect.scatter.add.f32 [tilespmem:s19], [sflag:$0x3], $0x80, s31, s16, $0xb8;
	[tilespmem:$0x1FD80] =	vst v63  }
0x30: {  	_ =	swait.ge [sflag:s12], $0x3200  }
0x31: {  	s26 =	simm.s32 $0x400;
	[sflag:s12] =	ssyncset.done $0x0  }
.LBB2_2:
0x32: {  	p0 =	sne.s32 s26, $0xC000;
	[sflag:s12] =	ssyncadd.s32 $0xFFFFCE00;
	s25 =	sadd.s32 $0xD0, s25  }
0x33: {  	s28 =	smov.u32 s26;
	s26 =	sadd.s32 $0x400, s26;
	_ =	swait.ge [sflag:s18], $0x3200  }
0x34: {  	[sflag:s18] =	ssyncset.done $0x0  }
0x35: {  	s28 =	sshra.s32 s28, $0x2;
	[sflag:s18] =	ssyncadd.s32 $0xFFFFCE00  }
0x36: {  	[tilespmem:s19], [sflag:$0x2] =	stream.indirect.gather [hbm4b:s4+s16], $0x80, s25, s16, $0xb8;
	[tilespmem:$0x1FD80] =	vst v63  }
0x37: {  	s29 =	sadd.s32 $0x2900, s28  }
0x38: {  	[spmem:s2] =	stream.indirect.scatter.add.f32 [tilespmem:s17], [sflag:$0x3], $0x80, s29, s16, $0xb8;
	[tilespmem:$0x1FD80] =	vst v63  }
0x39: {  	_ =	swait.ge [sflag:s12], $0x3200  }
0x3a: {  	[sflag:s12] =	ssyncset.done $0x0  }
0x3b: {  	s29 =	sadd.s32 $0x68, s25;
	[sflag:s12] =	ssyncadd.s32 $0xFFFFCE00  }
0x3c: {  	[tilespmem:s17], [sflag:$0x1] =	stream.indirect.gather [hbm4b:s4+s16], $0x80, s29, s16, $0xb8;
	[tilespmem:$0x1FD80] =	vst v63  }
0x3d: {  	_ =	swait.ge [sflag:s20], $0x3200  }
.Ltmp0:
0x3e: {  	[sflag:s20] =	ssyncset.done $0x0;
	(pc) =	sbr.rel @p0 .LBB2_2-.Ltmp0, $4  }
0x3f: {  	s28 =	sadd.s32 $0x2980, s28;
	[sflag:s20] =	ssyncadd.s32 $0xFFFFCE00  }
0x40: {  	[spmem:s2] =	stream.indirect.scatter.add.f32 [tilespmem:s19], [sflag:$0x3], $0x80, s28, s16, $0xb8;
	[tilespmem:$0x1FD80] =	vst v63  }
0x41: {  	_ =	swait.ge [sflag:s12], $0x3200  }
0x42: {  	[sflag:s12] =	ssyncset.done $0x0  }
0x43: {  	[sflag:s12] =	ssyncadd.s32 $0xFFFFCE00  }
0x44: {  	_ =	swait.ge [sflag:s18], $0x3200  }
0x45: {  	[sflag:s18] =	ssyncset.done $0x0  }
0x46: {  	[sflag:s18] =	ssyncadd.s32 $0xFFFFCE00  }
0x47: {  	[tilespmem:s19], [sflag:$0x2] =	stream.indirect.gather [hbm4b:s4+s16], $0x80, s21, s16, $0xb8;
	[tilespmem:$0x1FD80] =	vst v63  }
0x48: {  	_ = 	snop  }
0x49: {  	[spmem:s2] =	stream.indirect.scatter.add.f32 [tilespmem:s17], [sflag:$0x3], $0x80, s22, s16, $0xb8;
	[tilespmem:$0x1FD80] =	vst v63  }
0x4a: {  	_ =	swait.ge [sflag:s12], $0x3200  }
0x4b: {  	[sflag:s12] =	ssyncset.done $0x0  }
0x4c: {  	[sflag:s12] =	ssyncadd.s32 $0xFFFFCE00  }
0x4d: {  	_ =	swait.ge [sflag:s20], $0x3200  }
0x4e: {  	[sflag:s20] =	ssyncset.done $0x0  }
0x4f: {  	[sflag:s20] =	ssyncadd.s32 $0xFFFFCE00  }
0x50: {  	[spmem:s2] =	stream.indirect.scatter.add.f32 [tilespmem:s19], [sflag:$0x3], $0x80, s23, s16, $0xb8;
	[tilespmem:$0x1FD80] =	vst v63  }
0x51: {  	_ =	swait.ge [sflag:s12], $0x3200  }
0x52: {  	s24 =	sadd.s32 $0x1, s24;
	[sflag:s12] =	ssyncset.done $0x0  }
0x53: {  	p0 =	sne.s32 s24, s7;
	[sflag:s12] =	ssyncadd.s32 $0xFFFFCE00  }
.Ltmp1:
0x54: {  	[bflag:$0x0] =	sbarrier.arrive $0xFFFF;
	(pc) =	sbr.rel @p0 .LBB2_1-.Ltmp1, $4  }
0x55: {  	[hbm:s10], [sflag:s9] =	dma.local [spmem:s11], $0x2780  }
0x56: {  	_ =	swait.ge [sflag:s12], $0x2780  }
0x57: {  	[sflag:s12] =	ssyncset.done $0x0  }
0x58: {  	[sflag:s12] =	ssyncadd.s32 $0xFFFFD880  }
0x59: {  	_ =	sfence.sel $0x180000  }
0x5a: {  	[bflag:$0x0] =	sbarrier.arrive $0xFFFF  }
0x5b: {  	p0 =	sne.s32 s0, $0x0;
	_ =	strace $0x9000004D  }
0x5c: {  	s0 =	sadd.s32 @!p0 $0x100000, s1;
	[bflag:$0x2] =	sbarrier.arrive $0xFFFF  }
0x5d: {  	[sflag:s0] =	ssyncadd.tile.s32 @!p0 $0x1;
	_ =	shalt  }
.Lfunc_end2:
_tile_overlayer_lowered:
.L_overlay_start_2:
0x5e: {  	(tag) =	ssettag $0x2  }
0x5f: {  	s0 =	rddreg [dreg:$0x0];
	s2 =	stileid.u32  }
0x60: {  	s1 =	rddreg [dreg:$0x1];
	p0 =	sne.s32 s2, $0x0  }
0x61: {  	s3 =	rddreg [dreg:$0x2];
	[bflag:$0x3] =	sbarrier.arrive $0xFFFF;
	s2 =	simm.s32 @!p0 $0x1C03  }
0x62: {  	[timem:s3], [sflag:s2] =	dma.local @!p0 [hbm:s0], s1  }
0x63: {  	s0 =	simm.s32 @!p0 $0x3  }
0x64: {  	_ =	swait.ge @!p0 [sflag:s0], s1  }
0x65: {  	s1 =	ssub.s32 @!p0 $0x0, s1;
	[sflag:s0] =	ssyncset.done @!p0 $0x0  }
0x66: {  	[sflag:s0] =	ssyncadd.s32 @!p0 s1  }
0x67: {  	[bflag:$0x3] =	sbarrier.arrive $0xFFFF  }
0x68: {  	_ =	shalt  }

// kernel: kernel.21.cloned.1.call-start
scs
__scs_entry_jumppad:
0x0: {  	(pc) =	sbr.rel $0x88, $3  }
0x1: {  	(tag) =	ssettag $0x0;
	lr =	simm.s32 $0x1  }
0x2: {  	[smem:$0x3F95] =	sst lr;
	_ =	strace $0xD0000000  }
0x3: {  	_ = 	snop  }
0x4: {  	_ = 	snop  }
0x5: {  	_ = 	snop  }
0x6: {  	_ = 	snop  }
0x7: {  	_ = 	snop  }
__scs_overlays_trampoline_lowered:
0x8: {  	[smem:$0x3FA4] =	sst s0  }
0x9: {  	[smem:$0x3FA5] =	sst s1  }
0xa: {  	[smem:$0x3FA6] =	sst s2  }
0xb: {  	[smem:$0x3FA7] =	sst s3  }
0xc: {  	[smem:$0x3FA8] =	sst s4  }
0xd: {  	[smem:$0x3FA9] =	sst s5  }
0xe: {  	[smem:$0x3FAA] =	sst s6  }
0xf: {  	[smem:$0x3FAB] =	sst s7  }
0x10: {  	[smem:$0x3FAC] =	sst s8  }
0x11: {  	[smem:$0x3FAD] =	sst s9;
	s0 =	simm.s32 @!p0 $0x0  }
0x12: {  	s1 =	sld [smem:$0x3F93];
	s0 =	simm.s32 @p0 $0x1  }
0x13: {  	[smem:$0x3FAE] =	sst s0;
	s0 =	simm.s32 @!p1 $0x0  }
0x14: {  	s2 =	sld [smem:$0x3F92];
	s0 =	simm.s32 @p1 $0x1  }
0x15: {  	[smem:$0x3FAF] =	sst s0;
	s0 =	simm.s32 @!p2 $0x0  }
0x16: {  	s3 =	sld [smem:$0x3FDB];
	s0 =	simm.s32 @p2 $0x1  }
0x17: {  	s4 =	simm.s32 $0x1BF5;
	[smem:$0x3FB1] =	sst s0  }
0x18: {  	s0 =	sld [smem:$0x3F94];
	_ =	swait.ge [sflag:s4], $0x0  }
0x19: {  	s7 =	sld [smem:$0x3F95]  }
0x1a: {  	s8 =	sadd.s32 $0xFFFFE003, lr  }
0x1b: {  	s9 =	sadd.s32 $0xFFFFFEF7, lr;
	s5 =	simm.s32 $0xFFFFFFFF;
	p2 =	slt.u32 s8, $0xFFFFF086  }
0x1c: {  	p1 =	slt.u32 s9, $0xF7A;
	s5 =	simm.s32 @!p2 $0x0  }
0x1d: {  	s5 =	simm.s32 @p1 $0x1;
	p0 =	seq.s32 s7, s2  }
0x1e: {  	s7 =	smul.u32 @!p0 $0xF7A, s2;
	p2 =	seq.s32 @!p0 s5, $0x0  }
0x1f: {  	s9 =	smul.u32 $0xF7A, s1;
	s8 =	simm.s32 @!p0 $0x1BF5;
	p2 =	por !p2, p0  }
0x20: {  	[sflag:s8] =	ssyncset.s32 @!p0 $0xFFFFF086;
	s6 =	sadd.s32 @!p0 s3, s7;
	s7 =	simm.s32 @!p0 $0x108  }
0x21: {  	s3 =	sadd.s32 s3, s9;
	s6 =	sadd.s32 @!p0 $0x88, s6;
	s7 =	simm.s32 @p2 $0x1082  }
0x22: {  	[simem:s7], [sflag:s8] =	dma.local @!p0 [hbm:s6], $0xF7A  }
0x23: {  	s9 =	sor.u32 $0xD0000000, s2;
	s6 =	simm.s32 $0x108;
	_ =	swait.ge @!p0 [sflag:s8], $0x0  }
0x24: {  	s3 =	sadd.s32 $0x88, s3;
	s6 =	simm.s32 @!p1 $0x1082;
	[sflag:s4] =	ssyncset.s32 $0xFFFFF086  }
0x25: {  	[simem:s6], [sflag:s4] =	dma.local [hbm:s3], $0xF7A  }
0x26: {  	[smem:$0x3F95] =	sst s1;
	(tag) =	ssettag s2;
	_ =	strace s9  }
0x27: {  	s1 =	sld [smem:$0x3FA5]  }
0x28: {  	s2 =	sld [smem:$0x3FA6]  }
0x29: {  	s4 =	sld [smem:$0x3FA8]  }
0x2a: {  	p0 =	seq.s32 s5, $0x0;
	s5 =	sld [smem:$0x3FA9]  }
0x2b: {  	s6 =	sld [smem:$0x3FAA]  }
0x2c: {  	s7 =	sld [smem:$0x3FAB]  }
0x2d: {  	s3 =	simm.s32 $0x108;
	s8 =	sld [smem:$0x3FAC]  }
0x2e: {  	s3 =	simm.s32 @!p0 $0x1082;
	s9 =	sld [smem:$0x3FAD]  }
0x2f: {  	lr =	sadd.s32 s0, s3;
	s0 =	sld [smem:$0x3FA4]  }
0x30: {  	s3 =	sld [smem:$0x3FA7]  }
0x31: {  	[smem:$0x3FB0] =	sst s10  }
0x32: {  	s10 =	sld [smem:$0x3FAE];
	_ =	sdelay $0x3  }
0x33: {  	p0 =	seq.s32 s10, $0x1;
	s10 =	sld [smem:$0x3FB0];
	_ =	sdelay $0x3  }
0x34: {  	[smem:$0x3FB0] =	sst s10  }
0x35: {  	s10 =	sld [smem:$0x3FAF];
	_ =	sdelay $0x3  }
0x36: {  	p1 =	seq.s32 s10, $0x1;
	s10 =	sld [smem:$0x3FB0];
	_ =	sdelay $0x3  }
0x37: {  	[smem:$0x3FB0] =	sst s10  }
0x38: {  	s10 =	sld [smem:$0x3FB1]  }
0x39: {  	_ = 	snop;
	(pc) =	sbr.ind lr, $3  }
0x3a: {  	_ = 	snop  }
0x3b: {  	_ = 	snop  }
0x3c: {  	p2 =	seq.s32 s10, $0x1;
	s10 =	sld [smem:$0x3FB0]  }
0x3d: {  	_ =	shalt  }
0x3e: {  	_ =	shalt  }
0x3f: {  	_ =	shalt  }
0x40: {  	_ =	shalt  }
0x41: {  	_ =	shalt  }
0x42: {  	_ =	shalt  }
0x43: {  	_ =	shalt  }
0x44: {  	_ =	shalt  }
0x45: {  	_ =	shalt  }
0x46: {  	_ =	shalt  }
0x47: {  	_ =	shalt  }
0x48: {  	_ =	shalt  }
0x49: {  	_ =	shalt  }
0x4a: {  	_ =	shalt  }
0x4b: {  	_ =	shalt  }
0x4c: {  	_ =	shalt  }
0x4d: {  	_ =	shalt  }
0x4e: {  	_ =	shalt  }
0x4f: {  	_ =	shalt  }
0x50: {  	_ =	shalt  }
0x51: {  	_ =	shalt  }
0x52: {  	_ =	shalt  }
0x53: {  	_ =	shalt  }
0x54: {  	_ =	shalt  }
0x55: {  	_ =	shalt  }
0x56: {  	_ =	shalt  }
0x57: {  	_ =	shalt  }
0x58: {  	_ =	shalt  }
0x59: {  	_ =	shalt  }
0x5a: {  	_ =	shalt  }
0x5b: {  	_ =	shalt  }
0x5c: {  	_ =	shalt  }
0x5d: {  	_ =	shalt  }
0x5e: {  	_ =	shalt  }
0x5f: {  	_ =	shalt  }
0x60: {  	_ =	shalt  }
0x61: {  	_ =	shalt  }
0x62: {  	_ =	shalt  }
0x63: {  	_ =	shalt  }
0x64: {  	_ =	shalt  }
0x65: {  	_ =	shalt  }
0x66: {  	_ =	shalt  }
0x67: {  	_ =	shalt  }
0x68: {  	_ =	shalt  }
0x69: {  	_ =	shalt  }
0x6a: {  	_ =	shalt  }
0x6b: {  	_ =	shalt  }
0x6c: {  	_ =	shalt  }
0x6d: {  	_ =	shalt  }
0x6e: {  	_ =	shalt  }
0x6f: {  	_ =	shalt  }
0x70: {  	_ =	shalt  }
0x71: {  	_ =	shalt  }
0x72: {  	_ =	shalt  }
0x73: {  	_ =	shalt  }
0x74: {  	_ =	shalt  }
0x75: {  	_ =	shalt  }
0x76: {  	_ =	shalt  }
0x77: {  	_ =	shalt  }
0x78: {  	_ =	shalt  }
0x79: {  	_ =	shalt  }
0x7a: {  	_ =	shalt  }
0x7b: {  	_ =	shalt  }
0x7c: {  	_ =	shalt  }
0x7d: {  	_ =	shalt  }
0x7e: {  	_ =	shalt  }
0x7f: {  	_ =	shalt  }
0x80: {  	_ =	shalt  }
0x81: {  	_ =	shalt  }
0x82: {  	_ =	shalt  }
0x83: {  	_ =	shalt  }
0x84: {  	_ =	shalt  }
0x85: {  	_ =	shalt  }
0x86: {  	_ =	shalt  }
0x87: {  	_ =	shalt  }
.Lfunc_end0:
.L_simem_size_0:
called_computation.3_lowered:
.L_overlay_start_0:
0x88: {  	s2 =	sld [smem:$0x3FD9]  }
0x89: {  	s3 =	sld [smem:$0x3FFE];
	_ =	sdelay $0x1  }
0x8a: {  	s1 =	srdreg.scid  }
0x8b: {  	s0 =	sand.u32 $0x1, s1  }
0x8c: {  	s16 =	sshll.u32 s0, $0xA;
	s2 =	sadd.s32 s3, s2  }
0x8d: {  	s2 =	sadd.s32 s2, s16  }
0x8e: {  	[smem:$0x3FBC] =	sst s2  }
0x8f: {  	_ = 	snop  }
0x90: {  	(tm) =	ssettm $0x1  }
0x91: {  	s17 =	sld [smem:$0x3FFB];
	_ =	sdelay $0x3  }
0x92: {  	_ =	strace s17  }
0x93: {  	s2 =	sld [smem:$0x3FFC];
	_ =	sdelay $0x3  }
0x94: {  	_ =	strace s2  }
0x95: {  	s2 =	sld [smem:$0x3FFD];
	_ =	sdelay $0x3  }
0x96: {  	_ =	strace s2  }
0x97: {  	_ =	strace $0x8FFFFFFF  }
0x98: {  	s18 =	sld [smem:$0x3FDB];
	_ =	sdelay $0x1  }
0x99: {  	s19 =	simm.s32 $_scs_section_size  }
0x9a: {  	s4 =	simm.s32 $_size__tile_overlayer_lowered;
	s5 =	simm.s32 $_tile_overlayer_lowered  }
0x9b: {  	s22 =	simm.s32 $0x1BFF;
	s21 =	sshll.u32 s5, $0x1;
	s2 =	sadd.s32 s19, s18  }
0x9c: {  	s6 =	simm.s32 $0x0;
	s20 =	sshll.u32 s4, $0x1;
	s4 =	sadd.s32 s21, s2  }
0x9d: {  	[timem:s6], [sflag:s22] =	dma.local [hbm:s4], s20  }
0x9e: {  	_ =	swait.ge [sflag:s22], s20  }
0x9f: {  	s3 =	ssub.s32 $0x0, s20;
	[sflag:s22] =	ssyncset.done $0x0  }
0xa0: {  	[sflag:s22] =	ssyncadd.s32 s3;
	_ =	sdelay $0x1  }
0xa1: {  	s23 =	simm.s32 $0x1B8B  }
0xa2: {  	_ =	swait.ge [sflag:s23], $0x1  }
0xa3: {  	[sflag:s23] =	ssyncset.done $0x0  }
0xa4: {  	s25 =	simm.s32 $0x1B8E;
	s24 =	sld [smem:$0x3FFE];
	[sflag:s23] =	ssyncadd.s32 $0xFFFFFFFF  }
0xa5: {  	s26 =	simm.s32 $execute0_lowered;
	[smem:$0x3FD2] =	sst s25  }
0xa6: {  	s4 =	sshll.u32 s26, $0x1;
	_ =	strace $0x8000004F;
	[dreg:$0x1] =	wrdreg $0xFFFFFFFF  }
0xa7: {  	s28 =	simm.s32 $_size_execute0_lowered;
	s2 =	sadd.s32 s2, s4;
	[dreg:$0x0] =	wrdreg $0x0  }
0xa8: {  	s4 =	sshll.u32 s28, $0x1;
	[dreg:$0x2] =	wrdreg s2  }
0xa9: {  	[dreg:$0x3] =	wrdreg s4  }
0xaa: {  	[dreg:$0x4] =	wrdreg $0xC0  }
0xab: {  	_ =	task [dreg:s6], $0x5FFFF  }
0xac: {  	[dreg:$0x1] =	wrdreg $0xFFFFFFFF  }
0xad: {  	[dreg:$0x0] =	wrdreg $0x60  }
0xae: {  	[dreg:$0x2] =	wrdreg s24  }
0xaf: {  	[dreg:$0x3] =	wrdreg $0xC5000  }
0xb0: {  	[dreg:$0x4] =	wrdreg $0x9  }
0xb1: {  	_ =	task.clear_ibuf [dreg:s6], $0x5FFFF;
	_ =	strace $0x9000004F  }
0xb2: {  	s29 =	simm.s32 $0x9;
	_ =	strace $0x80000051  }
0xb3: {  	_ =	swait.ge [sflag:s29], $0x1  }
0xb4: {  	[sflag:s29] =	ssyncadd.s32 $0xFFFFFFFF  }
0xb5: {  	_ =	strace $0x90000051  }
0xb6: {  	_ =	sfence  }
0xb7: {  	s30 =	sld [smem:$0x0];
	_ =	sdelay $0x2  }
0xb8: {  	s31 =	sshll.u32 s1, $0xD;
	s1 =	sshrl.u32 s1, $0x2  }
0xb9: {  	s3 =	sand.u32 $0x4000, s31;
	s1 =	sadd.s32 s1, s30  }
0xba: {  	s0 =	sor.u32 s3, s0;
	s1 =	sshll.u32 s1, $0x11  }
0xbb: {  	s0 =	sor.u32 s1, s0  }
0xbc: {  	s0 =	sadd.s32 $0x8F2B, s0  }
0xbd: {  	[sflag:s0] =	ssyncadd.remote.s32 $0x1  }
0xbe: {  	_ =	sfence.sel $0xFFFF  }
0xbf: {  	[dreg:$0x0] =	wrdreg $0xFFFFFFFF;
	(pc) =	sbr.abs _section_cstart, $3  }
0xc0: {  	[dreg:$0x1] =	wrdreg $0xFFFFFFFF  }
0xc1: {  	_ =	task.clear_ibuf [dreg:s6], $0x2FFFF;
	_ =	strace $0x9FFFFFFF  }
0xc2: {  	(tm) =	ssettm $0x7FFFFFFF  }
0xc3: {  	_ =	shalt  }
tec
execute0_lowered:
.L_overlay_start_1:
0x0: {  	(tag) =	ssettag $0x1  }
0x1: {  	s0 =	srdreg.scid;
	s6 =	rddreg [dreg:$0x0]  }
0x2: {  	s2 =	rddreg [dreg:$0x1];
	s3 =	simm.s32 $0x0;
	s16 =	simm.s32 $0x64  }
0x3: {  	s17 =	simm.s32 $0x5D00;
	s18 =	simm.s32 $0x1;
	s19 =	simm.s32 $0x9100  }
0x4: {  	s20 =	simm.s32 $0x2;
	s21 =	simm.s32 $0x2838;
	s22 =	simm.s32 $0x5A00  }
0x5: {  	s23 =	simm.s32 $0x5A80;
	s24 =	simm.s32 $0x0;
	s5 =	sand.u32 $0x1, s0  }
0x6: {  	s0 =	stileid.u32;
	[smem:$0x7FF] =	sst s3;
	s10 =	sadd.s32 $0x1C600, s6  }
0x7: {  	s11 =	sadd.s32 $0x6AA00, s6;
	s13 =	sadd.s32 $0x91C00, s6;
	s1 =	sshll.u32 s5, $0x4  }
0x8: {  	s8 =	sshll.u32 s0, $0x7;
	s9 =	smul.u32 $0x278, s0;
	s12 =	ssub.s32 $0x2, s5  }
0x9: {  	p0 =	seq.s32 s5, $0x0;
	s31 =	sshll.u32 s0, $0x6;
	s4 =	sor.u32 s0, s1  }
0xa: {  	s1 =	rddreg [dreg:$0x2];
	s8 =	sand.u32 $0x380, s8;
	_ =	strace $0x80000050  }
0xb: {  	s30 =	sshrl.u32 s12, $0x1;
	s13 =	smov.u32 @p0 s11;
	s7 =	sshrl.u32 s4, $0x3  }
0xc: {  	s29 =	smul.u32 $0x680, s4;
	s4 =	sadd.s32 $0x43800, s6;
	s9 =	smin.u32 s9, $0x2498  }
0xd: {  	s12 =	ssub.s32 s12, s30;
	s7 =	smul.u32 $0x14800, s7;
	s14 =	sshll.u32 s9, $0x7  }
0xe: {  	s15 =	sshll.u32 s9, $0x4;
	s10 =	smov.u32 @p0 s4;
	s9 =	sor.u32 $0x1C03, s31  }
0xf: {  	s14 =	sadd.s32 s14, s2;
	s7 =	sor.u32 s8, s7;
	s8 =	sadd.s32 s29, s6  }
0x10: {  	s11 =	sshrl.u32 s14, $0x3;
	s14 =	simm.s32 $0x400;
	s7 =	sshrl.u32 s7, $0x3  }
0x11: {  	s7 =	sadd.s32 s7, s6;
	s6 =	sadd.s32 $0xF600, s8;
	s8 =	sadd.s32 s10, s15  }
0x12: {  	s10 =	sadd.s32 s13, s15;
	s13 =	simm.s32 $0x80;
	s15 =	simm.s32 $0x2900  }
0x13: {  	s5 =	sadd.s32 $0x5200, s7;
	s7 =	smax.u32 s12, $0x1;
	s12 =	simm.s32 $0x3  }
.LBB2_1:
0x14: {  	[spmem:s11], [sflag:s9] =	dma.local [hbm:s8], $0x2780  }
0x15: {  	_ =	swait.ge [sflag:s12], $0x2780  }
0x16: {  	[sflag:s12] =	ssyncset.done $0x0  }
0x17: {  	[sflag:s12] =	ssyncadd.s32 $0xFFFFD880  }
0x18: {  	[bflag:$0x0] =	sbarrier.arrive $0xFFFF  }
0x19: {  	[tilespmem:s3], [sflag:$0x3] =	stream.strided.gather [hbm4b:s5+s13], $0x2900, s14, s13, $0x38;
	[tilespmem:$0x1FD80] =	vst v63  }
0x1a: {  	_ =	swait.ge [sflag:s12], $0x2900  }
0x1b: {  	[sflag:s12] =	ssyncset.done $0x0  }
0x1c: {  	[sflag:s12] =	ssyncadd.s32 $0xFFFFD700  }
0x1d: {  	[tilespmem:s15], [sflag:$0x3] =	stream.linear.gather [hbm4b:s6+s3], $0x3200, $0x38;
	[tilespmem:$0x1FD80] =	vst v63  }
0x1e: {  	_ =	swait.ge [sflag:s12], $0x3200  }
0x1f: {  	[sflag:s12] =	ssyncset.done $0x0  }
0x20: {  	[sflag:s12] =	ssyncadd.s32 $0xFFFFCE00  }
0x21: {  	[tilespmem:s17], [sflag:$0x1] =	stream.indirect.gather [hbm4b:s4+s16], $0x80, s3, s16, $0xb8;
	[tilespmem:$0x1FD80] =	vst v63  }
0x22: {  	_ =	swait.ge [sflag:s18], $0x3200  }
0x23: {  	[sflag:s18] =	ssyncset.done $0x0  }
0x24: {  	s25 =	simm.s32 $0x68;
	[sflag:s18] =	ssyncadd.s32 $0xFFFFCE00  }
0x25: {  	[tilespmem:s19], [sflag:$0x2] =	stream.indirect.gather [hbm4b:s4+s16], $0x80, s25, s16, $0xb8;
	[tilespmem:$0x1FD80] =	vst v63  }
0x26: {  	s26 =	simm.s32 $0x2900  }
0x27: {  	[spmem:s2] =	stream.indirect.scatter.add.f32 [tilespmem:s17], [sflag:$0x3], $0x80, s26, s16, $0xb8;
	[tilespmem:$0x1FD80] =	vst v63  }
0x28: {  	_ =	swait.ge [sflag:s12], $0x3200  }
0x29: {  	[sflag:s12] =	ssyncset.done $0x0  }
0x2a: {  	s30 =	simm.s32 $0xD0;
	[sflag:s12] =	ssyncadd.s32 $0xFFFFCE00  }
0x2b: {  	[tilespmem:s17], [sflag:$0x1] =	stream.indirect.gather [hbm4b:s4+s16], $0x80, s30, s16, $0xb8;
	[tilespmem:$0x1FD80] =	vst v63  }
0x2c: {  	_ =	swait.ge [sflag:s20], $0x3200  }
0x2d: {  	[sflag:s20] =	ssyncset.done $0x0  }
0x2e: {  	s31 =	simm.s32 $0x2980;
	[sflag:s20] =	ssyncadd.s32 $0xFFFFCE00  }
0x2f: {  	[spmem:s2] =	stream.indirect.scatter.add.f32 [tilespmem:s19], [sflag:$0x3], $0x80, s31, s16, $0xb8;
	[tilespmem:$0x1FD80] =	vst v63  }
0x30: {  	_ =	swait.ge [sflag:s12], $0x3200  }
0x31: {  	s26 =	simm.s32 $0x400;
	[sflag:s12] =	ssyncset.done $0x0  }
.LBB2_2:
0x32: {  	p0 =	sne.s32 s26, $0xC000;
	[sflag:s12] =	ssyncadd.s32 $0xFFFFCE00;
	s25 =	sadd.s32 $0xD0, s25  }
0x33: {  	s28 =	smov.u32 s26;
	s26 =	sadd.s32 $0x400, s26;
	_ =	swait.ge [sflag:s18], $0x3200  }
0x34: {  	[sflag:s18] =	ssyncset.done $0x0  }
0x35: {  	s28 =	sshra.s32 s28, $0x2;
	[sflag:s18] =	ssyncadd.s32 $0xFFFFCE00  }
0x36: {  	[tilespmem:s19], [sflag:$0x2] =	stream.indirect.gather [hbm4b:s4+s16], $0x80, s25, s16, $0xb8;
	[tilespmem:$0x1FD80] =	vst v63  }
0x37: {  	s29 =	sadd.s32 $0x2900, s28  }
0x38: {  	[spmem:s2] =	stream.indirect.scatter.add.f32 [tilespmem:s17], [sflag:$0x3], $0x80, s29, s16, $0xb8;
	[tilespmem:$0x1FD80] =	vst v63  }
0x39: {  	_ =	swait.ge [sflag:s12], $0x3200  }
0x3a: {  	[sflag:s12] =	ssyncset.done $0x0  }
0x3b: {  	s29 =	sadd.s32 $0x68, s25;
	[sflag:s12] =	ssyncadd.s32 $0xFFFFCE00  }
0x3c: {  	[tilespmem:s17], [sflag:$0x1] =	stream.indirect.gather [hbm4b:s4+s16], $0x80, s29, s16, $0xb8;
	[tilespmem:$0x1FD80] =	vst v63  }
0x3d: {  	_ =	swait.ge [sflag:s20], $0x3200  }
.Ltmp0:
0x3e: {  	[sflag:s20] =	ssyncset.done $0x0;
	(pc) =	sbr.rel @p0 .LBB2_2-.Ltmp0, $4  }
0x3f: {  	s28 =	sadd.s32 $0x2980, s28;
	[sflag:s20] =	ssyncadd.s32 $0xFFFFCE00  }
0x40: {  	[spmem:s2] =	stream.indirect.scatter.add.f32 [tilespmem:s19], [sflag:$0x3], $0x80, s28, s16, $0xb8;
	[tilespmem:$0x1FD80] =	vst v63  }
0x41: {  	_ =	swait.ge [sflag:s12], $0x3200  }
0x42: {  	[sflag:s12] =	ssyncset.done $0x0  }
0x43: {  	[sflag:s12] =	ssyncadd.s32 $0xFFFFCE00  }
0x44: {  	_ =	swait.ge [sflag:s18], $0x3200  }
0x45: {  	[sflag:s18] =	ssyncset.done $0x0  }
0x46: {  	[sflag:s18] =	ssyncadd.s32 $0xFFFFCE00  }
0x47: {  	[tilespmem:s19], [sflag:$0x2] =	stream.indirect.gather [hbm4b:s4+s16], $0x80, s21, s16, $0xb8;
	[tilespmem:$0x1FD80] =	vst v63  }
0x48: {  	_ = 	snop  }
0x49: {  	[spmem:s2] =	stream.indirect.scatter.add.f32 [tilespmem:s17], [sflag:$0x3], $0x80, s22, s16, $0xb8;
	[tilespmem:$0x1FD80] =	vst v63  }
0x4a: {  	_ =	swait.ge [sflag:s12], $0x3200  }
0x4b: {  	[sflag:s12] =	ssyncset.done $0x0  }
0x4c: {  	[sflag:s12] =	ssyncadd.s32 $0xFFFFCE00  }
0x4d: {  	_ =	swait.ge [sflag:s20], $0x3200  }
0x4e: {  	[sflag:s20] =	ssyncset.done $0x0  }
0x4f: {  	[sflag:s20] =	ssyncadd.s32 $0xFFFFCE00  }
0x50: {  	[spmem:s2] =	stream.indirect.scatter.add.f32 [tilespmem:s19], [sflag:$0x3], $0x80, s23, s16, $0xb8;
	[tilespmem:$0x1FD80] =	vst v63  }
0x51: {  	_ =	swait.ge [sflag:s12], $0x3200  }
0x52: {  	s24 =	sadd.s32 $0x1, s24;
	[sflag:s12] =	ssyncset.done $0x0  }
0x53: {  	p0 =	sne.s32 s24, s7;
	[sflag:s12] =	ssyncadd.s32 $0xFFFFCE00  }
.Ltmp1:
0x54: {  	[bflag:$0x0] =	sbarrier.arrive $0xFFFF;
	(pc) =	sbr.rel @p0 .LBB2_1-.Ltmp1, $4  }
0x55: {  	[hbm:s10], [sflag:s9] =	dma.local [spmem:s11], $0x2780  }
0x56: {  	_ =	swait.ge [sflag:s12], $0x2780  }
0x57: {  	[sflag:s12] =	ssyncset.done $0x0  }
0x58: {  	[sflag:s12] =	ssyncadd.s32 $0xFFFFD880  }
0x59: {  	_ =	sfence.sel $0x180000  }
0x5a: {  	[bflag:$0x0] =	sbarrier.arrive $0xFFFF  }
0x5b: {  	p0 =	sne.s32 s0, $0x0;
	_ =	strace $0x90000050  }
0x5c: {  	s0 =	sadd.s32 @!p0 $0x100000, s1;
	[bflag:$0x2] =	sbarrier.arrive $0xFFFF  }
0x5d: {  	[sflag:s0] =	ssyncadd.tile.s32 @!p0 $0x1;
	_ =	shalt  }
.Lfunc_end2:
_tile_overlayer_lowered:
.L_overlay_start_2:
0x5e: {  	(tag) =	ssettag $0x2  }
0x5f: {  	s0 =	rddreg [dreg:$0x0];
	s2 =	stileid.u32  }
0x60: {  	s1 =	rddreg [dreg:$0x1];
	p0 =	sne.s32 s2, $0x0  }
0x61: {  	s3 =	rddreg [dreg:$0x2];
	[bflag:$0x3] =	sbarrier.arrive $0xFFFF;
	s2 =	simm.s32 @!p0 $0x1C03  }
0x62: {  	[timem:s3], [sflag:s2] =	dma.local @!p0 [hbm:s0], s1  }
0x63: {  	s0 =	simm.s32 @!p0 $0x3  }
0x64: {  	_ =	swait.ge @!p0 [sflag:s0], s1  }
0x65: {  	s1 =	ssub.s32 @!p0 $0x0, s1;
	[sflag:s0] =	ssyncset.done @!p0 $0x0  }
0x66: {  	[sflag:s0] =	ssyncadd.s32 @!p0 s1  }
0x67: {  	[bflag:$0x3] =	sbarrier.arrive $0xFFFF  }
0x68: {  	_ =	shalt  }

// kernel: kernel.24.cloned.1.call-start
scs
__scs_entry_jumppad:
0x0: {  	(pc) =	sbr.rel $0x88, $3  }
0x1: {  	(tag) =	ssettag $0x0;
	lr =	simm.s32 $0x1  }
0x2: {  	[smem:$0x3F95] =	sst lr;
	_ =	strace $0xD0000000  }
0x3: {  	_ = 	snop  }
0x4: {  	_ = 	snop  }
0x5: {  	_ = 	snop  }
0x6: {  	_ = 	snop  }
0x7: {  	_ = 	snop  }
__scs_overlays_trampoline_lowered:
0x8: {  	[smem:$0x3FA4] =	sst s0  }
0x9: {  	[smem:$0x3FA5] =	sst s1  }
0xa: {  	[smem:$0x3FA6] =	sst s2  }
0xb: {  	[smem:$0x3FA7] =	sst s3  }
0xc: {  	[smem:$0x3FA8] =	sst s4  }
0xd: {  	[smem:$0x3FA9] =	sst s5  }
0xe: {  	[smem:$0x3FAA] =	sst s6  }
0xf: {  	[smem:$0x3FAB] =	sst s7  }
0x10: {  	[smem:$0x3FAC] =	sst s8  }
0x11: {  	[smem:$0x3FAD] =	sst s9;
	s0 =	simm.s32 @!p0 $0x0  }
0x12: {  	s1 =	sld [smem:$0x3F93];
	s0 =	simm.s32 @p0 $0x1  }
0x13: {  	[smem:$0x3FAE] =	sst s0;
	s0 =	simm.s32 @!p1 $0x0  }
0x14: {  	s2 =	sld [smem:$0x3F92];
	s0 =	simm.s32 @p1 $0x1  }
0x15: {  	[smem:$0x3FAF] =	sst s0;
	s0 =	simm.s32 @!p2 $0x0  }
0x16: {  	s3 =	sld [smem:$0x3FDB];
	s0 =	simm.s32 @p2 $0x1  }
0x17: {  	s4 =	simm.s32 $0x1BF5;
	[smem:$0x3FB1] =	sst s0  }
0x18: {  	s0 =	sld [smem:$0x3F94];
	_ =	swait.ge [sflag:s4], $0x0  }
0x19: {  	s7 =	sld [smem:$0x3F95]  }
0x1a: {  	s8 =	sadd.s32 $0xFFFFE003, lr  }
0x1b: {  	s9 =	sadd.s32 $0xFFFFFEF7, lr;
	s5 =	simm.s32 $0xFFFFFFFF;
	p2 =	slt.u32 s8, $0xFFFFF086  }
0x1c: {  	p1 =	slt.u32 s9, $0xF7A;
	s5 =	simm.s32 @!p2 $0x0  }
0x1d: {  	s5 =	simm.s32 @p1 $0x1;
	p0 =	seq.s32 s7, s2  }
0x1e: {  	s7 =	smul.u32 @!p0 $0xF7A, s2;
	p2 =	seq.s32 @!p0 s5, $0x0  }
0x1f: {  	s9 =	smul.u32 $0xF7A, s1;
	s8 =	simm.s32 @!p0 $0x1BF5;
	p2 =	por !p2, p0  }
0x20: {  	[sflag:s8] =	ssyncset.s32 @!p0 $0xFFFFF086;
	s6 =	sadd.s32 @!p0 s3, s7;
	s7 =	simm.s32 @!p0 $0x108  }
0x21: {  	s3 =	sadd.s32 s3, s9;
	s6 =	sadd.s32 @!p0 $0x88, s6;
	s7 =	simm.s32 @p2 $0x1082  }
0x22: {  	[simem:s7], [sflag:s8] =	dma.local @!p0 [hbm:s6], $0xF7A  }
0x23: {  	s9 =	sor.u32 $0xD0000000, s2;
	s6 =	simm.s32 $0x108;
	_ =	swait.ge @!p0 [sflag:s8], $0x0  }
0x24: {  	s3 =	sadd.s32 $0x88, s3;
	s6 =	simm.s32 @!p1 $0x1082;
	[sflag:s4] =	ssyncset.s32 $0xFFFFF086  }
0x25: {  	[simem:s6], [sflag:s4] =	dma.local [hbm:s3], $0xF7A  }
0x26: {  	[smem:$0x3F95] =	sst s1;
	(tag) =	ssettag s2;
	_ =	strace s9  }
0x27: {  	s1 =	sld [smem:$0x3FA5]  }
0x28: {  	s2 =	sld [smem:$0x3FA6]  }
0x29: {  	s4 =	sld [smem:$0x3FA8]  }
0x2a: {  	p0 =	seq.s32 s5, $0x0;
	s5 =	sld [smem:$0x3FA9]  }
0x2b: {  	s6 =	sld [smem:$0x3FAA]  }
0x2c: {  	s7 =	sld [smem:$0x3FAB]  }
0x2d: {  	s3 =	simm.s32 $0x108;
	s8 =	sld [smem:$0x3FAC]  }
0x2e: {  	s3 =	simm.s32 @!p0 $0x1082;
	s9 =	sld [smem:$0x3FAD]  }
0x2f: {  	lr =	sadd.s32 s0, s3;
	s0 =	sld [smem:$0x3FA4]  }
0x30: {  	s3 =	sld [smem:$0x3FA7]  }
0x31: {  	[smem:$0x3FB0] =	sst s10  }
0x32: {  	s10 =	sld [smem:$0x3FAE];
	_ =	sdelay $0x3  }
0x33: {  	p0 =	seq.s32 s10, $0x1;
	s10 =	sld [smem:$0x3FB0];
	_ =	sdelay $0x3  }
0x34: {  	[smem:$0x3FB0] =	sst s10  }
0x35: {  	s10 =	sld [smem:$0x3FAF];
	_ =	sdelay $0x3  }
0x36: {  	p1 =	seq.s32 s10, $0x1;
	s10 =	sld [smem:$0x3FB0];
	_ =	sdelay $0x3  }
0x37: {  	[smem:$0x3FB0] =	sst s10  }
0x38: {  	s10 =	sld [smem:$0x3FB1]  }
0x39: {  	_ = 	snop;
	(pc) =	sbr.ind lr, $3  }
0x3a: {  	_ = 	snop  }
0x3b: {  	_ = 	snop  }
0x3c: {  	p2 =	seq.s32 s10, $0x1;
	s10 =	sld [smem:$0x3FB0]  }
0x3d: {  	_ =	shalt  }
0x3e: {  	_ =	shalt  }
0x3f: {  	_ =	shalt  }
0x40: {  	_ =	shalt  }
0x41: {  	_ =	shalt  }
0x42: {  	_ =	shalt  }
0x43: {  	_ =	shalt  }
0x44: {  	_ =	shalt  }
0x45: {  	_ =	shalt  }
0x46: {  	_ =	shalt  }
0x47: {  	_ =	shalt  }
0x48: {  	_ =	shalt  }
0x49: {  	_ =	shalt  }
0x4a: {  	_ =	shalt  }
0x4b: {  	_ =	shalt  }
0x4c: {  	_ =	shalt  }
0x4d: {  	_ =	shalt  }
0x4e: {  	_ =	shalt  }
0x4f: {  	_ =	shalt  }
0x50: {  	_ =	shalt  }
0x51: {  	_ =	shalt  }
0x52: {  	_ =	shalt  }
0x53: {  	_ =	shalt  }
0x54: {  	_ =	shalt  }
0x55: {  	_ =	shalt  }
0x56: {  	_ =	shalt  }
0x57: {  	_ =	shalt  }
0x58: {  	_ =	shalt  }
0x59: {  	_ =	shalt  }
0x5a: {  	_ =	shalt  }
0x5b: {  	_ =	shalt  }
0x5c: {  	_ =	shalt  }
0x5d: {  	_ =	shalt  }
0x5e: {  	_ =	shalt  }
0x5f: {  	_ =	shalt  }
0x60: {  	_ =	shalt  }
0x61: {  	_ =	shalt  }
0x62: {  	_ =	shalt  }
0x63: {  	_ =	shalt  }
0x64: {  	_ =	shalt  }
0x65: {  	_ =	shalt  }
0x66: {  	_ =	shalt  }
0x67: {  	_ =	shalt  }
0x68: {  	_ =	shalt  }
0x69: {  	_ =	shalt  }
0x6a: {  	_ =	shalt  }
0x6b: {  	_ =	shalt  }
0x6c: {  	_ =	shalt  }
0x6d: {  	_ =	shalt  }
0x6e: {  	_ =	shalt  }
0x6f: {  	_ =	shalt  }
0x70: {  	_ =	shalt  }
0x71: {  	_ =	shalt  }
0x72: {  	_ =	shalt  }
0x73: {  	_ =	shalt  }
0x74: {  	_ =	shalt  }
0x75: {  	_ =	shalt  }
0x76: {  	_ =	shalt  }
0x77: {  	_ =	shalt  }
0x78: {  	_ =	shalt  }
0x79: {  	_ =	shalt  }
0x7a: {  	_ =	shalt  }
0x7b: {  	_ =	shalt  }
0x7c: {  	_ =	shalt  }
0x7d: {  	_ =	shalt  }
0x7e: {  	_ =	shalt  }
0x7f: {  	_ =	shalt  }
0x80: {  	_ =	shalt  }
0x81: {  	_ =	shalt  }
0x82: {  	_ =	shalt  }
0x83: {  	_ =	shalt  }
0x84: {  	_ =	shalt  }
0x85: {  	_ =	shalt  }
0x86: {  	_ =	shalt  }
0x87: {  	_ =	shalt  }
.Lfunc_end0:
.L_simem_size_0:
called_computation.4_lowered:
.L_overlay_start_0:
0x88: {  	s2 =	sld [smem:$0x3FD9]  }
0x89: {  	s3 =	sld [smem:$0x3FFE];
	_ =	sdelay $0x1  }
0x8a: {  	s1 =	srdreg.scid  }
0x8b: {  	s0 =	sand.u32 $0x1, s1  }
0x8c: {  	s16 =	sshll.u32 s0, $0xA;
	s2 =	sadd.s32 s3, s2  }
0x8d: {  	s2 =	sadd.s32 s2, s16  }
0x8e: {  	[smem:$0x3FBC] =	sst s2  }
0x8f: {  	_ = 	snop  }
0x90: {  	(tm) =	ssettm $0x1  }
0x91: {  	s17 =	sld [smem:$0x3FFB];
	_ =	sdelay $0x3  }
0x92: {  	_ =	strace s17  }
0x93: {  	s2 =	sld [smem:$0x3FFC];
	_ =	sdelay $0x3  }
0x94: {  	_ =	strace s2  }
0x95: {  	s2 =	sld [smem:$0x3FFD];
	_ =	sdelay $0x3  }
0x96: {  	_ =	strace s2  }
0x97: {  	_ =	strace $0x8FFFFFFF  }
0x98: {  	s18 =	sld [smem:$0x3FDB];
	_ =	sdelay $0x1  }
0x99: {  	s19 =	simm.s32 $_scs_section_size  }
0x9a: {  	s4 =	simm.s32 $_size__tile_overlayer_lowered;
	s5 =	simm.s32 $_tile_overlayer_lowered  }
0x9b: {  	s22 =	simm.s32 $0x1BFF;
	s21 =	sshll.u32 s5, $0x1;
	s2 =	sadd.s32 s19, s18  }
0x9c: {  	s6 =	simm.s32 $0x0;
	s20 =	sshll.u32 s4, $0x1;
	s4 =	sadd.s32 s21, s2  }
0x9d: {  	[timem:s6], [sflag:s22] =	dma.local [hbm:s4], s20  }
0x9e: {  	_ =	swait.ge [sflag:s22], s20  }
0x9f: {  	s3 =	ssub.s32 $0x0, s20;
	[sflag:s22] =	ssyncset.done $0x0  }
0xa0: {  	[sflag:s22] =	ssyncadd.s32 s3;
	_ =	sdelay $0x1  }
0xa1: {  	s23 =	simm.s32 $0x1B8B  }
0xa2: {  	_ =	swait.ge [sflag:s23], $0x1  }
0xa3: {  	[sflag:s23] =	ssyncset.done $0x0  }
0xa4: {  	s25 =	simm.s32 $0x1B8E;
	s24 =	sld [smem:$0x3FFE];
	[sflag:s23] =	ssyncadd.s32 $0xFFFFFFFF  }
0xa5: {  	s26 =	simm.s32 $execute0_lowered;
	[smem:$0x3FD2] =	sst s25  }
0xa6: {  	s4 =	sshll.u32 s26, $0x1;
	_ =	strace $0x80000052;
	[dreg:$0x1] =	wrdreg $0xFFFFFFFF  }
0xa7: {  	s28 =	simm.s32 $_size_execute0_lowered;
	s2 =	sadd.s32 s2, s4;
	[dreg:$0x0] =	wrdreg $0x0  }
0xa8: {  	s4 =	sshll.u32 s28, $0x1;
	[dreg:$0x2] =	wrdreg s2  }
0xa9: {  	[dreg:$0x3] =	wrdreg s4  }
0xaa: {  	[dreg:$0x4] =	wrdreg $0xC0  }
0xab: {  	_ =	task [dreg:s6], $0x5FFFF  }
0xac: {  	[dreg:$0x1] =	wrdreg $0xFFFFFFFF  }
0xad: {  	[dreg:$0x0] =	wrdreg $0x60  }
0xae: {  	[dreg:$0x2] =	wrdreg s24  }
0xaf: {  	[dreg:$0x3] =	wrdreg $0xC5000  }
0xb0: {  	[dreg:$0x4] =	wrdreg $0x9  }
0xb1: {  	_ =	task.clear_ibuf [dreg:s6], $0x5FFFF;
	_ =	strace $0x90000052  }
0xb2: {  	s29 =	simm.s32 $0x9;
	_ =	strace $0x80000054  }
0xb3: {  	_ =	swait.ge [sflag:s29], $0x1  }
0xb4: {  	[sflag:s29] =	ssyncadd.s32 $0xFFFFFFFF  }
0xb5: {  	_ =	strace $0x90000054  }
0xb6: {  	_ =	sfence  }
0xb7: {  	s30 =	sld [smem:$0x0];
	_ =	sdelay $0x2  }
0xb8: {  	s31 =	sshll.u32 s1, $0xD;
	s1 =	sshrl.u32 s1, $0x2  }
0xb9: {  	s3 =	sand.u32 $0x4000, s31;
	s1 =	sadd.s32 s1, s30  }
0xba: {  	s0 =	sor.u32 s3, s0;
	s1 =	sshll.u32 s1, $0x11  }
0xbb: {  	s0 =	sor.u32 s1, s0  }
0xbc: {  	s0 =	sadd.s32 $0x8F2B, s0  }
0xbd: {  	[sflag:s0] =	ssyncadd.remote.s32 $0x1  }
0xbe: {  	_ =	sfence.sel $0xFFFF  }
0xbf: {  	[dreg:$0x0] =	wrdreg $0xFFFFFFFF;
	(pc) =	sbr.abs _section_cstart, $3  }
0xc0: {  	[dreg:$0x1] =	wrdreg $0xFFFFFFFF  }
0xc1: {  	_ =	task.clear_ibuf [dreg:s6], $0x2FFFF;
	_ =	strace $0x9FFFFFFF  }
0xc2: {  	(tm) =	ssettm $0x7FFFFFFF  }
0xc3: {  	_ =	shalt  }
tec
execute0_lowered:
.L_overlay_start_1:
0x0: {  	(tag) =	ssettag $0x1  }
0x1: {  	s0 =	srdreg.scid;
	s6 =	rddreg [dreg:$0x0]  }
0x2: {  	s2 =	rddreg [dreg:$0x1];
	s3 =	simm.s32 $0x0;
	s16 =	simm.s32 $0x64  }
0x3: {  	s17 =	simm.s32 $0x5D00;
	s18 =	simm.s32 $0x1;
	s19 =	simm.s32 $0x9100  }
0x4: {  	s20 =	simm.s32 $0x2;
	s21 =	simm.s32 $0x2838;
	s22 =	simm.s32 $0x5A00  }
0x5: {  	s23 =	simm.s32 $0x5A80;
	s24 =	simm.s32 $0x0;
	s5 =	sand.u32 $0x1, s0  }
0x6: {  	s0 =	stileid.u32;
	[smem:$0x7FF] =	sst s3;
	s10 =	sadd.s32 $0x1C600, s6  }
0x7: {  	s11 =	sadd.s32 $0x6AA00, s6;
	s13 =	sadd.s32 $0x91C00, s6;
	s1 =	sshll.u32 s5, $0x4  }
0x8: {  	s8 =	sshll.u32 s0, $0x7;
	s9 =	smul.u32 $0x278, s0;
	s12 =	ssub.s32 $0x2, s5  }
0x9: {  	p0 =	seq.s32 s5, $0x0;
	s31 =	sshll.u32 s0, $0x6;
	s4 =	sor.u32 s0, s1  }
0xa: {  	s1 =	rddreg [dreg:$0x2];
	s8 =	sand.u32 $0x380, s8;
	_ =	strace $0x80000053  }
0xb: {  	s30 =	sshrl.u32 s12, $0x1;
	s13 =	smov.u32 @p0 s11;
	s7 =	sshrl.u32 s4, $0x3  }
0xc: {  	s29 =	smul.u32 $0x680, s4;
	s4 =	sadd.s32 $0x43800, s6;
	s9 =	smin.u32 s9, $0x2498  }
0xd: {  	s12 =	ssub.s32 s12, s30;
	s7 =	smul.u32 $0x14800, s7;
	s14 =	sshll.u32 s9, $0x7  }
0xe: {  	s15 =	sshll.u32 s9, $0x4;
	s10 =	smov.u32 @p0 s4;
	s9 =	sor.u32 $0x1C03, s31  }
0xf: {  	s14 =	sadd.s32 s14, s2;
	s7 =	sor.u32 s8, s7;
	s8 =	sadd.s32 s29, s6  }
0x10: {  	s11 =	sshrl.u32 s14, $0x3;
	s14 =	simm.s32 $0x400;
	s7 =	sshrl.u32 s7, $0x3  }
0x11: {  	s7 =	sadd.s32 s7, s6;
	s6 =	sadd.s32 $0xF600, s8;
	s8 =	sadd.s32 s10, s15  }
0x12: {  	s10 =	sadd.s32 s13, s15;
	s13 =	simm.s32 $0x80;
	s15 =	simm.s32 $0x2900  }
0x13: {  	s5 =	sadd.s32 $0x5200, s7;
	s7 =	smax.u32 s12, $0x1;
	s12 =	simm.s32 $0x3  }
.LBB2_1:
0x14: {  	[spmem:s11], [sflag:s9] =	dma.local [hbm:s8], $0x2780  }
0x15: {  	_ =	swait.ge [sflag:s12], $0x2780  }
0x16: {  	[sflag:s12] =	ssyncset.done $0x0  }
0x17: {  	[sflag:s12] =	ssyncadd.s32 $0xFFFFD880  }
0x18: {  	[bflag:$0x0] =	sbarrier.arrive $0xFFFF  }
0x19: {  	[tilespmem:s3], [sflag:$0x3] =	stream.strided.gather [hbm4b:s5+s13], $0x2900, s14, s13, $0x38;
	[tilespmem:$0x1FD80] =	vst v63  }
0x1a: {  	_ =	swait.ge [sflag:s12], $0x2900  }
0x1b: {  	[sflag:s12] =	ssyncset.done $0x0  }
0x1c: {  	[sflag:s12] =	ssyncadd.s32 $0xFFFFD700  }
0x1d: {  	[tilespmem:s15], [sflag:$0x3] =	stream.linear.gather [hbm4b:s6+s3], $0x3200, $0x38;
	[tilespmem:$0x1FD80] =	vst v63  }
0x1e: {  	_ =	swait.ge [sflag:s12], $0x3200  }
0x1f: {  	[sflag:s12] =	ssyncset.done $0x0  }
0x20: {  	[sflag:s12] =	ssyncadd.s32 $0xFFFFCE00  }
0x21: {  	[tilespmem:s17], [sflag:$0x1] =	stream.indirect.gather [hbm4b:s4+s16], $0x80, s3, s16, $0xb8;
	[tilespmem:$0x1FD80] =	vst v63  }
0x22: {  	_ =	swait.ge [sflag:s18], $0x3200  }
0x23: {  	[sflag:s18] =	ssyncset.done $0x0  }
0x24: {  	s25 =	simm.s32 $0x68;
	[sflag:s18] =	ssyncadd.s32 $0xFFFFCE00  }
0x25: {  	[tilespmem:s19], [sflag:$0x2] =	stream.indirect.gather [hbm4b:s4+s16], $0x80, s25, s16, $0xb8;
	[tilespmem:$0x1FD80] =	vst v63  }
0x26: {  	s26 =	simm.s32 $0x2900  }
0x27: {  	[spmem:s2] =	stream.indirect.scatter.add.f32 [tilespmem:s17], [sflag:$0x3], $0x80, s26, s16, $0xb8;
	[tilespmem:$0x1FD80] =	vst v63  }
0x28: {  	_ =	swait.ge [sflag:s12], $0x3200  }
0x29: {  	[sflag:s12] =	ssyncset.done $0x0  }
0x2a: {  	s30 =	simm.s32 $0xD0;
	[sflag:s12] =	ssyncadd.s32 $0xFFFFCE00  }
0x2b: {  	[tilespmem:s17], [sflag:$0x1] =	stream.indirect.gather [hbm4b:s4+s16], $0x80, s30, s16, $0xb8;
	[tilespmem:$0x1FD80] =	vst v63  }
0x2c: {  	_ =	swait.ge [sflag:s20], $0x3200  }
0x2d: {  	[sflag:s20] =	ssyncset.done $0x0  }
0x2e: {  	s31 =	simm.s32 $0x2980;
	[sflag:s20] =	ssyncadd.s32 $0xFFFFCE00  }
0x2f: {  	[spmem:s2] =	stream.indirect.scatter.add.f32 [tilespmem:s19], [sflag:$0x3], $0x80, s31, s16, $0xb8;
	[tilespmem:$0x1FD80] =	vst v63  }
0x30: {  	_ =	swait.ge [sflag:s12], $0x3200  }
0x31: {  	s26 =	simm.s32 $0x400;
	[sflag:s12] =	ssyncset.done $0x0  }
.LBB2_2:
0x32: {  	p0 =	sne.s32 s26, $0xC000;
	[sflag:s12] =	ssyncadd.s32 $0xFFFFCE00;
	s25 =	sadd.s32 $0xD0, s25  }
0x33: {  	s28 =	smov.u32 s26;
	s26 =	sadd.s32 $0x400, s26;
	_ =	swait.ge [sflag:s18], $0x3200  }
0x34: {  	[sflag:s18] =	ssyncset.done $0x0  }
0x35: {  	s28 =	sshra.s32 s28, $0x2;
	[sflag:s18] =	ssyncadd.s32 $0xFFFFCE00  }
0x36: {  	[tilespmem:s19], [sflag:$0x2] =	stream.indirect.gather [hbm4b:s4+s16], $0x80, s25, s16, $0xb8;
	[tilespmem:$0x1FD80] =	vst v63  }
0x37: {  	s29 =	sadd.s32 $0x2900, s28  }
0x38: {  	[spmem:s2] =	stream.indirect.scatter.add.f32 [tilespmem:s17], [sflag:$0x3], $0x80, s29, s16, $0xb8;
	[tilespmem:$0x1FD80] =	vst v63  }
0x39: {  	_ =	swait.ge [sflag:s12], $0x3200  }
0x3a: {  	[sflag:s12] =	ssyncset.done $0x0  }
0x3b: {  	s29 =	sadd.s32 $0x68, s25;
	[sflag:s12] =	ssyncadd.s32 $0xFFFFCE00  }
0x3c: {  	[tilespmem:s17], [sflag:$0x1] =	stream.indirect.gather [hbm4b:s4+s16], $0x80, s29, s16, $0xb8;
	[tilespmem:$0x1FD80] =	vst v63  }
0x3d: {  	_ =	swait.ge [sflag:s20], $0x3200  }
.Ltmp0:
0x3e: {  	[sflag:s20] =	ssyncset.done $0x0;
	(pc) =	sbr.rel @p0 .LBB2_2-.Ltmp0, $4  }
0x3f: {  	s28 =	sadd.s32 $0x2980, s28;
	[sflag:s20] =	ssyncadd.s32 $0xFFFFCE00  }
0x40: {  	[spmem:s2] =	stream.indirect.scatter.add.f32 [tilespmem:s19], [sflag:$0x3], $0x80, s28, s16, $0xb8;
	[tilespmem:$0x1FD80] =	vst v63  }
0x41: {  	_ =	swait.ge [sflag:s12], $0x3200  }
0x42: {  	[sflag:s12] =	ssyncset.done $0x0  }
0x43: {  	[sflag:s12] =	ssyncadd.s32 $0xFFFFCE00  }
0x44: {  	_ =	swait.ge [sflag:s18], $0x3200  }
0x45: {  	[sflag:s18] =	ssyncset.done $0x0  }
0x46: {  	[sflag:s18] =	ssyncadd.s32 $0xFFFFCE00  }
0x47: {  	[tilespmem:s19], [sflag:$0x2] =	stream.indirect.gather [hbm4b:s4+s16], $0x80, s21, s16, $0xb8;
	[tilespmem:$0x1FD80] =	vst v63  }
0x48: {  	_ = 	snop  }
0x49: {  	[spmem:s2] =	stream.indirect.scatter.add.f32 [tilespmem:s17], [sflag:$0x3], $0x80, s22, s16, $0xb8;
	[tilespmem:$0x1FD80] =	vst v63  }
0x4a: {  	_ =	swait.ge [sflag:s12], $0x3200  }
0x4b: {  	[sflag:s12] =	ssyncset.done $0x0  }
0x4c: {  	[sflag:s12] =	ssyncadd.s32 $0xFFFFCE00  }
0x4d: {  	_ =	swait.ge [sflag:s20], $0x3200  }
0x4e: {  	[sflag:s20] =	ssyncset.done $0x0  }
0x4f: {  	[sflag:s20] =	ssyncadd.s32 $0xFFFFCE00  }
0x50: {  	[spmem:s2] =	stream.indirect.scatter.add.f32 [tilespmem:s19], [sflag:$0x3], $0x80, s23, s16, $0xb8;
	[tilespmem:$0x1FD80] =	vst v63  }
0x51: {  	_ =	swait.ge [sflag:s12], $0x3200  }
0x52: {  	s24 =	sadd.s32 $0x1, s24;
	[sflag:s12] =	ssyncset.done $0x0  }
0x53: {  	p0 =	sne.s32 s24, s7;
	[sflag:s12] =	ssyncadd.s32 $0xFFFFCE00  }
.Ltmp1:
0x54: {  	[bflag:$0x0] =	sbarrier.arrive $0xFFFF;
	(pc) =	sbr.rel @p0 .LBB2_1-.Ltmp1, $4  }
0x55: {  	[hbm:s10], [sflag:s9] =	dma.local [spmem:s11], $0x2780  }
0x56: {  	_ =	swait.ge [sflag:s12], $0x2780  }
0x57: {  	[sflag:s12] =	ssyncset.done $0x0  }
0x58: {  	[sflag:s12] =	ssyncadd.s32 $0xFFFFD880  }
0x59: {  	_ =	sfence.sel $0x180000  }
0x5a: {  	[bflag:$0x0] =	sbarrier.arrive $0xFFFF  }
0x5b: {  	p0 =	sne.s32 s0, $0x0;
	_ =	strace $0x90000053  }
0x5c: {  	s0 =	sadd.s32 @!p0 $0x100000, s1;
	[bflag:$0x2] =	sbarrier.arrive $0xFFFF  }
0x5d: {  	[sflag:s0] =	ssyncadd.tile.s32 @!p0 $0x1;
	_ =	shalt  }
.Lfunc_end2:
_tile_overlayer_lowered:
.L_overlay_start_2:
0x5e: {  	(tag) =	ssettag $0x2  }
0x5f: {  	s0 =	rddreg [dreg:$0x0];
	s2 =	stileid.u32  }
0x60: {  	s1 =	rddreg [dreg:$0x1];
	p0 =	sne.s32 s2, $0x0  }
0x61: {  	s3 =	rddreg [dreg:$0x2];
	[bflag:$0x3] =	sbarrier.arrive $0xFFFF;
	s2 =	simm.s32 @!p0 $0x1C03  }
0x62: {  	[timem:s3], [sflag:s2] =	dma.local @!p0 [hbm:s0], s1  }
0x63: {  	s0 =	simm.s32 @!p0 $0x3  }
0x64: {  	_ =	swait.ge @!p0 [sflag:s0], s1  }
0x65: {  	s1 =	ssub.s32 @!p0 $0x0, s1;
	[sflag:s0] =	ssyncset.done @!p0 $0x0  }
0x66: {  	[sflag:s0] =	ssyncadd.s32 @!p0 s1  }
0x67: {  	[bflag:$0x3] =	sbarrier.arrive $0xFFFF  }
0x68: {  	_ =	shalt  }

</sc_bundles>
